<compile_context>
chip_gen: v7x
topology: tpu7x:2x2x1
jax: 0.10.2.dev20260603
libtpu: 0.0.44.dev20260713+nightly
codegen_flags: <defaults>
</compile_context>

<pallas_src>
import functools

import jax
import jax.numpy as jnp
from jax import lax
from jax.experimental import pallas as pl
from jax.experimental.pallas import tpu as pltpu
from jax.experimental.pallas import tpu_sc as plsc

N = 10000
E = 320000

NC = 2
NS = 16
NW = NC * NS

BATCH = 128
NB = 80
E_PAD = NB * BATCH * NW

TRASH = N
N_PAD = 10112
STRIPE = N_PAD // NS
STRIPE_LAST = N - 15 * STRIPE

CH1 = (120, 120, 64)
CH2 = (120, 80)
CH3 = (16,)
BM = 400


def _sc_spmm(fc):
  mesh = plsc.VectorSubcoreMesh(core_axis_name="c", subcore_axis_name="s")

  @functools.partial(
      pl.kernel,
      out_type=jax.ShapeDtypeStruct((NC, N, fc), jnp.float32),
      mesh=mesh,
      compiler_params=pltpu.CompilerParams(use_tc_tiling_on_sc=False),
      scratch_types=[
          pltpu.VMEM((NB, 1, BATCH), jnp.int32),
          pltpu.VMEM((NB, 1, BATCH), jnp.int32),
          pltpu.VMEM((BATCH, fc), jnp.float32),
          pltpu.VMEM((BATCH, fc), jnp.float32),
          pltpu.VMEM_SHARED((N_PAD, fc), jnp.float32),
          pltpu.SemaphoreType.DMA,
          pltpu.SemaphoreType.DMA,
          pltpu.SemaphoreType.DMA,
          pltpu.SemaphoreType.DMA,
      ],
  )
  def kern(table, srcs, dsts, zeros, out,
           idx_s, idx_d, rows_a, rows_b, slab, g_a, g_b, s_a, s_b):
    c = lax.axis_index("c")
    s = lax.axis_index("s")
    wid = s * NC + c

    pltpu.sync_copy(srcs.at[wid], idx_s)
    pltpu.async_copy(table.at[idx_s.at[0, 0]], rows_a, g_a)
    pltpu.sync_copy(dsts.at[wid], idx_d)
    pltpu.sync_copy(zeros, slab.at[pl.ds(s * STRIPE, STRIPE)])
    plsc.subcore_barrier()


    def body(t, carry):
      j = 2 * t
      pltpu.make_async_copy(table.at[idx_s.at[j, 0]], rows_a, g_a).wait()
      pltpu.async_copy(rows_a, slab.at[idx_d.at[j, 0]], s_a, add=True)

      @pl.when(t > 0)
      def _():
        pltpu.make_async_copy(rows_b, slab.at[idx_d.at[j - 1, 0]],
                              s_b).wait()

      pltpu.async_copy(table.at[idx_s.at[j + 1, 0]], rows_b, g_b)

      pltpu.make_async_copy(table.at[idx_s.at[j + 1, 0]], rows_b,
                            g_b).wait()
      pltpu.async_copy(rows_b, slab.at[idx_d.at[j + 1, 0]], s_b, add=True)
      pltpu.make_async_copy(rows_a, slab.at[idx_d.at[j, 0]], s_a).wait()

      @pl.when(t < NB // 2 - 1)
      def _():
        pltpu.async_copy(table.at[idx_s.at[j + 2, 0]], rows_a, g_a)

      return carry

    lax.fori_loop(0, NB // 2, body, 0)
    pltpu.make_async_copy(rows_b, slab.at[idx_d.at[NB - 1, 0]],
                          s_b).wait()
    plsc.subcore_barrier()

    @pl.when(s < NS - 1)
    def _full():
      pltpu.sync_copy(slab.at[pl.ds(s * STRIPE, STRIPE)],
                      out.at[c, pl.ds(s * STRIPE, STRIPE)])

    @pl.when(s == NS - 1)
    def _last():
      pltpu.sync_copy(slab.at[pl.ds((NS - 1) * STRIPE, STRIPE_LAST)],
                      out.at[c, pl.ds((NS - 1) * STRIPE, STRIPE_LAST)])

  return kern


def _tc_matmul(x, ws):
  k = x.shape[1]

  def body(x_ref, *refs):
    w_refs, o_refs = refs[:len(ws)], refs[len(ws):]
    xb = x_ref[...]
    for w_ref, o_ref in zip(w_refs, o_refs):
      o_ref[...] = jnp.dot(xb, w_ref[...], preferred_element_type=jnp.float32)

  return pl.pallas_call(
      body,
      grid=(N // BM,),
      in_specs=[pl.BlockSpec((BM, k), lambda i: (i, 0))]
      + [pl.BlockSpec(w.shape, lambda i: (0, 0)) for w in ws],
      out_specs=[pl.BlockSpec((BM, w.shape[1]), lambda i: (i, 0))
                 for w in ws],
      out_shape=[jax.ShapeDtypeStruct((N, w.shape[1]), jnp.float32)
                 for w in ws],
  )(x, *ws)


def _tc_fuse_matmul(ps, bs, ws):
  ni, no = len(ps), len(ws[0])

  def body(*refs):
    p_refs = refs[:ni]
    b_refs = refs[ni:2 * ni]
    w_refs = refs[2 * ni:2 * ni + ni * no]
    o_refs = refs[2 * ni + ni * no:]
    hs = [jnp.maximum(p[0] + p[1] + b[0][None, :], 0.0)
          for p, b in zip(p_refs, b_refs)]
    for o in range(no):
      acc = jnp.dot(hs[0], w_refs[o][...],
                    preferred_element_type=jnp.float32)
      for i in range(1, ni):
        acc += jnp.dot(hs[i], w_refs[i * no + o][...],
                       preferred_element_type=jnp.float32)
      o_refs[o][...] = acc

  flat_ws = [ws[i][o] for i in range(ni) for o in range(no)]
  return pl.pallas_call(
      body,
      grid=(N // BM,),
      in_specs=(
          [pl.BlockSpec((NC, BM, p.shape[2]), lambda i: (0, i, 0))
           for p in ps]
          + [pl.BlockSpec(b.shape, lambda i: (0, 0)) for b in bs]
          + [pl.BlockSpec(w.shape, lambda i: (0, 0)) for w in flat_ws]),
      out_specs=[pl.BlockSpec((BM, w.shape[1]), lambda i: (i, 0))
                 for w in ws[0]],
      out_shape=[jax.ShapeDtypeStruct((N, w.shape[1]), jnp.float32)
                 for w in ws[0]],
  )(*ps, *bs, *flat_ws)


def _tc_softmax(p, bias, ncls):
  fc = p.shape[2]

  def body(p_ref, b_ref, o_ref):
    v = p_ref[0] + p_ref[1] + b_ref[0][None, :]
    mask = lax.broadcasted_iota(jnp.int32, (BM, fc), 1) < ncls
    v = jnp.where(mask, v, -1e30)
    v = v - jnp.max(v, axis=1, keepdims=True)
    e = jnp.exp(v)
    o_ref[...] = e / jnp.sum(e, axis=1, keepdims=True)

  return pl.pallas_call(
      body,
      grid=(N // BM,),
      in_specs=[
          pl.BlockSpec((NC, BM, fc), lambda i: (0, i, 0)),
          pl.BlockSpec((1, fc), lambda i: (0, 0)),
      ],
      out_specs=pl.BlockSpec((BM, fc), lambda i: (i, 0)),
      out_shape=jax.ShapeDtypeStruct((N, fc), jnp.float32),
  )(p, bias)


def _chunk_cols(w, chunks):
  out, c0 = [], 0
  for fc in chunks:
    blk = w[:, c0:min(c0 + fc, w.shape[1])]
    if blk.shape[1] < fc:
      blk = jnp.pad(blk, ((0, 0), (0, fc - blk.shape[1])))
    out.append(blk)
    c0 += fc
  return out


def _chunk_bias(b, chunks):
  out, c0 = [], 0
  for fc in chunks:
    blk = b[c0:min(c0 + fc, b.shape[0])]
    if blk.shape[0] < fc:
      blk = jnp.pad(blk, (0, fc - blk.shape[0]))
    out.append(blk.reshape(1, fc))
    c0 += fc
  return out


def kernel(x, adj, W1, b1, W2, b2, W3, b3):
  pad = E_PAD - E
  src = jnp.concatenate(
      [adj[0], (jnp.arange(pad, dtype=jnp.int32) * 997) % N])
  dst = jnp.concatenate(
      [adj[1], jnp.full((pad,), TRASH, dtype=jnp.int32)])
  srcs = src.reshape(NW, NB, 1, BATCH)
  dsts = dst.reshape(NW, NB, 1, BATCH)

  zeros = {fc: jnp.zeros((STRIPE, fc), jnp.float32)
           for fc in set(CH1 + CH2 + CH3)}
  spmm = {fc: _sc_spmm(fc) for fc in set(CH1 + CH2 + CH3)}

  w1c = _chunk_cols(W1, CH1)
  b1c = _chunk_bias(b1, CH1)
  w2rows = _chunk_cols(W2.T, CH1)
  w2c = [ _chunk_cols(r.T, CH2) for r in w2rows ]
  b2c = _chunk_bias(b2, CH2)
  w3rows = _chunk_cols(W3.T, CH2)
  w3c = [ _chunk_cols(r.T, CH3) for r in w3rows ]
  b3c = _chunk_bias(b3, CH3)

  s1 = _tc_matmul(x, w1c)
  p1 = [spmm[fc](s, srcs, dsts, zeros[fc]) for fc, s in zip(CH1, s1)]

  s2 = _tc_fuse_matmul(p1, b1c, w2c)
  p2 = [spmm[fc](s, srcs, dsts, zeros[fc]) for fc, s in zip(CH2, s2)]

  s3 = _tc_fuse_matmul(p2, b2c, w3c)
  p3 = spmm[CH3[0]](s3[0], srcs, dsts, zeros[CH3[0]])

  out = _tc_softmax(p3, b3c[0], ncls=7)
  return out[:, :7]

# --- scband reference (transcript-rebuilt; emitter-appended) ---
"""Pipeline reference for scband-cora-gcn-method-70755291234414 (READ-ONLY COPY).

The authoritative reference and input builder live on the scoring server;
editing this copy changes nothing except your own understanding.
"""

import jax, jax.numpy as jnp
import numpy as np

N = 10000
E = 320000
NFEAT = 128
HIDDEN1 = 300
HIDDEN2 = 200
NCLASS = 7


def setup_inputs(seed: int = 0) -> dict:
    key = jax.random.key(seed)
    ks = jax.random.split(key, 9)
    x = jax.random.normal(ks[0], (N, NFEAT), dtype=jnp.float32)
    adj = jax.random.randint(ks[1], (2, E), 0, N, dtype=jnp.int32)
    W1 = jax.random.normal(ks[2], (NFEAT, HIDDEN1), dtype=jnp.float32) * (1.0 / np.sqrt(NFEAT))
    b1 = jnp.zeros((HIDDEN1,), dtype=jnp.float32)
    W2 = jax.random.normal(ks[3], (HIDDEN1, HIDDEN2), dtype=jnp.float32) * (1.0 / np.sqrt(HIDDEN1))
    b2 = jnp.zeros((HIDDEN2,), dtype=jnp.float32)
    W3 = jax.random.normal(ks[4], (HIDDEN2, NCLASS), dtype=jnp.float32) * (1.0 / np.sqrt(HIDDEN2))
    b3 = jnp.zeros((NCLASS,), dtype=jnp.float32)
    return {"x": x, "adj": adj, "W1": W1, "b1": b1, "W2": W2, "b2": b2, "W3": W3, "b3": b3}


def _spmm(edge_index, h, n):
    # sparse adjacency (COO, values=1) times dense h: gather from src, scatter-add to dst
    src = edge_index[0]
    dst = edge_index[1]
    return jax.ops.segment_sum(h[src], dst, num_segments=n)


def _gcn_layer(x, adj, W, b, n):
    support = x @ W
    return _spmm(adj, support, n) + b


def reference(x, adj, W1, b1, W2, b2, W3, b3):
    h1 = jax.nn.relu(_gcn_layer(x, adj, W1, b1, N))
    h2 = jax.nn.relu(_gcn_layer(h1, adj, W2, b2, N))
    h3 = jax.nn.softmax(_gcn_layer(h2, adj, W3, b3, N), axis=1)
    return h3

if __name__ == "__main__":
    import jax
    _d = setup_inputs()
    print(jax.jit(kernel)(*tuple(_d.values())))

</pallas_src>

<mosaic_0001>
#map = affine_map<(d0, d1) -> (0, 0)>
#map1 = affine_map<(d0, d1) -> (0, 0, 0, 0)>
#map2 = affine_map<(d0, d1) -> (0, 0, 0)>
module attributes {stable_mosaic.version = 14 : i64} {
  func.func @kern(%arg0: i32, %arg1: i32, %arg2: memref<10000x120xf32, #tpu.memory_space<hbm>>, %arg3: memref<32x80x1x128xi32, #tpu.memory_space<hbm>>, %arg4: memref<32x80x1x128xi32, #tpu.memory_space<hbm>>, %arg5: memref<632x120xf32, #tpu.memory_space<hbm>>, %arg6: memref<2x10000x120xf32, #tpu.memory_space<hbm>>, %arg7: memref<80x1x128xi32, #tpu.memory_space<vmem>>, %arg8: memref<80x1x128xi32, #tpu.memory_space<vmem>>, %arg9: memref<128x120xf32, #tpu.memory_space<vmem>>, %arg10: memref<128x120xf32, #tpu.memory_space<vmem>>, %arg11: memref<10112x120xf32, #tpu.memory_space<vmem_shared>>, %arg12: memref<!tpu.dma_semaphore, #tpu.memory_space<semaphore_mem>>, %arg13: memref<!tpu.dma_semaphore, #tpu.memory_space<semaphore_mem>>, %arg14: memref<!tpu.dma_semaphore, #tpu.memory_space<semaphore_mem>>, %arg15: memref<!tpu.dma_semaphore, #tpu.memory_space<semaphore_mem>>) attributes {dimension_semantics = [#tpu.dimension_semantics<core_parallel>, #tpu.dimension_semantics<subcore_parallel>], iteration_bounds = array<i64: 2, 16>, scalar_prefetch = 0 : i64, scratch_operands = 9 : i64, tpu.core_type = #tpu.core_type<sc_vector_subcore>, window_params = [{transform_indices = #map}, {transform_indices = #map1}, {transform_indices = #map1}, {transform_indices = #map}, {transform_indices = #map2}]} {
    %mul3A = arith.constant 2 : i32
    %mul3A_0 = arith.muli %arg1, %mul3A : i32
    %add3A = arith.addi %mul3A_0, %arg0 : i32
    "tpu.region"() ({
      %run_scoped3A = tpu.sem_alloc : memref<!tpu.dma_semaphore, #tpu.memory_space<semaphore_mem>>
      %dma_start3A_29 = arith.constant 0 : i32
      %dma_start3A_30 = arith.constant 0 : i32
      %dma_start3A_31 = arith.constant 0 : i32
      %dma_start3A_32 = tpu.memref_slice %arg3[%add3A, %dma_start3A_29, %dma_start3A_30, %dma_start3A_31] : memref<32x80x1x128xi32, #tpu.memory_space<hbm>> -> memref<1x80x1x128xi32, #tpu.memory_space<hbm>>
      %dma_start3A_33 = tpu.memref_squeeze %dma_start3A_32 : memref<1x80x1x128xi32, #tpu.memory_space<hbm>> -> memref<80x1x128xi32, #tpu.memory_space<hbm>>
      %dma_start3A_34 = arith.constant 0 : i32
      %dma_start3A_35 = arith.constant 0 : i32
      %dma_start3A_36 = arith.constant 0 : i32
      %dma_start3A_37 = tpu.memref_slice %arg3[%add3A, %dma_start3A_34, %dma_start3A_35, %dma_start3A_36] : memref<32x80x1x128xi32, #tpu.memory_space<hbm>> -> memref<1x80x1x128xi32, #tpu.memory_space<hbm>>
      %dma_start3A_38 = tpu.memref_squeeze %dma_start3A_37 : memref<1x80x1x128xi32, #tpu.memory_space<hbm>> -> memref<80x1x128xi32, #tpu.memory_space<hbm>>
      tpu.enqueue_dma source(%dma_start3A_38 : memref<80x1x128xi32, #tpu.memory_space<hbm>>) target(%arg7 : memref<80x1x128xi32, #tpu.memory_space<vmem>>) target_semaphore(%run_scoped3A : memref<!tpu.dma_semaphore, #tpu.memory_space<semaphore_mem>>)
      %dma_wait3A_39 = arith.constant 0 : i32
      %dma_wait3A_40 = arith.constant 0 : i32
      %dma_wait3A_41 = arith.constant 0 : i32
      %dma_wait3A_42 = tpu.memref_slice %arg3[%add3A, %dma_wait3A_39, %dma_wait3A_40, %dma_wait3A_41] : memref<32x80x1x128xi32, #tpu.memory_space<hbm>> -> memref<1x80x1x128xi32, #tpu.memory_space<hbm>>
      %dma_wait3A_43 = tpu.memref_squeeze %dma_wait3A_42 : memref<1x80x1x128xi32, #tpu.memory_space<hbm>> -> memref<80x1x128xi32, #tpu.memory_space<hbm>>
      %dma_wait3A_44 = arith.constant 0 : i32
      %dma_wait3A_45 = arith.constant 0 : i32
      %dma_wait3A_46 = arith.constant 0 : i32
      %dma_wait3A_47 = tpu.memref_slice %arg3[%add3A, %dma_wait3A_44, %dma_wait3A_45, %dma_wait3A_46] : memref<32x80x1x128xi32, #tpu.memory_space<hbm>> -> memref<1x80x1x128xi32, #tpu.memory_space<hbm>>
      %dma_wait3A_48 = tpu.memref_squeeze %dma_wait3A_47 : memref<1x80x1x128xi32, #tpu.memory_space<hbm>> -> memref<80x1x128xi32, #tpu.memory_space<hbm>>
      tpu.wait_dma2 semaphore(%run_scoped3A : memref<!tpu.dma_semaphore, #tpu.memory_space<semaphore_mem>>) src(%dma_wait3A_48 : memref<80x1x128xi32, #tpu.memory_space<hbm>>) dst(%arg7 : memref<80x1x128xi32, #tpu.memory_space<vmem>>)
      tpu.yield
    }) : () -> ()
    %dma_start3A = arith.constant 0 : i32
    %dma_start3A_1 = arith.constant 0 : i32
    %dma_start3A_2 = arith.constant 0 : i32
    %dma_start3A_3 = tpu.memref_slice %arg7[%dma_start3A, %dma_start3A_1, %dma_start3A_2] : memref<80x1x128xi32, #tpu.memory_space<vmem>> -> memref<1x1x128xi32, #tpu.memory_space<vmem>>
    %dma_start3A_4 = tpu.memref_squeeze %dma_start3A_3 : memref<1x1x128xi32, #tpu.memory_space<vmem>> -> memref<128xi32, #tpu.memory_space<vmem>>
    %dma_start3A_5 = arith.constant 0 : i32
    %dma_start3A_6 = arith.constant 0 : i32
    %dma_start3A_7 = tpu.memref_slice %arg2[%dma_start3A_5, %dma_start3A_6] : memref<10000x120xf32, #tpu.memory_space<hbm>> -> memref<10000x120xf32, #tpu.memory_space<hbm>>
    tpu.enqueue_indirect_dma source(%dma_start3A_7 : memref<10000x120xf32, #tpu.memory_space<hbm>>) target(%arg9 : memref<128x120xf32, #tpu.memory_space<vmem>>) offsets(%dma_start3A_4 : memref<128xi32, #tpu.memory_space<vmem>>) semaphore(%arg12 : memref<!tpu.dma_semaphore, #tpu.memory_space<semaphore_mem>>)
    "tpu.region"() ({
      %run_scoped3A = tpu.sem_alloc : memref<!tpu.dma_semaphore, #tpu.memory_space<semaphore_mem>>
      %dma_start3A_29 = arith.constant 0 : i32
      %dma_start3A_30 = arith.constant 0 : i32
      %dma_start3A_31 = arith.constant 0 : i32
      %dma_start3A_32 = tpu.memref_slice %arg4[%add3A, %dma_start3A_29, %dma_start3A_30, %dma_start3A_31] : memref<32x80x1x128xi32, #tpu.memory_space<hbm>> -> memref<1x80x1x128xi32, #tpu.memory_space<hbm>>
      %dma_start3A_33 = tpu.memref_squeeze %dma_start3A_32 : memref<1x80x1x128xi32, #tpu.memory_space<hbm>> -> memref<80x1x128xi32, #tpu.memory_space<hbm>>
      %dma_start3A_34 = arith.constant 0 : i32
      %dma_start3A_35 = arith.constant 0 : i32
      %dma_start3A_36 = arith.constant 0 : i32
      %dma_start3A_37 = tpu.memref_slice %arg4[%add3A, %dma_start3A_34, %dma_start3A_35, %dma_start3A_36] : memref<32x80x1x128xi32, #tpu.memory_space<hbm>> -> memref<1x80x1x128xi32, #tpu.memory_space<hbm>>
      %dma_start3A_38 = tpu.memref_squeeze %dma_start3A_37 : memref<1x80x1x128xi32, #tpu.memory_space<hbm>> -> memref<80x1x128xi32, #tpu.memory_space<hbm>>
      tpu.enqueue_dma source(%dma_start3A_38 : memref<80x1x128xi32, #tpu.memory_space<hbm>>) target(%arg8 : memref<80x1x128xi32, #tpu.memory_space<vmem>>) target_semaphore(%run_scoped3A : memref<!tpu.dma_semaphore, #tpu.memory_space<semaphore_mem>>)
      %dma_wait3A_39 = arith.constant 0 : i32
      %dma_wait3A_40 = arith.constant 0 : i32
      %dma_wait3A_41 = arith.constant 0 : i32
      %dma_wait3A_42 = tpu.memref_slice %arg4[%add3A, %dma_wait3A_39, %dma_wait3A_40, %dma_wait3A_41] : memref<32x80x1x128xi32, #tpu.memory_space<hbm>> -> memref<1x80x1x128xi32, #tpu.memory_space<hbm>>
      %dma_wait3A_43 = tpu.memref_squeeze %dma_wait3A_42 : memref<1x80x1x128xi32, #tpu.memory_space<hbm>> -> memref<80x1x128xi32, #tpu.memory_space<hbm>>
      %dma_wait3A_44 = arith.constant 0 : i32
      %dma_wait3A_45 = arith.constant 0 : i32
      %dma_wait3A_46 = arith.constant 0 : i32
      %dma_wait3A_47 = tpu.memref_slice %arg4[%add3A, %dma_wait3A_44, %dma_wait3A_45, %dma_wait3A_46] : memref<32x80x1x128xi32, #tpu.memory_space<hbm>> -> memref<1x80x1x128xi32, #tpu.memory_space<hbm>>
      %dma_wait3A_48 = tpu.memref_squeeze %dma_wait3A_47 : memref<1x80x1x128xi32, #tpu.memory_space<hbm>> -> memref<80x1x128xi32, #tpu.memory_space<hbm>>
      tpu.wait_dma2 semaphore(%run_scoped3A : memref<!tpu.dma_semaphore, #tpu.memory_space<semaphore_mem>>) src(%dma_wait3A_48 : memref<80x1x128xi32, #tpu.memory_space<hbm>>) dst(%arg8 : memref<80x1x128xi32, #tpu.memory_space<vmem>>)
      tpu.yield
    }) : () -> ()
    %mul3A_8 = arith.constant 632 : i32
    %mul3A_9 = arith.muli %arg1, %mul3A_8 : i32
    "tpu.region"() ({
      %run_scoped3A = tpu.sem_alloc : memref<!tpu.dma_semaphore, #tpu.memory_space<semaphore_mem>>
      %dma_start3A_29 = arith.constant 0 : i32
      %dma_start3A_30 = tpu.memref_slice %arg11[%mul3A_9, %dma_start3A_29] : memref<10112x120xf32, #tpu.memory_space<vmem_shared>> -> memref<632x120xf32, #tpu.memory_space<vmem_shared>>
      tpu.enqueue_dma source(%arg5 : memref<632x120xf32, #tpu.memory_space<hbm>>) target(%dma_start3A_30 : memref<632x120xf32, #tpu.memory_space<vmem_shared>>) target_semaphore(%run_scoped3A : memref<!tpu.dma_semaphore, #tpu.memory_space<semaphore_mem>>)
      %dma_wait3A_31 = arith.constant 0 : i32
      %dma_wait3A_32 = tpu.memref_slice %arg11[%mul3A_9, %dma_wait3A_31] : memref<10112x120xf32, #tpu.memory_space<vmem_shared>> -> memref<632x120xf32, #tpu.memory_space<vmem_shared>>
      tpu.wait_dma2 semaphore(%run_scoped3A : memref<!tpu.dma_semaphore, #tpu.memory_space<semaphore_mem>>) src(%arg5 : memref<632x120xf32, #tpu.memory_space<hbm>>) dst(%dma_wait3A_32 : memref<632x120xf32, #tpu.memory_space<vmem_shared>>)
      tpu.yield
    }) : () -> ()
    %barrier3A = arith.constant 0 : index
    tpu.barrier barrier_id(%barrier3A)
    %scan3A = arith.constant 0 : i32
    %scan3A_10 = arith.constant 0 : i32
    %scan3A_11 = arith.constant 40 : i32
    %scan3A_12 = arith.addi %scan3A_10, %scan3A_11 : i32
    %scan3A_13 = arith.constant 1 : i32
    scf.for %scan3A_29 = %scan3A_10 to %scan3A_12 step %scan3A_13  : i32 {
      %mul3A_30 = arith.constant 2 : i32
      %mul3A_31 = arith.muli %mul3A_30, %scan3A_29 : i32
      %dma_wait3A_32 = arith.constant 0 : i32
      %dma_wait3A_33 = arith.constant 0 : i32
      %dma_wait3A_34 = tpu.memref_slice %arg7[%mul3A_31, %dma_wait3A_32, %dma_wait3A_33] : memref<80x1x128xi32, #tpu.memory_space<vmem>> -> memref<1x1x128xi32, #tpu.memory_space<vmem>>
      %dma_wait3A_35 = tpu.memref_squeeze %dma_wait3A_34 : memref<1x1x128xi32, #tpu.memory_space<vmem>> -> memref<128xi32, #tpu.memory_space<vmem>>
      %dma_wait3A_36 = arith.constant 0 : i32
      %dma_wait3A_37 = arith.constant 0 : i32
      %dma_wait3A_38 = tpu.memref_slice %arg2[%dma_wait3A_36, %dma_wait3A_37] : memref<10000x120xf32, #tpu.memory_space<hbm>> -> memref<10000x120xf32, #tpu.memory_space<hbm>>
      tpu.wait_indirect_dma semaphore(%arg12 : memref<!tpu.dma_semaphore, #tpu.memory_space<semaphore_mem>>) src(%dma_wait3A_38 : memref<10000x120xf32, #tpu.memory_space<hbm>>) dst(%arg9 : memref<128x120xf32, #tpu.memory_space<vmem>>)
      %dma_start3A_39 = arith.constant 0 : i32
      %dma_start3A_40 = arith.constant 0 : i32
      %dma_start3A_41 = tpu.memref_slice %arg8[%mul3A_31, %dma_start3A_39, %dma_start3A_40] : memref<80x1x128xi32, #tpu.memory_space<vmem>> -> memref<1x1x128xi32, #tpu.memory_space<vmem>>
      %dma_start3A_42 = tpu.memref_squeeze %dma_start3A_41 : memref<1x1x128xi32, #tpu.memory_space<vmem>> -> memref<128xi32, #tpu.memory_space<vmem>>
      %dma_start3A_43 = arith.constant 0 : i32
      %dma_start3A_44 = arith.constant 0 : i32
      %dma_start3A_45 = tpu.memref_slice %arg11[%dma_start3A_43, %dma_start3A_44] : memref<10112x120xf32, #tpu.memory_space<vmem_shared>> -> memref<10112x120xf32, #tpu.memory_space<vmem_shared>>
      tpu.enqueue_indirect_dma source(%arg9 : memref<128x120xf32, #tpu.memory_space<vmem>>) target(%dma_start3A_45 : memref<10112x120xf32, #tpu.memory_space<vmem_shared>>) offsets(%dma_start3A_42 : memref<128xi32, #tpu.memory_space<vmem>>) semaphore(%arg14 : memref<!tpu.dma_semaphore, #tpu.memory_space<semaphore_mem>>) {add = true}
      %gt3A = arith.constant 0 : i32
      %gt3A_46 = arith.cmpi sgt, %scan3A_29, %gt3A : i32
      %convert_element_type3A_47 = arith.extui %gt3A_46 : i1 to i32
      %cond3A_48 = arith.constant 0 : i32
      %cond3A_49 = arith.cmpi ne, %convert_element_type3A_47, %cond3A_48 : i32
      scf.if %cond3A_49 {
        %sub3A = arith.constant 1 : i32
        %sub3A_89 = arith.subi %mul3A_31, %sub3A : i32
        %dma_wait3A_90 = arith.constant 0 : i32
        %dma_wait3A_91 = arith.constant 0 : i32
        %dma_wait3A_92 = tpu.memref_slice %arg8[%sub3A_89, %dma_wait3A_90, %dma_wait3A_91] : memref<80x1x128xi32, #tpu.memory_space<vmem>> -> memref<1x1x128xi32, #tpu.memory_space<vmem>>
        %dma_wait3A_93 = tpu.memref_squeeze %dma_wait3A_92 : memref<1x1x128xi32, #tpu.memory_space<vmem>> -> memref<128xi32, #tpu.memory_space<vmem>>
        %dma_wait3A_94 = arith.constant 0 : i32
        %dma_wait3A_95 = arith.constant 0 : i32
        %dma_wait3A_96 = tpu.memref_slice %arg11[%dma_wait3A_94, %dma_wait3A_95] : memref<10112x120xf32, #tpu.memory_space<vmem_shared>> -> memref<10112x120xf32, #tpu.memory_space<vmem_shared>>
        tpu.wait_indirect_dma semaphore(%arg15 : memref<!tpu.dma_semaphore, #tpu.memory_space<semaphore_mem>>) src(%arg10 : memref<128x120xf32, #tpu.memory_space<vmem>>) dst(%dma_wait3A_96 : memref<10112x120xf32, #tpu.memory_space<vmem_shared>>)
      } else {
      }
      %add3A_50 = arith.constant 1 : i32
      %add3A_51 = arith.addi %mul3A_31, %add3A_50 : i32
      %dma_start3A_52 = arith.constant 0 : i32
      %dma_start3A_53 = arith.constant 0 : i32
      %dma_start3A_54 = tpu.memref_slice %arg7[%add3A_51, %dma_start3A_52, %dma_start3A_53] : memref<80x1x128xi32, #tpu.memory_space<vmem>> -> memref<1x1x128xi32, #tpu.memory_space<vmem>>
      %dma_start3A_55 = tpu.memref_squeeze %dma_start3A_54 : memref<1x1x128xi32, #tpu.memory_space<vmem>> -> memref<128xi32, #tpu.memory_space<vmem>>
      %dma_start3A_56 = arith.constant 0 : i32
      %dma_start3A_57 = arith.constant 0 : i32
      %dma_start3A_58 = tpu.memref_slice %arg2[%dma_start3A_56, %dma_start3A_57] : memref<10000x120xf32, #tpu.memory_space<hbm>> -> memref<10000x120xf32, #tpu.memory_space<hbm>>
      tpu.enqueue_indirect_dma source(%dma_start3A_58 : memref<10000x120xf32, #tpu.memory_space<hbm>>) target(%arg10 : memref<128x120xf32, #tpu.memory_space<vmem>>) offsets(%dma_start3A_55 : memref<128xi32, #tpu.memory_space<vmem>>) semaphore(%arg13 : memref<!tpu.dma_semaphore, #tpu.memory_space<semaphore_mem>>)
      %add3A_59 = arith.constant 1 : i32
      %add3A_60 = arith.addi %mul3A_31, %add3A_59 : i32
      %dma_wait3A_61 = arith.constant 0 : i32
      %dma_wait3A_62 = arith.constant 0 : i32
      %dma_wait3A_63 = tpu.memref_slice %arg7[%add3A_60, %dma_wait3A_61, %dma_wait3A_62] : memref<80x1x128xi32, #tpu.memory_space<vmem>> -> memref<1x1x128xi32, #tpu.memory_space<vmem>>
      %dma_wait3A_64 = tpu.memref_squeeze %dma_wait3A_63 : memref<1x1x128xi32, #tpu.memory_space<vmem>> -> memref<128xi32, #tpu.memory_space<vmem>>
      %dma_wait3A_65 = arith.constant 0 : i32
      %dma_wait3A_66 = arith.constant 0 : i32
      %dma_wait3A_67 = tpu.memref_slice %arg2[%dma_wait3A_65, %dma_wait3A_66] : memref<10000x120xf32, #tpu.memory_space<hbm>> -> memref<10000x120xf32, #tpu.memory_space<hbm>>
      tpu.wait_indirect_dma semaphore(%arg13 : memref<!tpu.dma_semaphore, #tpu.memory_space<semaphore_mem>>) src(%dma_wait3A_67 : memref<10000x120xf32, #tpu.memory_space<hbm>>) dst(%arg10 : memref<128x120xf32, #tpu.memory_space<vmem>>)
      %add3A_68 = arith.constant 1 : i32
      %add3A_69 = arith.addi %mul3A_31, %add3A_68 : i32
      %dma_start3A_70 = arith.constant 0 : i32
      %dma_start3A_71 = arith.constant 0 : i32
      %dma_start3A_72 = tpu.memref_slice %arg8[%add3A_69, %dma_start3A_70, %dma_start3A_71] : memref<80x1x128xi32, #tpu.memory_space<vmem>> -> memref<1x1x128xi32, #tpu.memory_space<vmem>>
      %dma_start3A_73 = tpu.memref_squeeze %dma_start3A_72 : memref<1x1x128xi32, #tpu.memory_space<vmem>> -> memref<128xi32, #tpu.memory_space<vmem>>
      %dma_start3A_74 = arith.constant 0 : i32
      %dma_start3A_75 = arith.constant 0 : i32
      %dma_start3A_76 = tpu.memref_slice %arg11[%dma_start3A_74, %dma_start3A_75] : memref<10112x120xf32, #tpu.memory_space<vmem_shared>> -> memref<10112x120xf32, #tpu.memory_space<vmem_shared>>
      tpu.enqueue_indirect_dma source(%arg10 : memref<128x120xf32, #tpu.memory_space<vmem>>) target(%dma_start3A_76 : memref<10112x120xf32, #tpu.memory_space<vmem_shared>>) offsets(%dma_start3A_73 : memref<128xi32, #tpu.memory_space<vmem>>) semaphore(%arg15 : memref<!tpu.dma_semaphore, #tpu.memory_space<semaphore_mem>>) {add = true}
      %dma_wait3A_77 = arith.constant 0 : i32
      %dma_wait3A_78 = arith.constant 0 : i32
      %dma_wait3A_79 = tpu.memref_slice %arg8[%mul3A_31, %dma_wait3A_77, %dma_wait3A_78] : memref<80x1x128xi32, #tpu.memory_space<vmem>> -> memref<1x1x128xi32, #tpu.memory_space<vmem>>
      %dma_wait3A_80 = tpu.memref_squeeze %dma_wait3A_79 : memref<1x1x128xi32, #tpu.memory_space<vmem>> -> memref<128xi32, #tpu.memory_space<vmem>>
      %dma_wait3A_81 = arith.constant 0 : i32
      %dma_wait3A_82 = arith.constant 0 : i32
      %dma_wait3A_83 = tpu.memref_slice %arg11[%dma_wait3A_81, %dma_wait3A_82] : memref<10112x120xf32, #tpu.memory_space<vmem_shared>> -> memref<10112x120xf32, #tpu.memory_space<vmem_shared>>
      tpu.wait_indirect_dma semaphore(%arg14 : memref<!tpu.dma_semaphore, #tpu.memory_space<semaphore_mem>>) src(%arg9 : memref<128x120xf32, #tpu.memory_space<vmem>>) dst(%dma_wait3A_83 : memref<10112x120xf32, #tpu.memory_space<vmem_shared>>)
      %lt3A_84 = arith.constant 39 : i32
      %lt3A_85 = arith.cmpi slt, %scan3A_29, %lt3A_84 : i32
      %convert_element_type3A_86 = arith.extui %lt3A_85 : i1 to i32
      %cond3A_87 = arith.constant 0 : i32
      %cond3A_88 = arith.cmpi ne, %convert_element_type3A_86, %cond3A_87 : i32
      scf.if %cond3A_88 {
        %add3A_89 = arith.constant 2 : i32
        %add3A_90 = arith.addi %mul3A_31, %add3A_89 : i32
        %dma_start3A_91 = arith.constant 0 : i32
        %dma_start3A_92 = arith.constant 0 : i32
        %dma_start3A_93 = tpu.memref_slice %arg7[%add3A_90, %dma_start3A_91, %dma_start3A_92] : memref<80x1x128xi32, #tpu.memory_space<vmem>> -> memref<1x1x128xi32, #tpu.memory_space<vmem>>
        %dma_start3A_94 = tpu.memref_squeeze %dma_start3A_93 : memref<1x1x128xi32, #tpu.memory_space<vmem>> -> memref<128xi32, #tpu.memory_space<vmem>>
        %dma_start3A_95 = arith.constant 0 : i32
        %dma_start3A_96 = arith.constant 0 : i32
        %dma_start3A_97 = tpu.memref_slice %arg2[%dma_start3A_95, %dma_start3A_96] : memref<10000x120xf32, #tpu.memory_space<hbm>> -> memref<10000x120xf32, #tpu.memory_space<hbm>>
        tpu.enqueue_indirect_dma source(%dma_start3A_97 : memref<10000x120xf32, #tpu.memory_space<hbm>>) target(%arg9 : memref<128x120xf32, #tpu.memory_space<vmem>>) offsets(%dma_start3A_94 : memref<128xi32, #tpu.memory_space<vmem>>) semaphore(%arg12 : memref<!tpu.dma_semaphore, #tpu.memory_space<semaphore_mem>>)
      } else {
      }
    }
    %scan3A_14 = arith.constant 40 : i32
    %dma_wait3A = arith.constant 79 : i32
    %dma_wait3A_15 = arith.constant 0 : i32
    %dma_wait3A_16 = arith.constant 0 : i32
    %dma_wait3A_17 = tpu.memref_slice %arg8[%dma_wait3A, %dma_wait3A_15, %dma_wait3A_16] : memref<80x1x128xi32, #tpu.memory_space<vmem>> -> memref<1x1x128xi32, #tpu.memory_space<vmem>>
    %dma_wait3A_18 = tpu.memref_squeeze %dma_wait3A_17 : memref<1x1x128xi32, #tpu.memory_space<vmem>> -> memref<128xi32, #tpu.memory_space<vmem>>
    %dma_wait3A_19 = arith.constant 0 : i32
    %dma_wait3A_20 = arith.constant 0 : i32
    %dma_wait3A_21 = tpu.memref_slice %arg11[%dma_wait3A_19, %dma_wait3A_20] : memref<10112x120xf32, #tpu.memory_space<vmem_shared>> -> memref<10112x120xf32, #tpu.memory_space<vmem_shared>>
    tpu.wait_indirect_dma semaphore(%arg15 : memref<!tpu.dma_semaphore, #tpu.memory_space<semaphore_mem>>) src(%arg10 : memref<128x120xf32, #tpu.memory_space<vmem>>) dst(%dma_wait3A_21 : memref<10112x120xf32, #tpu.memory_space<vmem_shared>>)
    %barrier3A_22 = arith.constant 0 : index
    tpu.barrier barrier_id(%barrier3A_22)
    %lt3A = arith.constant 15 : i32
    %lt3A_23 = arith.cmpi slt, %arg1, %lt3A : i32
    %convert_element_type3A = arith.extui %lt3A_23 : i1 to i32
    %cond3A = arith.constant 0 : i32
    %cond3A_24 = arith.cmpi ne, %convert_element_type3A, %cond3A : i32
    scf.if %cond3A_24 {
      %mul3A_29 = arith.constant 632 : i32
      %mul3A_30 = arith.muli %arg1, %mul3A_29 : i32
      %mul3A_31 = arith.constant 632 : i32
      %mul3A_32 = arith.muli %arg1, %mul3A_31 : i32
      "tpu.region"() ({
        %run_scoped3A = tpu.sem_alloc : memref<!tpu.dma_semaphore, #tpu.memory_space<semaphore_mem>>
        %dma_start3A_33 = arith.constant 0 : i32
        %dma_start3A_34 = tpu.memref_slice %arg6[%arg0, %mul3A_32, %dma_start3A_33] : memref<2x10000x120xf32, #tpu.memory_space<hbm>> -> memref<1x632x120xf32, #tpu.memory_space<hbm>>
        %dma_start3A_35 = tpu.memref_squeeze %dma_start3A_34 : memref<1x632x120xf32, #tpu.memory_space<hbm>> -> memref<632x120xf32, #tpu.memory_space<hbm>>
        %dma_start3A_36 = arith.constant 0 : i32
        %dma_start3A_37 = tpu.memref_slice %arg11[%mul3A_30, %dma_start3A_36] : memref<10112x120xf32, #tpu.memory_space<vmem_shared>> -> memref<632x120xf32, #tpu.memory_space<vmem_shared>>
        tpu.enqueue_dma source(%dma_start3A_37 : memref<632x120xf32, #tpu.memory_space<vmem_shared>>) target(%dma_start3A_35 : memref<632x120xf32, #tpu.memory_space<hbm>>) target_semaphore(%run_scoped3A : memref<!tpu.dma_semaphore, #tpu.memory_space<semaphore_mem>>)
        %dma_wait3A_38 = arith.constant 0 : i32
        %dma_wait3A_39 = tpu.memref_slice %arg6[%arg0, %mul3A_32, %dma_wait3A_38] : memref<2x10000x120xf32, #tpu.memory_space<hbm>> -> memref<1x632x120xf32, #tpu.memory_space<hbm>>
        %dma_wait3A_40 = tpu.memref_squeeze %dma_wait3A_39 : memref<1x632x120xf32, #tpu.memory_space<hbm>> -> memref<632x120xf32, #tpu.memory_space<hbm>>
        %dma_wait3A_41 = arith.constant 0 : i32
        %dma_wait3A_42 = tpu.memref_slice %arg11[%mul3A_30, %dma_wait3A_41] : memref<10112x120xf32, #tpu.memory_space<vmem_shared>> -> memref<632x120xf32, #tpu.memory_space<vmem_shared>>
        tpu.wait_dma2 semaphore(%run_scoped3A : memref<!tpu.dma_semaphore, #tpu.memory_space<semaphore_mem>>) src(%dma_wait3A_42 : memref<632x120xf32, #tpu.memory_space<vmem_shared>>) dst(%dma_wait3A_40 : memref<632x120xf32, #tpu.memory_space<hbm>>)
        tpu.yield
      }) : () -> ()
    } else {
    }
    %eq3A = arith.constant 15 : i32
    %eq3A_25 = arith.cmpi eq, %arg1, %eq3A : i32
    %convert_element_type3A_26 = arith.extui %eq3A_25 : i1 to i32
    %cond3A_27 = arith.constant 0 : i32
    %cond3A_28 = arith.cmpi ne, %convert_element_type3A_26, %cond3A_27 : i32
    scf.if %cond3A_28 {
      "tpu.region"() ({
        %run_scoped3A = tpu.sem_alloc : memref<!tpu.dma_semaphore, #tpu.memory_space<semaphore_mem>>
        %dma_start3A_29 = arith.constant 9480 : i32
        %dma_start3A_30 = arith.constant 0 : i32
        %dma_start3A_31 = tpu.memref_slice %arg6[%arg0, %dma_start3A_29, %dma_start3A_30] : memref<2x10000x120xf32, #tpu.memory_space<hbm>> -> memref<1x520x120xf32, #tpu.memory_space<hbm>>
        %dma_start3A_32 = tpu.memref_squeeze %dma_start3A_31 : memref<1x520x120xf32, #tpu.memory_space<hbm>> -> memref<520x120xf32, #tpu.memory_space<hbm>>
        %dma_start3A_33 = arith.constant 9480 : i32
        %dma_start3A_34 = arith.constant 0 : i32
        %dma_start3A_35 = tpu.memref_slice %arg11[%dma_start3A_33, %dma_start3A_34] : memref<10112x120xf32, #tpu.memory_space<vmem_shared>> -> memref<520x120xf32, #tpu.memory_space<vmem_shared>>
        tpu.enqueue_dma source(%dma_start3A_35 : memref<520x120xf32, #tpu.memory_space<vmem_shared>>) target(%dma_start3A_32 : memref<520x120xf32, #tpu.memory_space<hbm>>) target_semaphore(%run_scoped3A : memref<!tpu.dma_semaphore, #tpu.memory_space<semaphore_mem>>)
        %dma_wait3A_36 = arith.constant 9480 : i32
        %dma_wait3A_37 = arith.constant 0 : i32
        %dma_wait3A_38 = tpu.memref_slice %arg6[%arg0, %dma_wait3A_36, %dma_wait3A_37] : memref<2x10000x120xf32, #tpu.memory_space<hbm>> -> memref<1x520x120xf32, #tpu.memory_space<hbm>>
        %dma_wait3A_39 = tpu.memref_squeeze %dma_wait3A_38 : memref<1x520x120xf32, #tpu.memory_space<hbm>> -> memref<520x120xf32, #tpu.memory_space<hbm>>
        %dma_wait3A_40 = arith.constant 9480 : i32
        %dma_wait3A_41 = arith.constant 0 : i32
        %dma_wait3A_42 = tpu.memref_slice %arg11[%dma_wait3A_40, %dma_wait3A_41] : memref<10112x120xf32, #tpu.memory_space<vmem_shared>> -> memref<520x120xf32, #tpu.memory_space<vmem_shared>>
        tpu.wait_dma2 semaphore(%run_scoped3A : memref<!tpu.dma_semaphore, #tpu.memory_space<semaphore_mem>>) src(%dma_wait3A_42 : memref<520x120xf32, #tpu.memory_space<vmem_shared>>) dst(%dma_wait3A_39 : memref<520x120xf32, #tpu.memory_space<hbm>>)
        tpu.yield
      }) : () -> ()
    } else {
    }
    return
  }
}

#map = affine_map<(d0, d1) -> (0, 0)>
#map1 = affine_map<(d0, d1) -> (0, 0, 0, 0)>
#map2 = affine_map<(d0, d1) -> (0, 0, 0)>
module attributes {stable_mosaic.version = 14 : i64} {
  func.func @kern(%arg0: i32, %arg1: i32, %arg2: memref<10000x120xf32, #tpu.memory_space<hbm>>, %arg3: memref<32x80x1x128xi32, #tpu.memory_space<hbm>>, %arg4: memref<32x80x1x128xi32, #tpu.memory_space<hbm>>, %arg5: memref<632x120xf32, #tpu.memory_space<hbm>>, %arg6: memref<2x10000x120xf32, #tpu.memory_space<hbm>>, %arg7: memref<80x1x128xi32, #tpu.memory_space<vmem>>, %arg8: memref<80x1x128xi32, #tpu.memory_space<vmem>>, %arg9: memref<128x120xf32, #tpu.memory_space<vmem>>, %arg10: memref<128x120xf32, #tpu.memory_space<vmem>>, %arg11: memref<10112x120xf32, #tpu.memory_space<vmem_shared>>, %arg12: memref<!tpu.dma_semaphore, #tpu.memory_space<semaphore_mem>>, %arg13: memref<!tpu.dma_semaphore, #tpu.memory_space<semaphore_mem>>, %arg14: memref<!tpu.dma_semaphore, #tpu.memory_space<semaphore_mem>>, %arg15: memref<!tpu.dma_semaphore, #tpu.memory_space<semaphore_mem>>) attributes {dimension_semantics = [#tpu.dimension_semantics<core_parallel>, #tpu.dimension_semantics<subcore_parallel>], iteration_bounds = array<i64: 2, 16>, scalar_prefetch = 0 : i64, scratch_operands = 9 : i64, tpu.core_type = #tpu.core_type<sc_vector_subcore>, window_params = [{transform_indices = #map}, {transform_indices = #map1}, {transform_indices = #map1}, {transform_indices = #map}, {transform_indices = #map2}]} {
    %mul3A = arith.constant 2 : i32
    %mul3A_0 = arith.muli %arg1, %mul3A : i32
    %add3A = arith.addi %mul3A_0, %arg0 : i32
    "tpu.region"() ({
      %run_scoped3A = tpu.sem_alloc : memref<!tpu.dma_semaphore, #tpu.memory_space<semaphore_mem>>
      %dma_start3A_29 = arith.constant 0 : i32
      %dma_start3A_30 = arith.constant 0 : i32
      %dma_start3A_31 = arith.constant 0 : i32
      %dma_start3A_32 = tpu.memref_slice %arg3[%add3A, %dma_start3A_29, %dma_start3A_30, %dma_start3A_31] : memref<32x80x1x128xi32, #tpu.memory_space<hbm>> -> memref<1x80x1x128xi32, #tpu.memory_space<hbm>>
      %dma_start3A_33 = tpu.memref_squeeze %dma_start3A_32 : memref<1x80x1x128xi32, #tpu.memory_space<hbm>> -> memref<80x1x128xi32, #tpu.memory_space<hbm>>
      %dma_start3A_34 = arith.constant 0 : i32
      %dma_start3A_35 = arith.constant 0 : i32
      %dma_start3A_36 = arith.constant 0 : i32
      %dma_start3A_37 = tpu.memref_slice %arg3[%add3A, %dma_start3A_34, %dma_start3A_35, %dma_start3A_36] : memref<32x80x1x128xi32, #tpu.memory_space<hbm>> -> memref<1x80x1x128xi32, #tpu.memory_space<hbm>>
      %dma_start3A_38 = tpu.memref_squeeze %dma_start3A_37 : memref<1x80x1x128xi32, #tpu.memory_space<hbm>> -> memref<80x1x128xi32, #tpu.memory_space<hbm>>
      tpu.enqueue_dma source(%dma_start3A_38 : memref<80x1x128xi32, #tpu.memory_space<hbm>>) target(%arg7 : memref<80x1x128xi32, #tpu.memory_space<vmem>>) target_semaphore(%run_scoped3A : memref<!tpu.dma_semaphore, #tpu.memory_space<semaphore_mem>>)
      %dma_wait3A_39 = arith.constant 0 : i32
      %dma_wait3A_40 = arith.constant 0 : i32
      %dma_wait3A_41 = arith.constant 0 : i32
      %dma_wait3A_42 = tpu.memref_slice %arg3[%add3A, %dma_wait3A_39, %dma_wait3A_40, %dma_wait3A_41] : memref<32x80x1x128xi32, #tpu.memory_space<hbm>> -> memref<1x80x1x128xi32, #tpu.memory_space<hbm>>
      %dma_wait3A_43 = tpu.memref_squeeze %dma_wait3A_42 : memref<1x80x1x128xi32, #tpu.memory_space<hbm>> -> memref<80x1x128xi32, #tpu.memory_space<hbm>>
      %dma_wait3A_44 = arith.constant 0 : i32
      %dma_wait3A_45 = arith.constant 0 : i32
      %dma_wait3A_46 = arith.constant 0 : i32
      %dma_wait3A_47 = tpu.memref_slice %arg3[%add3A, %dma_wait3A_44, %dma_wait3A_45, %dma_wait3A_46] : memref<32x80x1x128xi32, #tpu.memory_space<hbm>> -> memref<1x80x1x128xi32, #tpu.memory_space<hbm>>
      %dma_wait3A_48 = tpu.memref_squeeze %dma_wait3A_47 : memref<1x80x1x128xi32, #tpu.memory_space<hbm>> -> memref<80x1x128xi32, #tpu.memory_space<hbm>>
      tpu.wait_dma2 semaphore(%run_scoped3A : memref<!tpu.dma_semaphore, #tpu.memory_space<semaphore_mem>>) src(%dma_wait3A_48 : memref<80x1x128xi32, #tpu.memory_space<hbm>>) dst(%arg7 : memref<80x1x128xi32, #tpu.memory_space<vmem>>)
      tpu.yield
    }) : () -> ()
    %dma_start3A = arith.constant 0 : i32
    %dma_start3A_1 = arith.constant 0 : i32
    %dma_start3A_2 = arith.constant 0 : i32
    %dma_start3A_3 = tpu.memref_slice %arg7[%dma_start3A, %dma_start3A_1, %dma_start3A_2] : memref<80x1x128xi32, #tpu.memory_space<vmem>> -> memref<1x1x128xi32, #tpu.memory_space<vmem>>
    %dma_start3A_4 = tpu.memref_squeeze %dma_start3A_3 : memref<1x1x128xi32, #tpu.memory_space<vmem>> -> memref<128xi32, #tpu.memory_space<vmem>>
    %dma_start3A_5 = arith.constant 0 : i32
    %dma_start3A_6 = arith.constant 0 : i32
    %dma_start3A_7 = tpu.memref_slice %arg2[%dma_start3A_5, %dma_start3A_6] : memref<10000x120xf32, #tpu.memory_space<hbm>> -> memref<10000x120xf32, #tpu.memory_space<hbm>>
    tpu.enqueue_indirect_dma source(%dma_start3A_7 : memref<10000x120xf32, #tpu.memory_space<hbm>>) target(%arg9 : memref<128x120xf32, #tpu.memory_space<vmem>>) offsets(%dma_start3A_4 : memref<128xi32, #tpu.memory_space<vmem>>) semaphore(%arg12 : memref<!tpu.dma_semaphore, #tpu.memory_space<semaphore_mem>>)
    "tpu.region"() ({
      %run_scoped3A = tpu.sem_alloc : memref<!tpu.dma_semaphore, #tpu.memory_space<semaphore_mem>>
      %dma_start3A_29 = arith.constant 0 : i32
      %dma_start3A_30 = arith.constant 0 : i32
      %dma_start3A_31 = arith.constant 0 : i32
      %dma_start3A_32 = tpu.memref_slice %arg4[%add3A, %dma_start3A_29, %dma_start3A_30, %dma_start3A_31] : memref<32x80x1x128xi32, #tpu.memory_space<hbm>> -> memref<1x80x1x128xi32, #tpu.memory_space<hbm>>
      %dma_start3A_33 = tpu.memref_squeeze %dma_start3A_32 : memref<1x80x1x128xi32, #tpu.memory_space<hbm>> -> memref<80x1x128xi32, #tpu.memory_space<hbm>>
      %dma_start3A_34 = arith.constant 0 : i32
      %dma_start3A_35 = arith.constant 0 : i32
      %dma_start3A_36 = arith.constant 0 : i32
      %dma_start3A_37 = tpu.memref_slice %arg4[%add3A, %dma_start3A_34, %dma_start3A_35, %dma_start3A_36] : memref<32x80x1x128xi32, #tpu.memory_space<hbm>> -> memref<1x80x1x128xi32, #tpu.memory_space<hbm>>
      %dma_start3A_38 = tpu.memref_squeeze %dma_start3A_37 : memref<1x80x1x128xi32, #tpu.memory_space<hbm>> -> memref<80x1x128xi32, #tpu.memory_space<hbm>>
      tpu.enqueue_dma source(%dma_start3A_38 : memref<80x1x128xi32, #tpu.memory_space<hbm>>) target(%arg8 : memref<80x1x128xi32, #tpu.memory_space<vmem>>) target_semaphore(%run_scoped3A : memref<!tpu.dma_semaphore, #tpu.memory_space<semaphore_mem>>)
      %dma_wait3A_39 = arith.constant 0 : i32
      %dma_wait3A_40 = arith.constant 0 : i32
      %dma_wait3A_41 = arith.constant 0 : i32
      %dma_wait3A_42 = tpu.memref_slice %arg4[%add3A, %dma_wait3A_39, %dma_wait3A_40, %dma_wait3A_41] : memref<32x80x1x128xi32, #tpu.memory_space<hbm>> -> memref<1x80x1x128xi32, #tpu.memory_space<hbm>>
      %dma_wait3A_43 = tpu.memref_squeeze %dma_wait3A_42 : memref<1x80x1x128xi32, #tpu.memory_space<hbm>> -> memref<80x1x128xi32, #tpu.memory_space<hbm>>
      %dma_wait3A_44 = arith.constant 0 : i32
      %dma_wait3A_45 = arith.constant 0 : i32
      %dma_wait3A_46 = arith.constant 0 : i32
      %dma_wait3A_47 = tpu.memref_slice %arg4[%add3A, %dma_wait3A_44, %dma_wait3A_45, %dma_wait3A_46] : memref<32x80x1x128xi32, #tpu.memory_space<hbm>> -> memref<1x80x1x128xi32, #tpu.memory_space<hbm>>
      %dma_wait3A_48 = tpu.memref_squeeze %dma_wait3A_47 : memref<1x80x1x128xi32, #tpu.memory_space<hbm>> -> memref<80x1x128xi32, #tpu.memory_space<hbm>>
      tpu.wait_dma2 semaphore(%run_scoped3A : memref<!tpu.dma_semaphore, #tpu.memory_space<semaphore_mem>>) src(%dma_wait3A_48 : memref<80x1x128xi32, #tpu.memory_space<hbm>>) dst(%arg8 : memref<80x1x128xi32, #tpu.memory_space<vmem>>)
      tpu.yield
    }) : () -> ()
    %mul3A_8 = arith.constant 632 : i32
    %mul3A_9 = arith.muli %arg1, %mul3A_8 : i32
    "tpu.region"() ({
      %run_scoped3A = tpu.sem_alloc : memref<!tpu.dma_semaphore, #tpu.memory_space<semaphore_mem>>
      %dma_start3A_29 = arith.constant 0 : i32
      %dma_start3A_30 = tpu.memref_slice %arg11[%mul3A_9, %dma_start3A_29] : memref<10112x120xf32, #tpu.memory_space<vmem_shared>> -> memref<632x120xf32, #tpu.memory_space<vmem_shared>>
      tpu.enqueue_dma source(%arg5 : memref<632x120xf32, #tpu.memory_space<hbm>>) target(%dma_start3A_30 : memref<632x120xf32, #tpu.memory_space<vmem_shared>>) target_semaphore(%run_scoped3A : memref<!tpu.dma_semaphore, #tpu.memory_space<semaphore_mem>>)
      %dma_wait3A_31 = arith.constant 0 : i32
      %dma_wait3A_32 = tpu.memref_slice %arg11[%mul3A_9, %dma_wait3A_31] : memref<10112x120xf32, #tpu.memory_space<vmem_shared>> -> memref<632x120xf32, #tpu.memory_space<vmem_shared>>
      tpu.wait_dma2 semaphore(%run_scoped3A : memref<!tpu.dma_semaphore, #tpu.memory_space<semaphore_mem>>) src(%arg5 : memref<632x120xf32, #tpu.memory_space<hbm>>) dst(%dma_wait3A_32 : memref<632x120xf32, #tpu.memory_space<vmem_shared>>)
      tpu.yield
    }) : () -> ()
    %barrier3A = arith.constant 0 : index
    tpu.barrier barrier_id(%barrier3A)
    %scan3A = arith.constant 0 : i32
    %scan3A_10 = arith.constant 0 : i32
    %scan3A_11 = arith.constant 40 : i32
    %scan3A_12 = arith.addi %scan3A_10, %scan3A_11 : i32
    %scan3A_13 = arith.constant 1 : i32
    scf.for %scan3A_29 = %scan3A_10 to %scan3A_12 step %scan3A_13  : i32 {
      %mul3A_30 = arith.constant 2 : i32
      %mul3A_31 = arith.muli %mul3A_30, %scan3A_29 : i32
      %dma_wait3A_32 = arith.constant 0 : i32
      %dma_wait3A_33 = arith.constant 0 : i32
      %dma_wait3A_34 = tpu.memref_slice %arg7[%mul3A_31, %dma_wait3A_32, %dma_wait3A_33] : memref<80x1x128xi32, #tpu.memory_space<vmem>> -> memref<1x1x128xi32, #tpu.memory_space<vmem>>
      %dma_wait3A_35 = tpu.memref_squeeze %dma_wait3A_34 : memref<1x1x128xi32, #tpu.memory_space<vmem>> -> memref<128xi32, #tpu.memory_space<vmem>>
      %dma_wait3A_36 = arith.constant 0 : i32
      %dma_wait3A_37 = arith.constant 0 : i32
      %dma_wait3A_38 = tpu.memref_slice %arg2[%dma_wait3A_36, %dma_wait3A_37] : memref<10000x120xf32, #tpu.memory_space<hbm>> -> memref<10000x120xf32, #tpu.memory_space<hbm>>
      tpu.wait_indirect_dma semaphore(%arg12 : memref<!tpu.dma_semaphore, #tpu.memory_space<semaphore_mem>>) src(%dma_wait3A_38 : memref<10000x120xf32, #tpu.memory_space<hbm>>) dst(%arg9 : memref<128x120xf32, #tpu.memory_space<vmem>>)
      %dma_start3A_39 = arith.constant 0 : i32
      %dma_start3A_40 = arith.constant 0 : i32
      %dma_start3A_41 = tpu.memref_slice %arg8[%mul3A_31, %dma_start3A_39, %dma_start3A_40] : memref<80x1x128xi32, #tpu.memory_space<vmem>> -> memref<1x1x128xi32, #tpu.memory_space<vmem>>
      %dma_start3A_42 = tpu.memref_squeeze %dma_start3A_41 : memref<1x1x128xi32, #tpu.memory_space<vmem>> -> memref<128xi32, #tpu.memory_space<vmem>>
      %dma_start3A_43 = arith.constant 0 : i32
      %dma_start3A_44 = arith.constant 0 : i32
      %dma_start3A_45 = tpu.memref_slice %arg11[%dma_start3A_43, %dma_start3A_44] : memref<10112x120xf32, #tpu.memory_space<vmem_shared>> -> memref<10112x120xf32, #tpu.memory_space<vmem_shared>>
      tpu.enqueue_indirect_dma source(%arg9 : memref<128x120xf32, #tpu.memory_space<vmem>>) target(%dma_start3A_45 : memref<10112x120xf32, #tpu.memory_space<vmem_shared>>) offsets(%dma_start3A_42 : memref<128xi32, #tpu.memory_space<vmem>>) semaphore(%arg14 : memref<!tpu.dma_semaphore, #tpu.memory_space<semaphore_mem>>) {add = true}
      %gt3A = arith.constant 0 : i32
      %gt3A_46 = arith.cmpi sgt, %scan3A_29, %gt3A : i32
      %convert_element_type3A_47 = arith.extui %gt3A_46 : i1 to i32
      %cond3A_48 = arith.constant 0 : i32
      %cond3A_49 = arith.cmpi ne, %convert_element_type3A_47, %cond3A_48 : i32
      scf.if %cond3A_49 {
        %sub3A = arith.constant 1 : i32
        %sub3A_89 = arith.subi %mul3A_31, %sub3A : i32
        %dma_wait3A_90 = arith.constant 0 : i32
        %dma_wait3A_91 = arith.constant 0 : i32
        %dma_wait3A_92 = tpu.memref_slice %arg8[%sub3A_89, %dma_wait3A_90, %dma_wait3A_91] : memref<80x1x128xi32, #tpu.memory_space<vmem>> -> memref<1x1x128xi32, #tpu.memory_space<vmem>>
        %dma_wait3A_93 = tpu.memref_squeeze %dma_wait3A_92 : memref<1x1x128xi32, #tpu.memory_space<vmem>> -> memref<128xi32, #tpu.memory_space<vmem>>
        %dma_wait3A_94 = arith.constant 0 : i32
        %dma_wait3A_95 = arith.constant 0 : i32
        %dma_wait3A_96 = tpu.memref_slice %arg11[%dma_wait3A_94, %dma_wait3A_95] : memref<10112x120xf32, #tpu.memory_space<vmem_shared>> -> memref<10112x120xf32, #tpu.memory_space<vmem_shared>>
        tpu.wait_indirect_dma semaphore(%arg15 : memref<!tpu.dma_semaphore, #tpu.memory_space<semaphore_mem>>) src(%arg10 : memref<128x120xf32, #tpu.memory_space<vmem>>) dst(%dma_wait3A_96 : memref<10112x120xf32, #tpu.memory_space<vmem_shared>>)
      } else {
      }
      %add3A_50 = arith.constant 1 : i32
      %add3A_51 = arith.addi %mul3A_31, %add3A_50 : i32
      %dma_start3A_52 = arith.constant 0 : i32
      %dma_start3A_53 = arith.constant 0 : i32
      %dma_start3A_54 = tpu.memref_slice %arg7[%add3A_51, %dma_start3A_52, %dma_start3A_53] : memref<80x1x128xi32, #tpu.memory_space<vmem>> -> memref<1x1x128xi32, #tpu.memory_space<vmem>>
      %dma_start3A_55 = tpu.memref_squeeze %dma_start3A_54 : memref<1x1x128xi32, #tpu.memory_space<vmem>> -> memref<128xi32, #tpu.memory_space<vmem>>
      %dma_start3A_56 = arith.constant 0 : i32
      %dma_start3A_57 = arith.constant 0 : i32
      %dma_start3A_58 = tpu.memref_slice %arg2[%dma_start3A_56, %dma_start3A_57] : memref<10000x120xf32, #tpu.memory_space<hbm>> -> memref<10000x120xf32, #tpu.memory_space<hbm>>
      tpu.enqueue_indirect_dma source(%dma_start3A_58 : memref<10000x120xf32, #tpu.memory_space<hbm>>) target(%arg10 : memref<128x120xf32, #tpu.memory_space<vmem>>) offsets(%dma_start3A_55 : memref<128xi32, #tpu.memory_space<vmem>>) semaphore(%arg13 : memref<!tpu.dma_semaphore, #tpu.memory_space<semaphore_mem>>)
      %add3A_59 = arith.constant 1 : i32
      %add3A_60 = arith.addi %mul3A_31, %add3A_59 : i32
      %dma_wait3A_61 = arith.constant 0 : i32
      %dma_wait3A_62 = arith.constant 0 : i32
      %dma_wait3A_63 = tpu.memref_slice %arg7[%add3A_60, %dma_wait3A_61, %dma_wait3A_62] : memref<80x1x128xi32, #tpu.memory_space<vmem>> -> memref<1x1x128xi32, #tpu.memory_space<vmem>>
      %dma_wait3A_64 = tpu.memref_squeeze %dma_wait3A_63 : memref<1x1x128xi32, #tpu.memory_space<vmem>> -> memref<128xi32, #tpu.memory_space<vmem>>
      %dma_wait3A_65 = arith.constant 0 : i32
      %dma_wait3A_66 = arith.constant 0 : i32
      %dma_wait3A_67 = tpu.memref_slice %arg2[%dma_wait3A_65, %dma_wait3A_66] : memref<10000x120xf32, #tpu.memory_space<hbm>> -> memref<10000x120xf32, #tpu.memory_space<hbm>>
      tpu.wait_indirect_dma semaphore(%arg13 : memref<!tpu.dma_semaphore, #tpu.memory_space<semaphore_mem>>) src(%dma_wait3A_67 : memref<10000x120xf32, #tpu.memory_space<hbm>>) dst(%arg10 : memref<128x120xf32, #tpu.memory_space<vmem>>)
      %add3A_68 = arith.constant 1 : i32
      %add3A_69 = arith.addi %mul3A_31, %add3A_68 : i32
      %dma_start3A_70 = arith.constant 0 : i32
      %dma_start3A_71 = arith.constant 0 : i32
      %dma_start3A_72 = tpu.memref_slice %arg8[%add3A_69, %dma_start3A_70, %dma_start3A_71] : memref<80x1x128xi32, #tpu.memory_space<vmem>> -> memref<1x1x128xi32, #tpu.memory_space<vmem>>
      %dma_start3A_73 = tpu.memref_squeeze %dma_start3A_72 : memref<1x1x128xi32, #tpu.memory_space<vmem>> -> memref<128xi32, #tpu.memory_space<vmem>>
      %dma_start3A_74 = arith.constant 0 : i32
      %dma_start3A_75 = arith.constant 0 : i32
      %dma_start3A_76 = tpu.memref_slice %arg11[%dma_start3A_74, %dma_start3A_75] : memref<10112x120xf32, #tpu.memory_space<vmem_shared>> -> memref<10112x120xf32, #tpu.memory_space<vmem_shared>>
      tpu.enqueue_indirect_dma source(%arg10 : memref<128x120xf32, #tpu.memory_space<vmem>>) target(%dma_start3A_76 : memref<10112x120xf32, #tpu.memory_space<vmem_shared>>) offsets(%dma_start3A_73 : memref<128xi32, #tpu.memory_space<vmem>>) semaphore(%arg15 : memref<!tpu.dma_semaphore, #tpu.memory_space<semaphore_mem>>) {add = true}
      %dma_wait3A_77 = arith.constant 0 : i32
      %dma_wait3A_78 = arith.constant 0 : i32
      %dma_wait3A_79 = tpu.memref_slice %arg8[%mul3A_31, %dma_wait3A_77, %dma_wait3A_78] : memref<80x1x128xi32, #tpu.memory_space<vmem>> -> memref<1x1x128xi32, #tpu.memory_space<vmem>>
      %dma_wait3A_80 = tpu.memref_squeeze %dma_wait3A_79 : memref<1x1x128xi32, #tpu.memory_space<vmem>> -> memref<128xi32, #tpu.memory_space<vmem>>
      %dma_wait3A_81 = arith.constant 0 : i32
      %dma_wait3A_82 = arith.constant 0 : i32
      %dma_wait3A_83 = tpu.memref_slice %arg11[%dma_wait3A_81, %dma_wait3A_82] : memref<10112x120xf32, #tpu.memory_space<vmem_shared>> -> memref<10112x120xf32, #tpu.memory_space<vmem_shared>>
      tpu.wait_indirect_dma semaphore(%arg14 : memref<!tpu.dma_semaphore, #tpu.memory_space<semaphore_mem>>) src(%arg9 : memref<128x120xf32, #tpu.memory_space<vmem>>) dst(%dma_wait3A_83 : memref<10112x120xf32, #tpu.memory_space<vmem_shared>>)
      %lt3A_84 = arith.constant 39 : i32
      %lt3A_85 = arith.cmpi slt, %scan3A_29, %lt3A_84 : i32
      %convert_element_type3A_86 = arith.extui %lt3A_85 : i1 to i32
      %cond3A_87 = arith.constant 0 : i32
      %cond3A_88 = arith.cmpi ne, %convert_element_type3A_86, %cond3A_87 : i32
      scf.if %cond3A_88 {
        %add3A_89 = arith.constant 2 : i32
        %add3A_90 = arith.addi %mul3A_31, %add3A_89 : i32
        %dma_start3A_91 = arith.constant 0 : i32
        %dma_start3A_92 = arith.constant 0 : i32
        %dma_start3A_93 = tpu.memref_slice %arg7[%add3A_90, %dma_start3A_91, %dma_start3A_92] : memref<80x1x128xi32, #tpu.memory_space<vmem>> -> memref<1x1x128xi32, #tpu.memory_space<vmem>>
        %dma_start3A_94 = tpu.memref_squeeze %dma_start3A_93 : memref<1x1x128xi32, #tpu.memory_space<vmem>> -> memref<128xi32, #tpu.memory_space<vmem>>
        %dma_start3A_95 = arith.constant 0 : i32
        %dma_start3A_96 = arith.constant 0 : i32
        %dma_start3A_97 = tpu.memref_slice %arg2[%dma_start3A_95, %dma_start3A_96] : memref<10000x120xf32, #tpu.memory_space<hbm>> -> memref<10000x120xf32, #tpu.memory_space<hbm>>
        tpu.enqueue_indirect_dma source(%dma_start3A_97 : memref<10000x120xf32, #tpu.memory_space<hbm>>) target(%arg9 : memref<128x120xf32, #tpu.memory_space<vmem>>) offsets(%dma_start3A_94 : memref<128xi32, #tpu.memory_space<vmem>>) semaphore(%arg12 : memref<!tpu.dma_semaphore, #tpu.memory_space<semaphore_mem>>)
      } else {
      }
    }
    %scan3A_14 = arith.constant 40 : i32
    %dma_wait3A = arith.constant 79 : i32
    %dma_wait3A_15 = arith.constant 0 : i32
    %dma_wait3A_16 = arith.constant 0 : i32
    %dma_wait3A_17 = tpu.memref_slice %arg8[%dma_wait3A, %dma_wait3A_15, %dma_wait3A_16] : memref<80x1x128xi32, #tpu.memory_space<vmem>> -> memref<1x1x128xi32, #tpu.memory_space<vmem>>
    %dma_wait3A_18 = tpu.memref_squeeze %dma_wait3A_17 : memref<1x1x128xi32, #tpu.memory_space<vmem>> -> memref<128xi32, #tpu.memory_space<vmem>>
    %dma_wait3A_19 = arith.constant 0 : i32
    %dma_wait3A_20 = arith.constant 0 : i32
    %dma_wait3A_21 = tpu.memref_slice %arg11[%dma_wait3A_19, %dma_wait3A_20] : memref<10112x120xf32, #tpu.memory_space<vmem_shared>> -> memref<10112x120xf32, #tpu.memory_space<vmem_shared>>
    tpu.wait_indirect_dma semaphore(%arg15 : memref<!tpu.dma_semaphore, #tpu.memory_space<semaphore_mem>>) src(%arg10 : memref<128x120xf32, #tpu.memory_space<vmem>>) dst(%dma_wait3A_21 : memref<10112x120xf32, #tpu.memory_space<vmem_shared>>)
    %barrier3A_22 = arith.constant 0 : index
    tpu.barrier barrier_id(%barrier3A_22)
    %lt3A = arith.constant 15 : i32
    %lt3A_23 = arith.cmpi slt, %arg1, %lt3A : i32
    %convert_element_type3A = arith.extui %lt3A_23 : i1 to i32
    %cond3A = arith.constant 0 : i32
    %cond3A_24 = arith.cmpi ne, %convert_element_type3A, %cond3A : i32
    scf.if %cond3A_24 {
      %mul3A_29 = arith.constant 632 : i32
      %mul3A_30 = arith.muli %arg1, %mul3A_29 : i32
      %mul3A_31 = arith.constant 632 : i32
      %mul3A_32 = arith.muli %arg1, %mul3A_31 : i32
      "tpu.region"() ({
        %run_scoped3A = tpu.sem_alloc : memref<!tpu.dma_semaphore, #tpu.memory_space<semaphore_mem>>
        %dma_start3A_33 = arith.constant 0 : i32
        %dma_start3A_34 = tpu.memref_slice %arg6[%arg0, %mul3A_32, %dma_start3A_33] : memref<2x10000x120xf32, #tpu.memory_space<hbm>> -> memref<1x632x120xf32, #tpu.memory_space<hbm>>
        %dma_start3A_35 = tpu.memref_squeeze %dma_start3A_34 : memref<1x632x120xf32, #tpu.memory_space<hbm>> -> memref<632x120xf32, #tpu.memory_space<hbm>>
        %dma_start3A_36 = arith.constant 0 : i32
        %dma_start3A_37 = tpu.memref_slice %arg11[%mul3A_30, %dma_start3A_36] : memref<10112x120xf32, #tpu.memory_space<vmem_shared>> -> memref<632x120xf32, #tpu.memory_space<vmem_shared>>
        tpu.enqueue_dma source(%dma_start3A_37 : memref<632x120xf32, #tpu.memory_space<vmem_shared>>) target(%dma_start3A_35 : memref<632x120xf32, #tpu.memory_space<hbm>>) target_semaphore(%run_scoped3A : memref<!tpu.dma_semaphore, #tpu.memory_space<semaphore_mem>>)
        %dma_wait3A_38 = arith.constant 0 : i32
        %dma_wait3A_39 = tpu.memref_slice %arg6[%arg0, %mul3A_32, %dma_wait3A_38] : memref<2x10000x120xf32, #tpu.memory_space<hbm>> -> memref<1x632x120xf32, #tpu.memory_space<hbm>>
        %dma_wait3A_40 = tpu.memref_squeeze %dma_wait3A_39 : memref<1x632x120xf32, #tpu.memory_space<hbm>> -> memref<632x120xf32, #tpu.memory_space<hbm>>
        %dma_wait3A_41 = arith.constant 0 : i32
        %dma_wait3A_42 = tpu.memref_slice %arg11[%mul3A_30, %dma_wait3A_41] : memref<10112x120xf32, #tpu.memory_space<vmem_shared>> -> memref<632x120xf32, #tpu.memory_space<vmem_shared>>
        tpu.wait_dma2 semaphore(%run_scoped3A : memref<!tpu.dma_semaphore, #tpu.memory_space<semaphore_mem>>) src(%dma_wait3A_42 : memref<632x120xf32, #tpu.memory_space<vmem_shared>>) dst(%dma_wait3A_40 : memref<632x120xf32, #tpu.memory_space<hbm>>)
        tpu.yield
      }) : () -> ()
    } else {
    }
    %eq3A = arith.constant 15 : i32
    %eq3A_25 = arith.cmpi eq, %arg1, %eq3A : i32
    %convert_element_type3A_26 = arith.extui %eq3A_25 : i1 to i32
    %cond3A_27 = arith.constant 0 : i32
    %cond3A_28 = arith.cmpi ne, %convert_element_type3A_26, %cond3A_27 : i32
    scf.if %cond3A_28 {
      "tpu.region"() ({
        %run_scoped3A = tpu.sem_alloc : memref<!tpu.dma_semaphore, #tpu.memory_space<semaphore_mem>>
        %dma_start3A_29 = arith.constant 9480 : i32
        %dma_start3A_30 = arith.constant 0 : i32
        %dma_start3A_31 = tpu.memref_slice %arg6[%arg0, %dma_start3A_29, %dma_start3A_30] : memref<2x10000x120xf32, #tpu.memory_space<hbm>> -> memref<1x520x120xf32, #tpu.memory_space<hbm>>
        %dma_start3A_32 = tpu.memref_squeeze %dma_start3A_31 : memref<1x520x120xf32, #tpu.memory_space<hbm>> -> memref<520x120xf32, #tpu.memory_space<hbm>>
        %dma_start3A_33 = arith.constant 9480 : i32
        %dma_start3A_34 = arith.constant 0 : i32
        %dma_start3A_35 = tpu.memref_slice %arg11[%dma_start3A_33, %dma_start3A_34] : memref<10112x120xf32, #tpu.memory_space<vmem_shared>> -> memref<520x120xf32, #tpu.memory_space<vmem_shared>>
        tpu.enqueue_dma source(%dma_start3A_35 : memref<520x120xf32, #tpu.memory_space<vmem_shared>>) target(%dma_start3A_32 : memref<520x120xf32, #tpu.memory_space<hbm>>) target_semaphore(%run_scoped3A : memref<!tpu.dma_semaphore, #tpu.memory_space<semaphore_mem>>)
        %dma_wait3A_36 = arith.constant 9480 : i32
        %dma_wait3A_37 = arith.constant 0 : i32
        %dma_wait3A_38 = tpu.memref_slice %arg6[%arg0, %dma_wait3A_36, %dma_wait3A_37] : memref<2x10000x120xf32, #tpu.memory_space<hbm>> -> memref<1x520x120xf32, #tpu.memory_space<hbm>>
        %dma_wait3A_39 = tpu.memref_squeeze %dma_wait3A_38 : memref<1x520x120xf32, #tpu.memory_space<hbm>> -> memref<520x120xf32, #tpu.memory_space<hbm>>
        %dma_wait3A_40 = arith.constant 9480 : i32
        %dma_wait3A_41 = arith.constant 0 : i32
        %dma_wait3A_42 = tpu.memref_slice %arg11[%dma_wait3A_40, %dma_wait3A_41] : memref<10112x120xf32, #tpu.memory_space<vmem_shared>> -> memref<520x120xf32, #tpu.memory_space<vmem_shared>>
        tpu.wait_dma2 semaphore(%run_scoped3A : memref<!tpu.dma_semaphore, #tpu.memory_space<semaphore_mem>>) src(%dma_wait3A_42 : memref<520x120xf32, #tpu.memory_space<vmem_shared>>) dst(%dma_wait3A_39 : memref<520x120xf32, #tpu.memory_space<hbm>>)
        tpu.yield
      }) : () -> ()
    } else {
    }
    return
  }
}

#map = affine_map<(d0, d1) -> (0, 0)>
#map1 = affine_map<(d0, d1) -> (0, 0, 0, 0)>
#map2 = affine_map<(d0, d1) -> (0, 0, 0)>
module attributes {stable_mosaic.version = 14 : i64} {
  func.func @kern(%arg0: i32, %arg1: i32, %arg2: memref<10000x120xf32, #tpu.memory_space<hbm>>, %arg3: memref<32x80x1x128xi32, #tpu.memory_space<hbm>>, %arg4: memref<32x80x1x128xi32, #tpu.memory_space<hbm>>, %arg5: memref<632x120xf32, #tpu.memory_space<hbm>>, %arg6: memref<2x10000x120xf32, #tpu.memory_space<hbm>>, %arg7: memref<80x1x128xi32, #tpu.memory_space<vmem>>, %arg8: memref<80x1x128xi32, #tpu.memory_space<vmem>>, %arg9: memref<128x120xf32, #tpu.memory_space<vmem>>, %arg10: memref<128x120xf32, #tpu.memory_space<vmem>>, %arg11: memref<10112x120xf32, #tpu.memory_space<vmem_shared>>, %arg12: memref<!tpu.dma_semaphore, #tpu.memory_space<semaphore_mem>>, %arg13: memref<!tpu.dma_semaphore, #tpu.memory_space<semaphore_mem>>, %arg14: memref<!tpu.dma_semaphore, #tpu.memory_space<semaphore_mem>>, %arg15: memref<!tpu.dma_semaphore, #tpu.memory_space<semaphore_mem>>) attributes {dimension_semantics = [#tpu.dimension_semantics<core_parallel>, #tpu.dimension_semantics<subcore_parallel>], iteration_bounds = array<i64: 2, 16>, scalar_prefetch = 0 : i64, scratch_operands = 9 : i64, tpu.core_type = #tpu.core_type<sc_vector_subcore>, window_params = [{transform_indices = #map}, {transform_indices = #map1}, {transform_indices = #map1}, {transform_indices = #map}, {transform_indices = #map2}]} {
    %mul3A = arith.constant 2 : i32
    %mul3A_0 = arith.muli %arg1, %mul3A : i32
    %add3A = arith.addi %mul3A_0, %arg0 : i32
    "tpu.region"() ({
      %run_scoped3A = tpu.sem_alloc : memref<!tpu.dma_semaphore, #tpu.memory_space<semaphore_mem>>
      %dma_start3A_29 = arith.constant 0 : i32
      %dma_start3A_30 = arith.constant 0 : i32
      %dma_start3A_31 = arith.constant 0 : i32
      %dma_start3A_32 = tpu.memref_slice %arg3[%add3A, %dma_start3A_29, %dma_start3A_30, %dma_start3A_31] : memref<32x80x1x128xi32, #tpu.memory_space<hbm>> -> memref<1x80x1x128xi32, #tpu.memory_space<hbm>>
      %dma_start3A_33 = tpu.memref_squeeze %dma_start3A_32 : memref<1x80x1x128xi32, #tpu.memory_space<hbm>> -> memref<80x1x128xi32, #tpu.memory_space<hbm>>
      %dma_start3A_34 = arith.constant 0 : i32
      %dma_start3A_35 = arith.constant 0 : i32
      %dma_start3A_36 = arith.constant 0 : i32
      %dma_start3A_37 = tpu.memref_slice %arg3[%add3A, %dma_start3A_34, %dma_start3A_35, %dma_start3A_36] : memref<32x80x1x128xi32, #tpu.memory_space<hbm>> -> memref<1x80x1x128xi32, #tpu.memory_space<hbm>>
      %dma_start3A_38 = tpu.memref_squeeze %dma_start3A_37 : memref<1x80x1x128xi32, #tpu.memory_space<hbm>> -> memref<80x1x128xi32, #tpu.memory_space<hbm>>
      tpu.enqueue_dma source(%dma_start3A_38 : memref<80x1x128xi32, #tpu.memory_space<hbm>>) target(%arg7 : memref<80x1x128xi32, #tpu.memory_space<vmem>>) target_semaphore(%run_scoped3A : memref<!tpu.dma_semaphore, #tpu.memory_space<semaphore_mem>>)
      %dma_wait3A_39 = arith.constant 0 : i32
      %dma_wait3A_40 = arith.constant 0 : i32
      %dma_wait3A_41 = arith.constant 0 : i32
      %dma_wait3A_42 = tpu.memref_slice %arg3[%add3A, %dma_wait3A_39, %dma_wait3A_40, %dma_wait3A_41] : memref<32x80x1x128xi32, #tpu.memory_space<hbm>> -> memref<1x80x1x128xi32, #tpu.memory_space<hbm>>
      %dma_wait3A_43 = tpu.memref_squeeze %dma_wait3A_42 : memref<1x80x1x128xi32, #tpu.memory_space<hbm>> -> memref<80x1x128xi32, #tpu.memory_space<hbm>>
      %dma_wait3A_44 = arith.constant 0 : i32
      %dma_wait3A_45 = arith.constant 0 : i32
      %dma_wait3A_46 = arith.constant 0 : i32
      %dma_wait3A_47 = tpu.memref_slice %arg3[%add3A, %dma_wait3A_44, %dma_wait3A_45, %dma_wait3A_46] : memref<32x80x1x128xi32, #tpu.memory_space<hbm>> -> memref<1x80x1x128xi32, #tpu.memory_space<hbm>>
      %dma_wait3A_48 = tpu.memref_squeeze %dma_wait3A_47 : memref<1x80x1x128xi32, #tpu.memory_space<hbm>> -> memref<80x1x128xi32, #tpu.memory_space<hbm>>
      tpu.wait_dma2 semaphore(%run_scoped3A : memref<!tpu.dma_semaphore, #tpu.memory_space<semaphore_mem>>) src(%dma_wait3A_48 : memref<80x1x128xi32, #tpu.memory_space<hbm>>) dst(%arg7 : memref<80x1x128xi32, #tpu.memory_space<vmem>>)
      tpu.yield
    }) : () -> ()
    %dma_start3A = arith.constant 0 : i32
    %dma_start3A_1 = arith.constant 0 : i32
    %dma_start3A_2 = arith.constant 0 : i32
    %dma_start3A_3 = tpu.memref_slice %arg7[%dma_start3A, %dma_start3A_1, %dma_start3A_2] : memref<80x1x128xi32, #tpu.memory_space<vmem>> -> memref<1x1x128xi32, #tpu.memory_space<vmem>>
    %dma_start3A_4 = tpu.memref_squeeze %dma_start3A_3 : memref<1x1x128xi32, #tpu.memory_space<vmem>> -> memref<128xi32, #tpu.memory_space<vmem>>
    %dma_start3A_5 = arith.constant 0 : i32
    %dma_start3A_6 = arith.constant 0 : i32
    %dma_start3A_7 = tpu.memref_slice %arg2[%dma_start3A_5, %dma_start3A_6] : memref<10000x120xf32, #tpu.memory_space<hbm>> -> memref<10000x120xf32, #tpu.memory_space<hbm>>
    tpu.enqueue_indirect_dma source(%dma_start3A_7 : memref<10000x120xf32, #tpu.memory_space<hbm>>) target(%arg9 : memref<128x120xf32, #tpu.memory_space<vmem>>) offsets(%dma_start3A_4 : memref<128xi32, #tpu.memory_space<vmem>>) semaphore(%arg12 : memref<!tpu.dma_semaphore, #tpu.memory_space<semaphore_mem>>)
    "tpu.region"() ({
      %run_scoped3A = tpu.sem_alloc : memref<!tpu.dma_semaphore, #tpu.memory_space<semaphore_mem>>
      %dma_start3A_29 = arith.constant 0 : i32
      %dma_start3A_30 = arith.constant 0 : i32
      %dma_start3A_31 = arith.constant 0 : i32
      %dma_start3A_32 = tpu.memref_slice %arg4[%add3A, %dma_start3A_29, %dma_start3A_30, %dma_start3A_31] : memref<32x80x1x128xi32, #tpu.memory_space<hbm>> -> memref<1x80x1x128xi32, #tpu.memory_space<hbm>>
      %dma_start3A_33 = tpu.memref_squeeze %dma_start3A_32 : memref<1x80x1x128xi32, #tpu.memory_space<hbm>> -> memref<80x1x128xi32, #tpu.memory_space<hbm>>
      %dma_start3A_34 = arith.constant 0 : i32
      %dma_start3A_35 = arith.constant 0 : i32
      %dma_start3A_36 = arith.constant 0 : i32
      %dma_start3A_37 = tpu.memref_slice %arg4[%add3A, %dma_start3A_34, %dma_start3A_35, %dma_start3A_36] : memref<32x80x1x128xi32, #tpu.memory_space<hbm>> -> memref<1x80x1x128xi32, #tpu.memory_space<hbm>>
      %dma_start3A_38 = tpu.memref_squeeze %dma_start3A_37 : memref<1x80x1x128xi32, #tpu.memory_space<hbm>> -> memref<80x1x128xi32, #tpu.memory_space<hbm>>
      tpu.enqueue_dma source(%dma_start3A_38 : memref<80x1x128xi32, #tpu.memory_space<hbm>>) target(%arg8 : memref<80x1x128xi32, #tpu.memory_space<vmem>>) target_semaphore(%run_scoped3A : memref<!tpu.dma_semaphore, #tpu.memory_space<semaphore_mem>>)
      %dma_wait3A_39 = arith.constant 0 : i32
      %dma_wait3A_40 = arith.constant 0 : i32
      %dma_wait3A_41 = arith.constant 0 : i32
      %dma_wait3A_42 = tpu.memref_slice %arg4[%add3A, %dma_wait3A_39, %dma_wait3A_40, %dma_wait3A_41] : memref<32x80x1x128xi32, #tpu.memory_space<hbm>> -> memref<1x80x1x128xi32, #tpu.memory_space<hbm>>
      %dma_wait3A_43 = tpu.memref_squeeze %dma_wait3A_42 : memref<1x80x1x128xi32, #tpu.memory_space<hbm>> -> memref<80x1x128xi32, #tpu.memory_space<hbm>>
      %dma_wait3A_44 = arith.constant 0 : i32
      %dma_wait3A_45 = arith.constant 0 : i32
      %dma_wait3A_46 = arith.constant 0 : i32
      %dma_wait3A_47 = tpu.memref_slice %arg4[%add3A, %dma_wait3A_44, %dma_wait3A_45, %dma_wait3A_46] : memref<32x80x1x128xi32, #tpu.memory_space<hbm>> -> memref<1x80x1x128xi32, #tpu.memory_space<hbm>>
      %dma_wait3A_48 = tpu.memref_squeeze %dma_wait3A_47 : memref<1x80x1x128xi32, #tpu.memory_space<hbm>> -> memref<80x1x128xi32, #tpu.memory_space<hbm>>
      tpu.wait_dma2 semaphore(%run_scoped3A : memref<!tpu.dma_semaphore, #tpu.memory_space<semaphore_mem>>) src(%dma_wait3A_48 : memref<80x1x128xi32, #tpu.memory_space<hbm>>) dst(%arg8 : memref<80x1x128xi32, #tpu.memory_space<vmem>>)
      tpu.yield
    }) : () -> ()
    %mul3A_8 = arith.constant 632 : i32
    %mul3A_9 = arith.muli %arg1, %mul3A_8 : i32
    "tpu.region"() ({
      %run_scoped3A = tpu.sem_alloc : memref<!tpu.dma_semaphore, #tpu.memory_space<semaphore_mem>>
      %dma_start3A_29 = arith.constant 0 : i32
      %dma_start3A_30 = tpu.memref_slice %arg11[%mul3A_9, %dma_start3A_29] : memref<10112x120xf32, #tpu.memory_space<vmem_shared>> -> memref<632x120xf32, #tpu.memory_space<vmem_shared>>
      tpu.enqueue_dma source(%arg5 : memref<632x120xf32, #tpu.memory_space<hbm>>) target(%dma_start3A_30 : memref<632x120xf32, #tpu.memory_space<vmem_shared>>) target_semaphore(%run_scoped3A : memref<!tpu.dma_semaphore, #tpu.memory_space<semaphore_mem>>)
      %dma_wait3A_31 = arith.constant 0 : i32
      %dma_wait3A_32 = tpu.memref_slice %arg11[%mul3A_9, %dma_wait3A_31] : memref<10112x120xf32, #tpu.memory_space<vmem_shared>> -> memref<632x120xf32, #tpu.memory_space<vmem_shared>>
      tpu.wait_dma2 semaphore(%run_scoped3A : memref<!tpu.dma_semaphore, #tpu.memory_space<semaphore_mem>>) src(%arg5 : memref<632x120xf32, #tpu.memory_space<hbm>>) dst(%dma_wait3A_32 : memref<632x120xf32, #tpu.memory_space<vmem_shared>>)
      tpu.yield
    }) : () -> ()
    %barrier3A = arith.constant 0 : index
    tpu.barrier barrier_id(%barrier3A)
    %scan3A = arith.constant 0 : i32
    %scan3A_10 = arith.constant 0 : i32
    %scan3A_11 = arith.constant 40 : i32
    %scan3A_12 = arith.addi %scan3A_10, %scan3A_11 : i32
    %scan3A_13 = arith.constant 1 : i32
    scf.for %scan3A_29 = %scan3A_10 to %scan3A_12 step %scan3A_13  : i32 {
      %mul3A_30 = arith.constant 2 : i32
      %mul3A_31 = arith.muli %mul3A_30, %scan3A_29 : i32
      %dma_wait3A_32 = arith.constant 0 : i32
      %dma_wait3A_33 = arith.constant 0 : i32
      %dma_wait3A_34 = tpu.memref_slice %arg7[%mul3A_31, %dma_wait3A_32, %dma_wait3A_33] : memref<80x1x128xi32, #tpu.memory_space<vmem>> -> memref<1x1x128xi32, #tpu.memory_space<vmem>>
      %dma_wait3A_35 = tpu.memref_squeeze %dma_wait3A_34 : memref<1x1x128xi32, #tpu.memory_space<vmem>> -> memref<128xi32, #tpu.memory_space<vmem>>
      %dma_wait3A_36 = arith.constant 0 : i32
      %dma_wait3A_37 = arith.constant 0 : i32
      %dma_wait3A_38 = tpu.memref_slice %arg2[%dma_wait3A_36, %dma_wait3A_37] : memref<10000x120xf32, #tpu.memory_space<hbm>> -> memref<10000x120xf32, #tpu.memory_space<hbm>>
      tpu.wait_indirect_dma semaphore(%arg12 : memref<!tpu.dma_semaphore, #tpu.memory_space<semaphore_mem>>) src(%dma_wait3A_38 : memref<10000x120xf32, #tpu.memory_space<hbm>>) dst(%arg9 : memref<128x120xf32, #tpu.memory_space<vmem>>)
      %dma_start3A_39 = arith.constant 0 : i32
      %dma_start3A_40 = arith.constant 0 : i32
      %dma_start3A_41 = tpu.memref_slice %arg8[%mul3A_31, %dma_start3A_39, %dma_start3A_40] : memref<80x1x128xi32, #tpu.memory_space<vmem>> -> memref<1x1x128xi32, #tpu.memory_space<vmem>>
      %dma_start3A_42 = tpu.memref_squeeze %dma_start3A_41 : memref<1x1x128xi32, #tpu.memory_space<vmem>> -> memref<128xi32, #tpu.memory_space<vmem>>
      %dma_start3A_43 = arith.constant 0 : i32
      %dma_start3A_44 = arith.constant 0 : i32
      %dma_start3A_45 = tpu.memref_slice %arg11[%dma_start3A_43, %dma_start3A_44] : memref<10112x120xf32, #tpu.memory_space<vmem_shared>> -> memref<10112x120xf32, #tpu.memory_space<vmem_shared>>
      tpu.enqueue_indirect_dma source(%arg9 : memref<128x120xf32, #tpu.memory_space<vmem>>) target(%dma_start3A_45 : memref<10112x120xf32, #tpu.memory_space<vmem_shared>>) offsets(%dma_start3A_42 : memref<128xi32, #tpu.memory_space<vmem>>) semaphore(%arg14 : memref<!tpu.dma_semaphore, #tpu.memory_space<semaphore_mem>>) {add = true}
      %gt3A = arith.constant 0 : i32
      %gt3A_46 = arith.cmpi sgt, %scan3A_29, %gt3A : i32
      %convert_element_type3A_47 = arith.extui %gt3A_46 : i1 to i32
      %cond3A_48 = arith.constant 0 : i32
      %cond3A_49 = arith.cmpi ne, %convert_element_type3A_47, %cond3A_48 : i32
      scf.if %cond3A_49 {
        %sub3A = arith.constant 1 : i32
        %sub3A_89 = arith.subi %mul3A_31, %sub3A : i32
        %dma_wait3A_90 = arith.constant 0 : i32
        %dma_wait3A_91 = arith.constant 0 : i32
        %dma_wait3A_92 = tpu.memref_slice %arg8[%sub3A_89, %dma_wait3A_90, %dma_wait3A_91] : memref<80x1x128xi32, #tpu.memory_space<vmem>> -> memref<1x1x128xi32, #tpu.memory_space<vmem>>
        %dma_wait3A_93 = tpu.memref_squeeze %dma_wait3A_92 : memref<1x1x128xi32, #tpu.memory_space<vmem>> -> memref<128xi32, #tpu.memory_space<vmem>>
        %dma_wait3A_94 = arith.constant 0 : i32
        %dma_wait3A_95 = arith.constant 0 : i32
        %dma_wait3A_96 = tpu.memref_slice %arg11[%dma_wait3A_94, %dma_wait3A_95] : memref<10112x120xf32, #tpu.memory_space<vmem_shared>> -> memref<10112x120xf32, #tpu.memory_space<vmem_shared>>
        tpu.wait_indirect_dma semaphore(%arg15 : memref<!tpu.dma_semaphore, #tpu.memory_space<semaphore_mem>>) src(%arg10 : memref<128x120xf32, #tpu.memory_space<vmem>>) dst(%dma_wait3A_96 : memref<10112x120xf32, #tpu.memory_space<vmem_shared>>)
      } else {
      }
      %add3A_50 = arith.constant 1 : i32
      %add3A_51 = arith.addi %mul3A_31, %add3A_50 : i32
      %dma_start3A_52 = arith.constant 0 : i32
      %dma_start3A_53 = arith.constant 0 : i32
      %dma_start3A_54 = tpu.memref_slice %arg7[%add3A_51, %dma_start3A_52, %dma_start3A_53] : memref<80x1x128xi32, #tpu.memory_space<vmem>> -> memref<1x1x128xi32, #tpu.memory_space<vmem>>
      %dma_start3A_55 = tpu.memref_squeeze %dma_start3A_54 : memref<1x1x128xi32, #tpu.memory_space<vmem>> -> memref<128xi32, #tpu.memory_space<vmem>>
      %dma_start3A_56 = arith.constant 0 : i32
      %dma_start3A_57 = arith.constant 0 : i32
      %dma_start3A_58 = tpu.memref_slice %arg2[%dma_start3A_56, %dma_start3A_57] : memref<10000x120xf32, #tpu.memory_space<hbm>> -> memref<10000x120xf32, #tpu.memory_space<hbm>>
      tpu.enqueue_indirect_dma source(%dma_start3A_58 : memref<10000x120xf32, #tpu.memory_space<hbm>>) target(%arg10 : memref<128x120xf32, #tpu.memory_space<vmem>>) offsets(%dma_start3A_55 : memref<128xi32, #tpu.memory_space<vmem>>) semaphore(%arg13 : memref<!tpu.dma_semaphore, #tpu.memory_space<semaphore_mem>>)
      %add3A_59 = arith.constant 1 : i32
      %add3A_60 = arith.addi %mul3A_31, %add3A_59 : i32
      %dma_wait3A_61 = arith.constant 0 : i32
      %dma_wait3A_62 = arith.constant 0 : i32
      %dma_wait3A_63 = tpu.memref_slice %arg7[%add3A_60, %dma_wait3A_61, %dma_wait3A_62] : memref<80x1x128xi32, #tpu.memory_space<vmem>> -> memref<1x1x128xi32, #tpu.memory_space<vmem>>
      %dma_wait3A_64 = tpu.memref_squeeze %dma_wait3A_63 : memref<1x1x128xi32, #tpu.memory_space<vmem>> -> memref<128xi32, #tpu.memory_space<vmem>>
      %dma_wait3A_65 = arith.constant 0 : i32
      %dma_wait3A_66 = arith.constant 0 : i32
      %dma_wait3A_67 = tpu.memref_slice %arg2[%dma_wait3A_65, %dma_wait3A_66] : memref<10000x120xf32, #tpu.memory_space<hbm>> -> memref<10000x120xf32, #tpu.memory_space<hbm>>
      tpu.wait_indirect_dma semaphore(%arg13 : memref<!tpu.dma_semaphore, #tpu.memory_space<semaphore_mem>>) src(%dma_wait3A_67 : memref<10000x120xf32, #tpu.memory_space<hbm>>) dst(%arg10 : memref<128x120xf32, #tpu.memory_space<vmem>>)
      %add3A_68 = arith.constant 1 : i32
      %add3A_69 = arith.addi %mul3A_31, %add3A_68 : i32
      %dma_start3A_70 = arith.constant 0 : i32
      %dma_start3A_71 = arith.constant 0 : i32
      %dma_start3A_72 = tpu.memref_slice %arg8[%add3A_69, %dma_start3A_70, %dma_start3A_71] : memref<80x1x128xi32, #tpu.memory_space<vmem>> -> memref<1x1x128xi32, #tpu.memory_space<vmem>>
      %dma_start3A_73 = tpu.memref_squeeze %dma_start3A_72 : memref<1x1x128xi32, #tpu.memory_space<vmem>> -> memref<128xi32, #tpu.memory_space<vmem>>
      %dma_start3A_74 = arith.constant 0 : i32
      %dma_start3A_75 = arith.constant 0 : i32
      %dma_start3A_76 = tpu.memref_slice %arg11[%dma_start3A_74, %dma_start3A_75] : memref<10112x120xf32, #tpu.memory_space<vmem_shared>> -> memref<10112x120xf32, #tpu.memory_space<vmem_shared>>
      tpu.enqueue_indirect_dma source(%arg10 : memref<128x120xf32, #tpu.memory_space<vmem>>) target(%dma_start3A_76 : memref<10112x120xf32, #tpu.memory_space<vmem_shared>>) offsets(%dma_start3A_73 : memref<128xi32, #tpu.memory_space<vmem>>) semaphore(%arg15 : memref<!tpu.dma_semaphore, #tpu.memory_space<semaphore_mem>>) {add = true}
      %dma_wait3A_77 = arith.constant 0 : i32
      %dma_wait3A_78 = arith.constant 0 : i32
      %dma_wait3A_79 = tpu.memref_slice %arg8[%mul3A_31, %dma_wait3A_77, %dma_wait3A_78] : memref<80x1x128xi32, #tpu.memory_space<vmem>> -> memref<1x1x128xi32, #tpu.memory_space<vmem>>
      %dma_wait3A_80 = tpu.memref_squeeze %dma_wait3A_79 : memref<1x1x128xi32, #tpu.memory_space<vmem>> -> memref<128xi32, #tpu.memory_space<vmem>>
      %dma_wait3A_81 = arith.constant 0 : i32
      %dma_wait3A_82 = arith.constant 0 : i32
      %dma_wait3A_83 = tpu.memref_slice %arg11[%dma_wait3A_81, %dma_wait3A_82] : memref<10112x120xf32, #tpu.memory_space<vmem_shared>> -> memref<10112x120xf32, #tpu.memory_space<vmem_shared>>
      tpu.wait_indirect_dma semaphore(%arg14 : memref<!tpu.dma_semaphore, #tpu.memory_space<semaphore_mem>>) src(%arg9 : memref<128x120xf32, #tpu.memory_space<vmem>>) dst(%dma_wait3A_83 : memref<10112x120xf32, #tpu.memory_space<vmem_shared>>)
      %lt3A_84 = arith.constant 39 : i32
      %lt3A_85 = arith.cmpi slt, %scan3A_29, %lt3A_84 : i32
      %convert_element_type3A_86 = arith.extui %lt3A_85 : i1 to i32
      %cond3A_87 = arith.constant 0 : i32
      %cond3A_88 = arith.cmpi ne, %convert_element_type3A_86, %cond3A_87 : i32
      scf.if %cond3A_88 {
        %add3A_89 = arith.constant 2 : i32
        %add3A_90 = arith.addi %mul3A_31, %add3A_89 : i32
        %dma_start3A_91 = arith.constant 0 : i32
        %dma_start3A_92 = arith.constant 0 : i32
        %dma_start3A_93 = tpu.memref_slice %arg7[%add3A_90, %dma_start3A_91, %dma_start3A_92] : memref<80x1x128xi32, #tpu.memory_space<vmem>> -> memref<1x1x128xi32, #tpu.memory_space<vmem>>
        %dma_start3A_94 = tpu.memref_squeeze %dma_start3A_93 : memref<1x1x128xi32, #tpu.memory_space<vmem>> -> memref<128xi32, #tpu.memory_space<vmem>>
        %dma_start3A_95 = arith.constant 0 : i32
        %dma_start3A_96 = arith.constant 0 : i32
        %dma_start3A_97 = tpu.memref_slice %arg2[%dma_start3A_95, %dma_start3A_96] : memref<10000x120xf32, #tpu.memory_space<hbm>> -> memref<10000x120xf32, #tpu.memory_space<hbm>>
        tpu.enqueue_indirect_dma source(%dma_start3A_97 : memref<10000x120xf32, #tpu.memory_space<hbm>>) target(%arg9 : memref<128x120xf32, #tpu.memory_space<vmem>>) offsets(%dma_start3A_94 : memref<128xi32, #tpu.memory_space<vmem>>) semaphore(%arg12 : memref<!tpu.dma_semaphore, #tpu.memory_space<semaphore_mem>>)
      } else {
      }
    }
    %scan3A_14 = arith.constant 40 : i32
    %dma_wait3A = arith.constant 79 : i32
    %dma_wait3A_15 = arith.constant 0 : i32
    %dma_wait3A_16 = arith.constant 0 : i32
    %dma_wait3A_17 = tpu.memref_slice %arg8[%dma_wait3A, %dma_wait3A_15, %dma_wait3A_16] : memref<80x1x128xi32, #tpu.memory_space<vmem>> -> memref<1x1x128xi32, #tpu.memory_space<vmem>>
    %dma_wait3A_18 = tpu.memref_squeeze %dma_wait3A_17 : memref<1x1x128xi32, #tpu.memory_space<vmem>> -> memref<128xi32, #tpu.memory_space<vmem>>
    %dma_wait3A_19 = arith.constant 0 : i32
    %dma_wait3A_20 = arith.constant 0 : i32
    %dma_wait3A_21 = tpu.memref_slice %arg11[%dma_wait3A_19, %dma_wait3A_20] : memref<10112x120xf32, #tpu.memory_space<vmem_shared>> -> memref<10112x120xf32, #tpu.memory_space<vmem_shared>>
    tpu.wait_indirect_dma semaphore(%arg15 : memref<!tpu.dma_semaphore, #tpu.memory_space<semaphore_mem>>) src(%arg10 : memref<128x120xf32, #tpu.memory_space<vmem>>) dst(%dma_wait3A_21 : memref<10112x120xf32, #tpu.memory_space<vmem_shared>>)
    %barrier3A_22 = arith.constant 0 : index
    tpu.barrier barrier_id(%barrier3A_22)
    %lt3A = arith.constant 15 : i32
    %lt3A_23 = arith.cmpi slt, %arg1, %lt3A : i32
    %convert_element_type3A = arith.extui %lt3A_23 : i1 to i32
    %cond3A = arith.constant 0 : i32
    %cond3A_24 = arith.cmpi ne, %convert_element_type3A, %cond3A : i32
    scf.if %cond3A_24 {
      %mul3A_29 = arith.constant 632 : i32
      %mul3A_30 = arith.muli %arg1, %mul3A_29 : i32
      %mul3A_31 = arith.constant 632 : i32
      %mul3A_32 = arith.muli %arg1, %mul3A_31 : i32
      "tpu.region"() ({
        %run_scoped3A = tpu.sem_alloc : memref<!tpu.dma_semaphore, #tpu.memory_space<semaphore_mem>>
        %dma_start3A_33 = arith.constant 0 : i32
        %dma_start3A_34 = tpu.memref_slice %arg6[%arg0, %mul3A_32, %dma_start3A_33] : memref<2x10000x120xf32, #tpu.memory_space<hbm>> -> memref<1x632x120xf32, #tpu.memory_space<hbm>>
        %dma_start3A_35 = tpu.memref_squeeze %dma_start3A_34 : memref<1x632x120xf32, #tpu.memory_space<hbm>> -> memref<632x120xf32, #tpu.memory_space<hbm>>
        %dma_start3A_36 = arith.constant 0 : i32
        %dma_start3A_37 = tpu.memref_slice %arg11[%mul3A_30, %dma_start3A_36] : memref<10112x120xf32, #tpu.memory_space<vmem_shared>> -> memref<632x120xf32, #tpu.memory_space<vmem_shared>>
        tpu.enqueue_dma source(%dma_start3A_37 : memref<632x120xf32, #tpu.memory_space<vmem_shared>>) target(%dma_start3A_35 : memref<632x120xf32, #tpu.memory_space<hbm>>) target_semaphore(%run_scoped3A : memref<!tpu.dma_semaphore, #tpu.memory_space<semaphore_mem>>)
        %dma_wait3A_38 = arith.constant 0 : i32
        %dma_wait3A_39 = tpu.memref_slice %arg6[%arg0, %mul3A_32, %dma_wait3A_38] : memref<2x10000x120xf32, #tpu.memory_space<hbm>> -> memref<1x632x120xf32, #tpu.memory_space<hbm>>
        %dma_wait3A_40 = tpu.memref_squeeze %dma_wait3A_39 : memref<1x632x120xf32, #tpu.memory_space<hbm>> -> memref<632x120xf32, #tpu.memory_space<hbm>>
        %dma_wait3A_41 = arith.constant 0 : i32
        %dma_wait3A_42 = tpu.memref_slice %arg11[%mul3A_30, %dma_wait3A_41] : memref<10112x120xf32, #tpu.memory_space<vmem_shared>> -> memref<632x120xf32, #tpu.memory_space<vmem_shared>>
        tpu.wait_dma2 semaphore(%run_scoped3A : memref<!tpu.dma_semaphore, #tpu.memory_space<semaphore_mem>>) src(%dma_wait3A_42 : memref<632x120xf32, #tpu.memory_space<vmem_shared>>) dst(%dma_wait3A_40 : memref<632x120xf32, #tpu.memory_space<hbm>>)
        tpu.yield
      }) : () -> ()
    } else {
    }
    %eq3A = arith.constant 15 : i32
    %eq3A_25 = arith.cmpi eq, %arg1, %eq3A : i32
    %convert_element_type3A_26 = arith.extui %eq3A_25 : i1 to i32
    %cond3A_27 = arith.constant 0 : i32
    %cond3A_28 = arith.cmpi ne, %convert_element_type3A_26, %cond3A_27 : i32
    scf.if %cond3A_28 {
      "tpu.region"() ({
        %run_scoped3A = tpu.sem_alloc : memref<!tpu.dma_semaphore, #tpu.memory_space<semaphore_mem>>
        %dma_start3A_29 = arith.constant 9480 : i32
        %dma_start3A_30 = arith.constant 0 : i32
        %dma_start3A_31 = tpu.memref_slice %arg6[%arg0, %dma_start3A_29, %dma_start3A_30] : memref<2x10000x120xf32, #tpu.memory_space<hbm>> -> memref<1x520x120xf32, #tpu.memory_space<hbm>>
        %dma_start3A_32 = tpu.memref_squeeze %dma_start3A_31 : memref<1x520x120xf32, #tpu.memory_space<hbm>> -> memref<520x120xf32, #tpu.memory_space<hbm>>
        %dma_start3A_33 = arith.constant 9480 : i32
        %dma_start3A_34 = arith.constant 0 : i32
        %dma_start3A_35 = tpu.memref_slice %arg11[%dma_start3A_33, %dma_start3A_34] : memref<10112x120xf32, #tpu.memory_space<vmem_shared>> -> memref<520x120xf32, #tpu.memory_space<vmem_shared>>
        tpu.enqueue_dma source(%dma_start3A_35 : memref<520x120xf32, #tpu.memory_space<vmem_shared>>) target(%dma_start3A_32 : memref<520x120xf32, #tpu.memory_space<hbm>>) target_semaphore(%run_scoped3A : memref<!tpu.dma_semaphore, #tpu.memory_space<semaphore_mem>>)
        %dma_wait3A_36 = arith.constant 9480 : i32
        %dma_wait3A_37 = arith.constant 0 : i32
        %dma_wait3A_38 = tpu.memref_slice %arg6[%arg0, %dma_wait3A_36, %dma_wait3A_37] : memref<2x10000x120xf32, #tpu.memory_space<hbm>> -> memref<1x520x120xf32, #tpu.memory_space<hbm>>
        %dma_wait3A_39 = tpu.memref_squeeze %dma_wait3A_38 : memref<1x520x120xf32, #tpu.memory_space<hbm>> -> memref<520x120xf32, #tpu.memory_space<hbm>>
        %dma_wait3A_40 = arith.constant 9480 : i32
        %dma_wait3A_41 = arith.constant 0 : i32
        %dma_wait3A_42 = tpu.memref_slice %arg11[%dma_wait3A_40, %dma_wait3A_41] : memref<10112x120xf32, #tpu.memory_space<vmem_shared>> -> memref<520x120xf32, #tpu.memory_space<vmem_shared>>
        tpu.wait_dma2 semaphore(%run_scoped3A : memref<!tpu.dma_semaphore, #tpu.memory_space<semaphore_mem>>) src(%dma_wait3A_42 : memref<520x120xf32, #tpu.memory_space<vmem_shared>>) dst(%dma_wait3A_39 : memref<520x120xf32, #tpu.memory_space<hbm>>)
        tpu.yield
      }) : () -> ()
    } else {
    }
    return
  }
}

#map = affine_map<(d0, d1) -> (0, 0)>
#map1 = affine_map<(d0, d1) -> (0, 0, 0, 0)>
#map2 = affine_map<(d0, d1) -> (0, 0, 0)>
module attributes {stable_mosaic.version = 14 : i64} {
  func.func @kern(%arg0: i32, %arg1: i32, %arg2: memref<10000x64xf32, #tpu.memory_space<hbm>>, %arg3: memref<32x80x1x128xi32, #tpu.memory_space<hbm>>, %arg4: memref<32x80x1x128xi32, #tpu.memory_space<hbm>>, %arg5: memref<632x64xf32, #tpu.memory_space<hbm>>, %arg6: memref<2x10000x64xf32, #tpu.memory_space<hbm>>, %arg7: memref<80x1x128xi32, #tpu.memory_space<vmem>>, %arg8: memref<80x1x128xi32, #tpu.memory_space<vmem>>, %arg9: memref<128x64xf32, #tpu.memory_space<vmem>>, %arg10: memref<128x64xf32, #tpu.memory_space<vmem>>, %arg11: memref<10112x64xf32, #tpu.memory_space<vmem_shared>>, %arg12: memref<!tpu.dma_semaphore, #tpu.memory_space<semaphore_mem>>, %arg13: memref<!tpu.dma_semaphore, #tpu.memory_space<semaphore_mem>>, %arg14: memref<!tpu.dma_semaphore, #tpu.memory_space<semaphore_mem>>, %arg15: memref<!tpu.dma_semaphore, #tpu.memory_space<semaphore_mem>>) attributes {dimension_semantics = [#tpu.dimension_semantics<core_parallel>, #tpu.dimension_semantics<subcore_parallel>], iteration_bounds = array<i64: 2, 16>, scalar_prefetch = 0 : i64, scratch_operands = 9 : i64, tpu.core_type = #tpu.core_type<sc_vector_subcore>, window_params = [{transform_indices = #map}, {transform_indices = #map1}, {transform_indices = #map1}, {transform_indices = #map}, {transform_indices = #map2}]} {
    %mul3A = arith.constant 2 : i32
    %mul3A_0 = arith.muli %arg1, %mul3A : i32
    %add3A = arith.addi %mul3A_0, %arg0 : i32
    "tpu.region"() ({
      %run_scoped3A = tpu.sem_alloc : memref<!tpu.dma_semaphore, #tpu.memory_space<semaphore_mem>>
      %dma_start3A_29 = arith.constant 0 : i32
      %dma_start3A_30 = arith.constant 0 : i32
      %dma_start3A_31 = arith.constant 0 : i32
      %dma_start3A_32 = tpu.memref_slice %arg3[%add3A, %dma_start3A_29, %dma_start3A_30, %dma_start3A_31] : memref<32x80x1x128xi32, #tpu.memory_space<hbm>> -> memref<1x80x1x128xi32, #tpu.memory_space<hbm>>
      %dma_start3A_33 = tpu.memref_squeeze %dma_start3A_32 : memref<1x80x1x128xi32, #tpu.memory_space<hbm>> -> memref<80x1x128xi32, #tpu.memory_space<hbm>>
      %dma_start3A_34 = arith.constant 0 : i32
      %dma_start3A_35 = arith.constant 0 : i32
      %dma_start3A_36 = arith.constant 0 : i32
      %dma_start3A_37 = tpu.memref_slice %arg3[%add3A, %dma_start3A_34, %dma_start3A_35, %dma_start3A_36] : memref<32x80x1x128xi32, #tpu.memory_space<hbm>> -> memref<1x80x1x128xi32, #tpu.memory_space<hbm>>
      %dma_start3A_38 = tpu.memref_squeeze %dma_start3A_37 : memref<1x80x1x128xi32, #tpu.memory_space<hbm>> -> memref<80x1x128xi32, #tpu.memory_space<hbm>>
      tpu.enqueue_dma source(%dma_start3A_38 : memref<80x1x128xi32, #tpu.memory_space<hbm>>) target(%arg7 : memref<80x1x128xi32, #tpu.memory_space<vmem>>) target_semaphore(%run_scoped3A : memref<!tpu.dma_semaphore, #tpu.memory_space<semaphore_mem>>)
      %dma_wait3A_39 = arith.constant 0 : i32
      %dma_wait3A_40 = arith.constant 0 : i32
      %dma_wait3A_41 = arith.constant 0 : i32
      %dma_wait3A_42 = tpu.memref_slice %arg3[%add3A, %dma_wait3A_39, %dma_wait3A_40, %dma_wait3A_41] : memref<32x80x1x128xi32, #tpu.memory_space<hbm>> -> memref<1x80x1x128xi32, #tpu.memory_space<hbm>>
      %dma_wait3A_43 = tpu.memref_squeeze %dma_wait3A_42 : memref<1x80x1x128xi32, #tpu.memory_space<hbm>> -> memref<80x1x128xi32, #tpu.memory_space<hbm>>
      %dma_wait3A_44 = arith.constant 0 : i32
      %dma_wait3A_45 = arith.constant 0 : i32
      %dma_wait3A_46 = arith.constant 0 : i32
      %dma_wait3A_47 = tpu.memref_slice %arg3[%add3A, %dma_wait3A_44, %dma_wait3A_45, %dma_wait3A_46] : memref<32x80x1x128xi32, #tpu.memory_space<hbm>> -> memref<1x80x1x128xi32, #tpu.memory_space<hbm>>
      %dma_wait3A_48 = tpu.memref_squeeze %dma_wait3A_47 : memref<1x80x1x128xi32, #tpu.memory_space<hbm>> -> memref<80x1x128xi32, #tpu.memory_space<hbm>>
      tpu.wait_dma2 semaphore(%run_scoped3A : memref<!tpu.dma_semaphore, #tpu.memory_space<semaphore_mem>>) src(%dma_wait3A_48 : memref<80x1x128xi32, #tpu.memory_space<hbm>>) dst(%arg7 : memref<80x1x128xi32, #tpu.memory_space<vmem>>)
      tpu.yield
    }) : () -> ()
    %dma_start3A = arith.constant 0 : i32
    %dma_start3A_1 = arith.constant 0 : i32
    %dma_start3A_2 = arith.constant 0 : i32
    %dma_start3A_3 = tpu.memref_slice %arg7[%dma_start3A, %dma_start3A_1, %dma_start3A_2] : memref<80x1x128xi32, #tpu.memory_space<vmem>> -> memref<1x1x128xi32, #tpu.memory_space<vmem>>
    %dma_start3A_4 = tpu.memref_squeeze %dma_start3A_3 : memref<1x1x128xi32, #tpu.memory_space<vmem>> -> memref<128xi32, #tpu.memory_space<vmem>>
    %dma_start3A_5 = arith.constant 0 : i32
    %dma_start3A_6 = arith.constant 0 : i32
    %dma_start3A_7 = tpu.memref_slice %arg2[%dma_start3A_5, %dma_start3A_6] : memref<10000x64xf32, #tpu.memory_space<hbm>> -> memref<10000x64xf32, #tpu.memory_space<hbm>>
    tpu.enqueue_indirect_dma source(%dma_start3A_7 : memref<10000x64xf32, #tpu.memory_space<hbm>>) target(%arg9 : memref<128x64xf32, #tpu.memory_space<vmem>>) offsets(%dma_start3A_4 : memref<128xi32, #tpu.memory_space<vmem>>) semaphore(%arg12 : memref<!tpu.dma_semaphore, #tpu.memory_space<semaphore_mem>>)
    "tpu.region"() ({
      %run_scoped3A = tpu.sem_alloc : memref<!tpu.dma_semaphore, #tpu.memory_space<semaphore_mem>>
      %dma_start3A_29 = arith.constant 0 : i32
      %dma_start3A_30 = arith.constant 0 : i32
      %dma_start3A_31 = arith.constant 0 : i32
      %dma_start3A_32 = tpu.memref_slice %arg4[%add3A, %dma_start3A_29, %dma_start3A_30, %dma_start3A_31] : memref<32x80x1x128xi32, #tpu.memory_space<hbm>> -> memref<1x80x1x128xi32, #tpu.memory_space<hbm>>
      %dma_start3A_33 = tpu.memref_squeeze %dma_start3A_32 : memref<1x80x1x128xi32, #tpu.memory_space<hbm>> -> memref<80x1x128xi32, #tpu.memory_space<hbm>>
      %dma_start3A_34 = arith.constant 0 : i32
      %dma_start3A_35 = arith.constant 0 : i32
      %dma_start3A_36 = arith.constant 0 : i32
      %dma_start3A_37 = tpu.memref_slice %arg4[%add3A, %dma_start3A_34, %dma_start3A_35, %dma_start3A_36] : memref<32x80x1x128xi32, #tpu.memory_space<hbm>> -> memref<1x80x1x128xi32, #tpu.memory_space<hbm>>
      %dma_start3A_38 = tpu.memref_squeeze %dma_start3A_37 : memref<1x80x1x128xi32, #tpu.memory_space<hbm>> -> memref<80x1x128xi32, #tpu.memory_space<hbm>>
      tpu.enqueue_dma source(%dma_start3A_38 : memref<80x1x128xi32, #tpu.memory_space<hbm>>) target(%arg8 : memref<80x1x128xi32, #tpu.memory_space<vmem>>) target_semaphore(%run_scoped3A : memref<!tpu.dma_semaphore, #tpu.memory_space<semaphore_mem>>)
      %dma_wait3A_39 = arith.constant 0 : i32
      %dma_wait3A_40 = arith.constant 0 : i32
      %dma_wait3A_41 = arith.constant 0 : i32
      %dma_wait3A_42 = tpu.memref_slice %arg4[%add3A, %dma_wait3A_39, %dma_wait3A_40, %dma_wait3A_41] : memref<32x80x1x128xi32, #tpu.memory_space<hbm>> -> memref<1x80x1x128xi32, #tpu.memory_space<hbm>>
      %dma_wait3A_43 = tpu.memref_squeeze %dma_wait3A_42 : memref<1x80x1x128xi32, #tpu.memory_space<hbm>> -> memref<80x1x128xi32, #tpu.memory_space<hbm>>
      %dma_wait3A_44 = arith.constant 0 : i32
      %dma_wait3A_45 = arith.constant 0 : i32
      %dma_wait3A_46 = arith.constant 0 : i32
      %dma_wait3A_47 = tpu.memref_slice %arg4[%add3A, %dma_wait3A_44, %dma_wait3A_45, %dma_wait3A_46] : memref<32x80x1x128xi32, #tpu.memory_space<hbm>> -> memref<1x80x1x128xi32, #tpu.memory_space<hbm>>
      %dma_wait3A_48 = tpu.memref_squeeze %dma_wait3A_47 : memref<1x80x1x128xi32, #tpu.memory_space<hbm>> -> memref<80x1x128xi32, #tpu.memory_space<hbm>>
      tpu.wait_dma2 semaphore(%run_scoped3A : memref<!tpu.dma_semaphore, #tpu.memory_space<semaphore_mem>>) src(%dma_wait3A_48 : memref<80x1x128xi32, #tpu.memory_space<hbm>>) dst(%arg8 : memref<80x1x128xi32, #tpu.memory_space<vmem>>)
      tpu.yield
    }) : () -> ()
    %mul3A_8 = arith.constant 632 : i32
    %mul3A_9 = arith.muli %arg1, %mul3A_8 : i32
    "tpu.region"() ({
      %run_scoped3A = tpu.sem_alloc : memref<!tpu.dma_semaphore, #tpu.memory_space<semaphore_mem>>
      %dma_start3A_29 = arith.constant 0 : i32
      %dma_start3A_30 = tpu.memref_slice %arg11[%mul3A_9, %dma_start3A_29] : memref<10112x64xf32, #tpu.memory_space<vmem_shared>> -> memref<632x64xf32, #tpu.memory_space<vmem_shared>>
      tpu.enqueue_dma source(%arg5 : memref<632x64xf32, #tpu.memory_space<hbm>>) target(%dma_start3A_30 : memref<632x64xf32, #tpu.memory_space<vmem_shared>>) target_semaphore(%run_scoped3A : memref<!tpu.dma_semaphore, #tpu.memory_space<semaphore_mem>>)
      %dma_wait3A_31 = arith.constant 0 : i32
      %dma_wait3A_32 = tpu.memref_slice %arg11[%mul3A_9, %dma_wait3A_31] : memref<10112x64xf32, #tpu.memory_space<vmem_shared>> -> memref<632x64xf32, #tpu.memory_space<vmem_shared>>
      tpu.wait_dma2 semaphore(%run_scoped3A : memref<!tpu.dma_semaphore, #tpu.memory_space<semaphore_mem>>) src(%arg5 : memref<632x64xf32, #tpu.memory_space<hbm>>) dst(%dma_wait3A_32 : memref<632x64xf32, #tpu.memory_space<vmem_shared>>)
      tpu.yield
    }) : () -> ()
    %barrier3A = arith.constant 0 : index
    tpu.barrier barrier_id(%barrier3A)
    %scan3A = arith.constant 0 : i32
    %scan3A_10 = arith.constant 0 : i32
    %scan3A_11 = arith.constant 40 : i32
    %scan3A_12 = arith.addi %scan3A_10, %scan3A_11 : i32
    %scan3A_13 = arith.constant 1 : i32
    scf.for %scan3A_29 = %scan3A_10 to %scan3A_12 step %scan3A_13  : i32 {
      %mul3A_30 = arith.constant 2 : i32
      %mul3A_31 = arith.muli %mul3A_30, %scan3A_29 : i32
      %dma_wait3A_32 = arith.constant 0 : i32
      %dma_wait3A_33 = arith.constant 0 : i32
      %dma_wait3A_34 = tpu.memref_slice %arg7[%mul3A_31, %dma_wait3A_32, %dma_wait3A_33] : memref<80x1x128xi32, #tpu.memory_space<vmem>> -> memref<1x1x128xi32, #tpu.memory_space<vmem>>
      %dma_wait3A_35 = tpu.memref_squeeze %dma_wait3A_34 : memref<1x1x128xi32, #tpu.memory_space<vmem>> -> memref<128xi32, #tpu.memory_space<vmem>>
      %dma_wait3A_36 = arith.constant 0 : i32
      %dma_wait3A_37 = arith.constant 0 : i32
      %dma_wait3A_38 = tpu.memref_slice %arg2[%dma_wait3A_36, %dma_wait3A_37] : memref<10000x64xf32, #tpu.memory_space<hbm>> -> memref<10000x64xf32, #tpu.memory_space<hbm>>
      tpu.wait_indirect_dma semaphore(%arg12 : memref<!tpu.dma_semaphore, #tpu.memory_space<semaphore_mem>>) src(%dma_wait3A_38 : memref<10000x64xf32, #tpu.memory_space<hbm>>) dst(%arg9 : memref<128x64xf32, #tpu.memory_space<vmem>>)
      %dma_start3A_39 = arith.constant 0 : i32
      %dma_start3A_40 = arith.constant 0 : i32
      %dma_start3A_41 = tpu.memref_slice %arg8[%mul3A_31, %dma_start3A_39, %dma_start3A_40] : memref<80x1x128xi32, #tpu.memory_space<vmem>> -> memref<1x1x128xi32, #tpu.memory_space<vmem>>
      %dma_start3A_42 = tpu.memref_squeeze %dma_start3A_41 : memref<1x1x128xi32, #tpu.memory_space<vmem>> -> memref<128xi32, #tpu.memory_space<vmem>>
      %dma_start3A_43 = arith.constant 0 : i32
      %dma_start3A_44 = arith.constant 0 : i32
      %dma_start3A_45 = tpu.memref_slice %arg11[%dma_start3A_43, %dma_start3A_44] : memref<10112x64xf32, #tpu.memory_space<vmem_shared>> -> memref<10112x64xf32, #tpu.memory_space<vmem_shared>>
      tpu.enqueue_indirect_dma source(%arg9 : memref<128x64xf32, #tpu.memory_space<vmem>>) target(%dma_start3A_45 : memref<10112x64xf32, #tpu.memory_space<vmem_shared>>) offsets(%dma_start3A_42 : memref<128xi32, #tpu.memory_space<vmem>>) semaphore(%arg14 : memref<!tpu.dma_semaphore, #tpu.memory_space<semaphore_mem>>) {add = true}
      %gt3A = arith.constant 0 : i32
      %gt3A_46 = arith.cmpi sgt, %scan3A_29, %gt3A : i32
      %convert_element_type3A_47 = arith.extui %gt3A_46 : i1 to i32
      %cond3A_48 = arith.constant 0 : i32
      %cond3A_49 = arith.cmpi ne, %convert_element_type3A_47, %cond3A_48 : i32
      scf.if %cond3A_49 {
        %sub3A = arith.constant 1 : i32
        %sub3A_89 = arith.subi %mul3A_31, %sub3A : i32
        %dma_wait3A_90 = arith.constant 0 : i32
        %dma_wait3A_91 = arith.constant 0 : i32
        %dma_wait3A_92 = tpu.memref_slice %arg8[%sub3A_89, %dma_wait3A_90, %dma_wait3A_91] : memref<80x1x128xi32, #tpu.memory_space<vmem>> -> memref<1x1x128xi32, #tpu.memory_space<vmem>>
        %dma_wait3A_93 = tpu.memref_squeeze %dma_wait3A_92 : memref<1x1x128xi32, #tpu.memory_space<vmem>> -> memref<128xi32, #tpu.memory_space<vmem>>
        %dma_wait3A_94 = arith.constant 0 : i32
        %dma_wait3A_95 = arith.constant 0 : i32
        %dma_wait3A_96 = tpu.memref_slice %arg11[%dma_wait3A_94, %dma_wait3A_95] : memref<10112x64xf32, #tpu.memory_space<vmem_shared>> -> memref<10112x64xf32, #tpu.memory_space<vmem_shared>>
        tpu.wait_indirect_dma semaphore(%arg15 : memref<!tpu.dma_semaphore, #tpu.memory_space<semaphore_mem>>) src(%arg10 : memref<128x64xf32, #tpu.memory_space<vmem>>) dst(%dma_wait3A_96 : memref<10112x64xf32, #tpu.memory_space<vmem_shared>>)
      } else {
      }
      %add3A_50 = arith.constant 1 : i32
      %add3A_51 = arith.addi %mul3A_31, %add3A_50 : i32
      %dma_start3A_52 = arith.constant 0 : i32
      %dma_start3A_53 = arith.constant 0 : i32
      %dma_start3A_54 = tpu.memref_slice %arg7[%add3A_51, %dma_start3A_52, %dma_start3A_53] : memref<80x1x128xi32, #tpu.memory_space<vmem>> -> memref<1x1x128xi32, #tpu.memory_space<vmem>>
      %dma_start3A_55 = tpu.memref_squeeze %dma_start3A_54 : memref<1x1x128xi32, #tpu.memory_space<vmem>> -> memref<128xi32, #tpu.memory_space<vmem>>
      %dma_start3A_56 = arith.constant 0 : i32
      %dma_start3A_57 = arith.constant 0 : i32
      %dma_start3A_58 = tpu.memref_slice %arg2[%dma_start3A_56, %dma_start3A_57] : memref<10000x64xf32, #tpu.memory_space<hbm>> -> memref<10000x64xf32, #tpu.memory_space<hbm>>
      tpu.enqueue_indirect_dma source(%dma_start3A_58 : memref<10000x64xf32, #tpu.memory_space<hbm>>) target(%arg10 : memref<128x64xf32, #tpu.memory_space<vmem>>) offsets(%dma_start3A_55 : memref<128xi32, #tpu.memory_space<vmem>>) semaphore(%arg13 : memref<!tpu.dma_semaphore, #tpu.memory_space<semaphore_mem>>)
      %add3A_59 = arith.constant 1 : i32
      %add3A_60 = arith.addi %mul3A_31, %add3A_59 : i32
      %dma_wait3A_61 = arith.constant 0 : i32
      %dma_wait3A_62 = arith.constant 0 : i32
      %dma_wait3A_63 = tpu.memref_slice %arg7[%add3A_60, %dma_wait3A_61, %dma_wait3A_62] : memref<80x1x128xi32, #tpu.memory_space<vmem>> -> memref<1x1x128xi32, #tpu.memory_space<vmem>>
      %dma_wait3A_64 = tpu.memref_squeeze %dma_wait3A_63 : memref<1x1x128xi32, #tpu.memory_space<vmem>> -> memref<128xi32, #tpu.memory_space<vmem>>
      %dma_wait3A_65 = arith.constant 0 : i32
      %dma_wait3A_66 = arith.constant 0 : i32
      %dma_wait3A_67 = tpu.memref_slice %arg2[%dma_wait3A_65, %dma_wait3A_66] : memref<10000x64xf32, #tpu.memory_space<hbm>> -> memref<10000x64xf32, #tpu.memory_space<hbm>>
      tpu.wait_indirect_dma semaphore(%arg13 : memref<!tpu.dma_semaphore, #tpu.memory_space<semaphore_mem>>) src(%dma_wait3A_67 : memref<10000x64xf32, #tpu.memory_space<hbm>>) dst(%arg10 : memref<128x64xf32, #tpu.memory_space<vmem>>)
      %add3A_68 = arith.constant 1 : i32
      %add3A_69 = arith.addi %mul3A_31, %add3A_68 : i32
      %dma_start3A_70 = arith.constant 0 : i32
      %dma_start3A_71 = arith.constant 0 : i32
      %dma_start3A_72 = tpu.memref_slice %arg8[%add3A_69, %dma_start3A_70, %dma_start3A_71] : memref<80x1x128xi32, #tpu.memory_space<vmem>> -> memref<1x1x128xi32, #tpu.memory_space<vmem>>
      %dma_start3A_73 = tpu.memref_squeeze %dma_start3A_72 : memref<1x1x128xi32, #tpu.memory_space<vmem>> -> memref<128xi32, #tpu.memory_space<vmem>>
      %dma_start3A_74 = arith.constant 0 : i32
      %dma_start3A_75 = arith.constant 0 : i32
      %dma_start3A_76 = tpu.memref_slice %arg11[%dma_start3A_74, %dma_start3A_75] : memref<10112x64xf32, #tpu.memory_space<vmem_shared>> -> memref<10112x64xf32, #tpu.memory_space<vmem_shared>>
      tpu.enqueue_indirect_dma source(%arg10 : memref<128x64xf32, #tpu.memory_space<vmem>>) target(%dma_start3A_76 : memref<10112x64xf32, #tpu.memory_space<vmem_shared>>) offsets(%dma_start3A_73 : memref<128xi32, #tpu.memory_space<vmem>>) semaphore(%arg15 : memref<!tpu.dma_semaphore, #tpu.memory_space<semaphore_mem>>) {add = true}
      %dma_wait3A_77 = arith.constant 0 : i32
      %dma_wait3A_78 = arith.constant 0 : i32
      %dma_wait3A_79 = tpu.memref_slice %arg8[%mul3A_31, %dma_wait3A_77, %dma_wait3A_78] : memref<80x1x128xi32, #tpu.memory_space<vmem>> -> memref<1x1x128xi32, #tpu.memory_space<vmem>>
      %dma_wait3A_80 = tpu.memref_squeeze %dma_wait3A_79 : memref<1x1x128xi32, #tpu.memory_space<vmem>> -> memref<128xi32, #tpu.memory_space<vmem>>
      %dma_wait3A_81 = arith.constant 0 : i32
      %dma_wait3A_82 = arith.constant 0 : i32
      %dma_wait3A_83 = tpu.memref_slice %arg11[%dma_wait3A_81, %dma_wait3A_82] : memref<10112x64xf32, #tpu.memory_space<vmem_shared>> -> memref<10112x64xf32, #tpu.memory_space<vmem_shared>>
      tpu.wait_indirect_dma semaphore(%arg14 : memref<!tpu.dma_semaphore, #tpu.memory_space<semaphore_mem>>) src(%arg9 : memref<128x64xf32, #tpu.memory_space<vmem>>) dst(%dma_wait3A_83 : memref<10112x64xf32, #tpu.memory_space<vmem_shared>>)
      %lt3A_84 = arith.constant 39 : i32
      %lt3A_85 = arith.cmpi slt, %scan3A_29, %lt3A_84 : i32
      %convert_element_type3A_86 = arith.extui %lt3A_85 : i1 to i32
      %cond3A_87 = arith.constant 0 : i32
      %cond3A_88 = arith.cmpi ne, %convert_element_type3A_86, %cond3A_87 : i32
      scf.if %cond3A_88 {
        %add3A_89 = arith.constant 2 : i32
        %add3A_90 = arith.addi %mul3A_31, %add3A_89 : i32
        %dma_start3A_91 = arith.constant 0 : i32
        %dma_start3A_92 = arith.constant 0 : i32
        %dma_start3A_93 = tpu.memref_slice %arg7[%add3A_90, %dma_start3A_91, %dma_start3A_92] : memref<80x1x128xi32, #tpu.memory_space<vmem>> -> memref<1x1x128xi32, #tpu.memory_space<vmem>>
        %dma_start3A_94 = tpu.memref_squeeze %dma_start3A_93 : memref<1x1x128xi32, #tpu.memory_space<vmem>> -> memref<128xi32, #tpu.memory_space<vmem>>
        %dma_start3A_95 = arith.constant 0 : i32
        %dma_start3A_96 = arith.constant 0 : i32
        %dma_start3A_97 = tpu.memref_slice %arg2[%dma_start3A_95, %dma_start3A_96] : memref<10000x64xf32, #tpu.memory_space<hbm>> -> memref<10000x64xf32, #tpu.memory_space<hbm>>
        tpu.enqueue_indirect_dma source(%dma_start3A_97 : memref<10000x64xf32, #tpu.memory_space<hbm>>) target(%arg9 : memref<128x64xf32, #tpu.memory_space<vmem>>) offsets(%dma_start3A_94 : memref<128xi32, #tpu.memory_space<vmem>>) semaphore(%arg12 : memref<!tpu.dma_semaphore, #tpu.memory_space<semaphore_mem>>)
      } else {
      }
    }
    %scan3A_14 = arith.constant 40 : i32
    %dma_wait3A = arith.constant 79 : i32
    %dma_wait3A_15 = arith.constant 0 : i32
    %dma_wait3A_16 = arith.constant 0 : i32
    %dma_wait3A_17 = tpu.memref_slice %arg8[%dma_wait3A, %dma_wait3A_15, %dma_wait3A_16] : memref<80x1x128xi32, #tpu.memory_space<vmem>> -> memref<1x1x128xi32, #tpu.memory_space<vmem>>
    %dma_wait3A_18 = tpu.memref_squeeze %dma_wait3A_17 : memref<1x1x128xi32, #tpu.memory_space<vmem>> -> memref<128xi32, #tpu.memory_space<vmem>>
    %dma_wait3A_19 = arith.constant 0 : i32
    %dma_wait3A_20 = arith.constant 0 : i32
    %dma_wait3A_21 = tpu.memref_slice %arg11[%dma_wait3A_19, %dma_wait3A_20] : memref<10112x64xf32, #tpu.memory_space<vmem_shared>> -> memref<10112x64xf32, #tpu.memory_space<vmem_shared>>
    tpu.wait_indirect_dma semaphore(%arg15 : memref<!tpu.dma_semaphore, #tpu.memory_space<semaphore_mem>>) src(%arg10 : memref<128x64xf32, #tpu.memory_space<vmem>>) dst(%dma_wait3A_21 : memref<10112x64xf32, #tpu.memory_space<vmem_shared>>)
    %barrier3A_22 = arith.constant 0 : index
    tpu.barrier barrier_id(%barrier3A_22)
    %lt3A = arith.constant 15 : i32
    %lt3A_23 = arith.cmpi slt, %arg1, %lt3A : i32
    %convert_element_type3A = arith.extui %lt3A_23 : i1 to i32
    %cond3A = arith.constant 0 : i32
    %cond3A_24 = arith.cmpi ne, %convert_element_type3A, %cond3A : i32
    scf.if %cond3A_24 {
      %mul3A_29 = arith.constant 632 : i32
      %mul3A_30 = arith.muli %arg1, %mul3A_29 : i32
      %mul3A_31 = arith.constant 632 : i32
      %mul3A_32 = arith.muli %arg1, %mul3A_31 : i32
      "tpu.region"() ({
        %run_scoped3A = tpu.sem_alloc : memref<!tpu.dma_semaphore, #tpu.memory_space<semaphore_mem>>
        %dma_start3A_33 = arith.constant 0 : i32
        %dma_start3A_34 = tpu.memref_slice %arg6[%arg0, %mul3A_32, %dma_start3A_33] : memref<2x10000x64xf32, #tpu.memory_space<hbm>> -> memref<1x632x64xf32, #tpu.memory_space<hbm>>
        %dma_start3A_35 = tpu.memref_squeeze %dma_start3A_34 : memref<1x632x64xf32, #tpu.memory_space<hbm>> -> memref<632x64xf32, #tpu.memory_space<hbm>>
        %dma_start3A_36 = arith.constant 0 : i32
        %dma_start3A_37 = tpu.memref_slice %arg11[%mul3A_30, %dma_start3A_36] : memref<10112x64xf32, #tpu.memory_space<vmem_shared>> -> memref<632x64xf32, #tpu.memory_space<vmem_shared>>
        tpu.enqueue_dma source(%dma_start3A_37 : memref<632x64xf32, #tpu.memory_space<vmem_shared>>) target(%dma_start3A_35 : memref<632x64xf32, #tpu.memory_space<hbm>>) target_semaphore(%run_scoped3A : memref<!tpu.dma_semaphore, #tpu.memory_space<semaphore_mem>>)
        %dma_wait3A_38 = arith.constant 0 : i32
        %dma_wait3A_39 = tpu.memref_slice %arg6[%arg0, %mul3A_32, %dma_wait3A_38] : memref<2x10000x64xf32, #tpu.memory_space<hbm>> -> memref<1x632x64xf32, #tpu.memory_space<hbm>>
        %dma_wait3A_40 = tpu.memref_squeeze %dma_wait3A_39 : memref<1x632x64xf32, #tpu.memory_space<hbm>> -> memref<632x64xf32, #tpu.memory_space<hbm>>
        %dma_wait3A_41 = arith.constant 0 : i32
        %dma_wait3A_42 = tpu.memref_slice %arg11[%mul3A_30, %dma_wait3A_41] : memref<10112x64xf32, #tpu.memory_space<vmem_shared>> -> memref<632x64xf32, #tpu.memory_space<vmem_shared>>
        tpu.wait_dma2 semaphore(%run_scoped3A : memref<!tpu.dma_semaphore, #tpu.memory_space<semaphore_mem>>) src(%dma_wait3A_42 : memref<632x64xf32, #tpu.memory_space<vmem_shared>>) dst(%dma_wait3A_40 : memref<632x64xf32, #tpu.memory_space<hbm>>)
        tpu.yield
      }) : () -> ()
    } else {
    }
    %eq3A = arith.constant 15 : i32
    %eq3A_25 = arith.cmpi eq, %arg1, %eq3A : i32
    %convert_element_type3A_26 = arith.extui %eq3A_25 : i1 to i32
    %cond3A_27 = arith.constant 0 : i32
    %cond3A_28 = arith.cmpi ne, %convert_element_type3A_26, %cond3A_27 : i32
    scf.if %cond3A_28 {
      "tpu.region"() ({
        %run_scoped3A = tpu.sem_alloc : memref<!tpu.dma_semaphore, #tpu.memory_space<semaphore_mem>>
        %dma_start3A_29 = arith.constant 9480 : i32
        %dma_start3A_30 = arith.constant 0 : i32
        %dma_start3A_31 = tpu.memref_slice %arg6[%arg0, %dma_start3A_29, %dma_start3A_30] : memref<2x10000x64xf32, #tpu.memory_space<hbm>> -> memref<1x520x64xf32, #tpu.memory_space<hbm>>
        %dma_start3A_32 = tpu.memref_squeeze %dma_start3A_31 : memref<1x520x64xf32, #tpu.memory_space<hbm>> -> memref<520x64xf32, #tpu.memory_space<hbm>>
        %dma_start3A_33 = arith.constant 9480 : i32
        %dma_start3A_34 = arith.constant 0 : i32
        %dma_start3A_35 = tpu.memref_slice %arg11[%dma_start3A_33, %dma_start3A_34] : memref<10112x64xf32, #tpu.memory_space<vmem_shared>> -> memref<520x64xf32, #tpu.memory_space<vmem_shared>>
        tpu.enqueue_dma source(%dma_start3A_35 : memref<520x64xf32, #tpu.memory_space<vmem_shared>>) target(%dma_start3A_32 : memref<520x64xf32, #tpu.memory_space<hbm>>) target_semaphore(%run_scoped3A : memref<!tpu.dma_semaphore, #tpu.memory_space<semaphore_mem>>)
        %dma_wait3A_36 = arith.constant 9480 : i32
        %dma_wait3A_37 = arith.constant 0 : i32
        %dma_wait3A_38 = tpu.memref_slice %arg6[%arg0, %dma_wait3A_36, %dma_wait3A_37] : memref<2x10000x64xf32, #tpu.memory_space<hbm>> -> memref<1x520x64xf32, #tpu.memory_space<hbm>>
        %dma_wait3A_39 = tpu.memref_squeeze %dma_wait3A_38 : memref<1x520x64xf32, #tpu.memory_space<hbm>> -> memref<520x64xf32, #tpu.memory_space<hbm>>
        %dma_wait3A_40 = arith.constant 9480 : i32
        %dma_wait3A_41 = arith.constant 0 : i32
        %dma_wait3A_42 = tpu.memref_slice %arg11[%dma_wait3A_40, %dma_wait3A_41] : memref<10112x64xf32, #tpu.memory_space<vmem_shared>> -> memref<520x64xf32, #tpu.memory_space<vmem_shared>>
        tpu.wait_dma2 semaphore(%run_scoped3A : memref<!tpu.dma_semaphore, #tpu.memory_space<semaphore_mem>>) src(%dma_wait3A_42 : memref<520x64xf32, #tpu.memory_space<vmem_shared>>) dst(%dma_wait3A_39 : memref<520x64xf32, #tpu.memory_space<hbm>>)
        tpu.yield
      }) : () -> ()
    } else {
    }
    return
  }
}

#map = affine_map<(d0, d1) -> (0, 0)>
#map1 = affine_map<(d0, d1) -> (0, 0, 0, 0)>
#map2 = affine_map<(d0, d1) -> (0, 0, 0)>
module attributes {stable_mosaic.version = 14 : i64} {
  func.func @kern(%arg0: i32, %arg1: i32, %arg2: memref<10000x80xf32, #tpu.memory_space<hbm>>, %arg3: memref<32x80x1x128xi32, #tpu.memory_space<hbm>>, %arg4: memref<32x80x1x128xi32, #tpu.memory_space<hbm>>, %arg5: memref<632x80xf32, #tpu.memory_space<hbm>>, %arg6: memref<2x10000x80xf32, #tpu.memory_space<hbm>>, %arg7: memref<80x1x128xi32, #tpu.memory_space<vmem>>, %arg8: memref<80x1x128xi32, #tpu.memory_space<vmem>>, %arg9: memref<128x80xf32, #tpu.memory_space<vmem>>, %arg10: memref<128x80xf32, #tpu.memory_space<vmem>>, %arg11: memref<10112x80xf32, #tpu.memory_space<vmem_shared>>, %arg12: memref<!tpu.dma_semaphore, #tpu.memory_space<semaphore_mem>>, %arg13: memref<!tpu.dma_semaphore, #tpu.memory_space<semaphore_mem>>, %arg14: memref<!tpu.dma_semaphore, #tpu.memory_space<semaphore_mem>>, %arg15: memref<!tpu.dma_semaphore, #tpu.memory_space<semaphore_mem>>) attributes {dimension_semantics = [#tpu.dimension_semantics<core_parallel>, #tpu.dimension_semantics<subcore_parallel>], iteration_bounds = array<i64: 2, 16>, scalar_prefetch = 0 : i64, scratch_operands = 9 : i64, tpu.core_type = #tpu.core_type<sc_vector_subcore>, window_params = [{transform_indices = #map}, {transform_indices = #map1}, {transform_indices = #map1}, {transform_indices = #map}, {transform_indices = #map2}]} {
    %mul3A = arith.constant 2 : i32
    %mul3A_0 = arith.muli %arg1, %mul3A : i32
    %add3A = arith.addi %mul3A_0, %arg0 : i32
    "tpu.region"() ({
      %run_scoped3A = tpu.sem_alloc : memref<!tpu.dma_semaphore, #tpu.memory_space<semaphore_mem>>
      %dma_start3A_29 = arith.constant 0 : i32
      %dma_start3A_30 = arith.constant 0 : i32
      %dma_start3A_31 = arith.constant 0 : i32
      %dma_start3A_32 = tpu.memref_slice %arg3[%add3A, %dma_start3A_29, %dma_start3A_30, %dma_start3A_31] : memref<32x80x1x128xi32, #tpu.memory_space<hbm>> -> memref<1x80x1x128xi32, #tpu.memory_space<hbm>>
      %dma_start3A_33 = tpu.memref_squeeze %dma_start3A_32 : memref<1x80x1x128xi32, #tpu.memory_space<hbm>> -> memref<80x1x128xi32, #tpu.memory_space<hbm>>
      %dma_start3A_34 = arith.constant 0 : i32
      %dma_start3A_35 = arith.constant 0 : i32
      %dma_start3A_36 = arith.constant 0 : i32
      %dma_start3A_37 = tpu.memref_slice %arg3[%add3A, %dma_start3A_34, %dma_start3A_35, %dma_start3A_36] : memref<32x80x1x128xi32, #tpu.memory_space<hbm>> -> memref<1x80x1x128xi32, #tpu.memory_space<hbm>>
      %dma_start3A_38 = tpu.memref_squeeze %dma_start3A_37 : memref<1x80x1x128xi32, #tpu.memory_space<hbm>> -> memref<80x1x128xi32, #tpu.memory_space<hbm>>
      tpu.enqueue_dma source(%dma_start3A_38 : memref<80x1x128xi32, #tpu.memory_space<hbm>>) target(%arg7 : memref<80x1x128xi32, #tpu.memory_space<vmem>>) target_semaphore(%run_scoped3A : memref<!tpu.dma_semaphore, #tpu.memory_space<semaphore_mem>>)
      %dma_wait3A_39 = arith.constant 0 : i32
      %dma_wait3A_40 = arith.constant 0 : i32
      %dma_wait3A_41 = arith.constant 0 : i32
      %dma_wait3A_42 = tpu.memref_slice %arg3[%add3A, %dma_wait3A_39, %dma_wait3A_40, %dma_wait3A_41] : memref<32x80x1x128xi32, #tpu.memory_space<hbm>> -> memref<1x80x1x128xi32, #tpu.memory_space<hbm>>
      %dma_wait3A_43 = tpu.memref_squeeze %dma_wait3A_42 : memref<1x80x1x128xi32, #tpu.memory_space<hbm>> -> memref<80x1x128xi32, #tpu.memory_space<hbm>>
      %dma_wait3A_44 = arith.constant 0 : i32
      %dma_wait3A_45 = arith.constant 0 : i32
      %dma_wait3A_46 = arith.constant 0 : i32
      %dma_wait3A_47 = tpu.memref_slice %arg3[%add3A, %dma_wait3A_44, %dma_wait3A_45, %dma_wait3A_46] : memref<32x80x1x128xi32, #tpu.memory_space<hbm>> -> memref<1x80x1x128xi32, #tpu.memory_space<hbm>>
      %dma_wait3A_48 = tpu.memref_squeeze %dma_wait3A_47 : memref<1x80x1x128xi32, #tpu.memory_space<hbm>> -> memref<80x1x128xi32, #tpu.memory_space<hbm>>
      tpu.wait_dma2 semaphore(%run_scoped3A : memref<!tpu.dma_semaphore, #tpu.memory_space<semaphore_mem>>) src(%dma_wait3A_48 : memref<80x1x128xi32, #tpu.memory_space<hbm>>) dst(%arg7 : memref<80x1x128xi32, #tpu.memory_space<vmem>>)
      tpu.yield
    }) : () -> ()
    %dma_start3A = arith.constant 0 : i32
    %dma_start3A_1 = arith.constant 0 : i32
    %dma_start3A_2 = arith.constant 0 : i32
    %dma_start3A_3 = tpu.memref_slice %arg7[%dma_start3A, %dma_start3A_1, %dma_start3A_2] : memref<80x1x128xi32, #tpu.memory_space<vmem>> -> memref<1x1x128xi32, #tpu.memory_space<vmem>>
    %dma_start3A_4 = tpu.memref_squeeze %dma_start3A_3 : memref<1x1x128xi32, #tpu.memory_space<vmem>> -> memref<128xi32, #tpu.memory_space<vmem>>
    %dma_start3A_5 = arith.constant 0 : i32
    %dma_start3A_6 = arith.constant 0 : i32
    %dma_start3A_7 = tpu.memref_slice %arg2[%dma_start3A_5, %dma_start3A_6] : memref<10000x80xf32, #tpu.memory_space<hbm>> -> memref<10000x80xf32, #tpu.memory_space<hbm>>
    tpu.enqueue_indirect_dma source(%dma_start3A_7 : memref<10000x80xf32, #tpu.memory_space<hbm>>) target(%arg9 : memref<128x80xf32, #tpu.memory_space<vmem>>) offsets(%dma_start3A_4 : memref<128xi32, #tpu.memory_space<vmem>>) semaphore(%arg12 : memref<!tpu.dma_semaphore, #tpu.memory_space<semaphore_mem>>)
    "tpu.region"() ({
      %run_scoped3A = tpu.sem_alloc : memref<!tpu.dma_semaphore, #tpu.memory_space<semaphore_mem>>
      %dma_start3A_29 = arith.constant 0 : i32
      %dma_start3A_30 = arith.constant 0 : i32
      %dma_start3A_31 = arith.constant 0 : i32
      %dma_start3A_32 = tpu.memref_slice %arg4[%add3A, %dma_start3A_29, %dma_start3A_30, %dma_start3A_31] : memref<32x80x1x128xi32, #tpu.memory_space<hbm>> -> memref<1x80x1x128xi32, #tpu.memory_space<hbm>>
      %dma_start3A_33 = tpu.memref_squeeze %dma_start3A_32 : memref<1x80x1x128xi32, #tpu.memory_space<hbm>> -> memref<80x1x128xi32, #tpu.memory_space<hbm>>
      %dma_start3A_34 = arith.constant 0 : i32
      %dma_start3A_35 = arith.constant 0 : i32
      %dma_start3A_36 = arith.constant 0 : i32
      %dma_start3A_37 = tpu.memref_slice %arg4[%add3A, %dma_start3A_34, %dma_start3A_35, %dma_start3A_36] : memref<32x80x1x128xi32, #tpu.memory_space<hbm>> -> memref<1x80x1x128xi32, #tpu.memory_space<hbm>>
      %dma_start3A_38 = tpu.memref_squeeze %dma_start3A_37 : memref<1x80x1x128xi32, #tpu.memory_space<hbm>> -> memref<80x1x128xi32, #tpu.memory_space<hbm>>
      tpu.enqueue_dma source(%dma_start3A_38 : memref<80x1x128xi32, #tpu.memory_space<hbm>>) target(%arg8 : memref<80x1x128xi32, #tpu.memory_space<vmem>>) target_semaphore(%run_scoped3A : memref<!tpu.dma_semaphore, #tpu.memory_space<semaphore_mem>>)
      %dma_wait3A_39 = arith.constant 0 : i32
      %dma_wait3A_40 = arith.constant 0 : i32
      %dma_wait3A_41 = arith.constant 0 : i32
      %dma_wait3A_42 = tpu.memref_slice %arg4[%add3A, %dma_wait3A_39, %dma_wait3A_40, %dma_wait3A_41] : memref<32x80x1x128xi32, #tpu.memory_space<hbm>> -> memref<1x80x1x128xi32, #tpu.memory_space<hbm>>
      %dma_wait3A_43 = tpu.memref_squeeze %dma_wait3A_42 : memref<1x80x1x128xi32, #tpu.memory_space<hbm>> -> memref<80x1x128xi32, #tpu.memory_space<hbm>>
      %dma_wait3A_44 = arith.constant 0 : i32
      %dma_wait3A_45 = arith.constant 0 : i32
      %dma_wait3A_46 = arith.constant 0 : i32
      %dma_wait3A_47 = tpu.memref_slice %arg4[%add3A, %dma_wait3A_44, %dma_wait3A_45, %dma_wait3A_46] : memref<32x80x1x128xi32, #tpu.memory_space<hbm>> -> memref<1x80x1x128xi32, #tpu.memory_space<hbm>>
      %dma_wait3A_48 = tpu.memref_squeeze %dma_wait3A_47 : memref<1x80x1x128xi32, #tpu.memory_space<hbm>> -> memref<80x1x128xi32, #tpu.memory_space<hbm>>
      tpu.wait_dma2 semaphore(%run_scoped3A : memref<!tpu.dma_semaphore, #tpu.memory_space<semaphore_mem>>) src(%dma_wait3A_48 : memref<80x1x128xi32, #tpu.memory_space<hbm>>) dst(%arg8 : memref<80x1x128xi32, #tpu.memory_space<vmem>>)
      tpu.yield
    }) : () -> ()
    %mul3A_8 = arith.constant 632 : i32
    %mul3A_9 = arith.muli %arg1, %mul3A_8 : i32
    "tpu.region"() ({
      %run_scoped3A = tpu.sem_alloc : memref<!tpu.dma_semaphore, #tpu.memory_space<semaphore_mem>>
      %dma_start3A_29 = arith.constant 0 : i32
      %dma_start3A_30 = tpu.memref_slice %arg11[%mul3A_9, %dma_start3A_29] : memref<10112x80xf32, #tpu.memory_space<vmem_shared>> -> memref<632x80xf32, #tpu.memory_space<vmem_shared>>
      tpu.enqueue_dma source(%arg5 : memref<632x80xf32, #tpu.memory_space<hbm>>) target(%dma_start3A_30 : memref<632x80xf32, #tpu.memory_space<vmem_shared>>) target_semaphore(%run_scoped3A : memref<!tpu.dma_semaphore, #tpu.memory_space<semaphore_mem>>)
      %dma_wait3A_31 = arith.constant 0 : i32
      %dma_wait3A_32 = tpu.memref_slice %arg11[%mul3A_9, %dma_wait3A_31] : memref<10112x80xf32, #tpu.memory_space<vmem_shared>> -> memref<632x80xf32, #tpu.memory_space<vmem_shared>>
      tpu.wait_dma2 semaphore(%run_scoped3A : memref<!tpu.dma_semaphore, #tpu.memory_space<semaphore_mem>>) src(%arg5 : memref<632x80xf32, #tpu.memory_space<hbm>>) dst(%dma_wait3A_32 : memref<632x80xf32, #tpu.memory_space<vmem_shared>>)
      tpu.yield
    }) : () -> ()
    %barrier3A = arith.constant 0 : index
    tpu.barrier barrier_id(%barrier3A)
    %scan3A = arith.constant 0 : i32
    %scan3A_10 = arith.constant 0 : i32
    %scan3A_11 = arith.constant 40 : i32
    %scan3A_12 = arith.addi %scan3A_10, %scan3A_11 : i32
    %scan3A_13 = arith.constant 1 : i32
    scf.for %scan3A_29 = %scan3A_10 to %scan3A_12 step %scan3A_13  : i32 {
      %mul3A_30 = arith.constant 2 : i32
      %mul3A_31 = arith.muli %mul3A_30, %scan3A_29 : i32
      %dma_wait3A_32 = arith.constant 0 : i32
      %dma_wait3A_33 = arith.constant 0 : i32
      %dma_wait3A_34 = tpu.memref_slice %arg7[%mul3A_31, %dma_wait3A_32, %dma_wait3A_33] : memref<80x1x128xi32, #tpu.memory_space<vmem>> -> memref<1x1x128xi32, #tpu.memory_space<vmem>>
      %dma_wait3A_35 = tpu.memref_squeeze %dma_wait3A_34 : memref<1x1x128xi32, #tpu.memory_space<vmem>> -> memref<128xi32, #tpu.memory_space<vmem>>
      %dma_wait3A_36 = arith.constant 0 : i32
      %dma_wait3A_37 = arith.constant 0 : i32
      %dma_wait3A_38 = tpu.memref_slice %arg2[%dma_wait3A_36, %dma_wait3A_37] : memref<10000x80xf32, #tpu.memory_space<hbm>> -> memref<10000x80xf32, #tpu.memory_space<hbm>>
      tpu.wait_indirect_dma semaphore(%arg12 : memref<!tpu.dma_semaphore, #tpu.memory_space<semaphore_mem>>) src(%dma_wait3A_38 : memref<10000x80xf32, #tpu.memory_space<hbm>>) dst(%arg9 : memref<128x80xf32, #tpu.memory_space<vmem>>)
      %dma_start3A_39 = arith.constant 0 : i32
      %dma_start3A_40 = arith.constant 0 : i32
      %dma_start3A_41 = tpu.memref_slice %arg8[%mul3A_31, %dma_start3A_39, %dma_start3A_40] : memref<80x1x128xi32, #tpu.memory_space<vmem>> -> memref<1x1x128xi32, #tpu.memory_space<vmem>>
      %dma_start3A_42 = tpu.memref_squeeze %dma_start3A_41 : memref<1x1x128xi32, #tpu.memory_space<vmem>> -> memref<128xi32, #tpu.memory_space<vmem>>
      %dma_start3A_43 = arith.constant 0 : i32
      %dma_start3A_44 = arith.constant 0 : i32
      %dma_start3A_45 = tpu.memref_slice %arg11[%dma_start3A_43, %dma_start3A_44] : memref<10112x80xf32, #tpu.memory_space<vmem_shared>> -> memref<10112x80xf32, #tpu.memory_space<vmem_shared>>
      tpu.enqueue_indirect_dma source(%arg9 : memref<128x80xf32, #tpu.memory_space<vmem>>) target(%dma_start3A_45 : memref<10112x80xf32, #tpu.memory_space<vmem_shared>>) offsets(%dma_start3A_42 : memref<128xi32, #tpu.memory_space<vmem>>) semaphore(%arg14 : memref<!tpu.dma_semaphore, #tpu.memory_space<semaphore_mem>>) {add = true}
      %gt3A = arith.constant 0 : i32
      %gt3A_46 = arith.cmpi sgt, %scan3A_29, %gt3A : i32
      %convert_element_type3A_47 = arith.extui %gt3A_46 : i1 to i32
      %cond3A_48 = arith.constant 0 : i32
      %cond3A_49 = arith.cmpi ne, %convert_element_type3A_47, %cond3A_48 : i32
      scf.if %cond3A_49 {
        %sub3A = arith.constant 1 : i32
        %sub3A_89 = arith.subi %mul3A_31, %sub3A : i32
        %dma_wait3A_90 = arith.constant 0 : i32
        %dma_wait3A_91 = arith.constant 0 : i32
        %dma_wait3A_92 = tpu.memref_slice %arg8[%sub3A_89, %dma_wait3A_90, %dma_wait3A_91] : memref<80x1x128xi32, #tpu.memory_space<vmem>> -> memref<1x1x128xi32, #tpu.memory_space<vmem>>
        %dma_wait3A_93 = tpu.memref_squeeze %dma_wait3A_92 : memref<1x1x128xi32, #tpu.memory_space<vmem>> -> memref<128xi32, #tpu.memory_space<vmem>>
        %dma_wait3A_94 = arith.constant 0 : i32
        %dma_wait3A_95 = arith.constant 0 : i32
        %dma_wait3A_96 = tpu.memref_slice %arg11[%dma_wait3A_94, %dma_wait3A_95] : memref<10112x80xf32, #tpu.memory_space<vmem_shared>> -> memref<10112x80xf32, #tpu.memory_space<vmem_shared>>
        tpu.wait_indirect_dma semaphore(%arg15 : memref<!tpu.dma_semaphore, #tpu.memory_space<semaphore_mem>>) src(%arg10 : memref<128x80xf32, #tpu.memory_space<vmem>>) dst(%dma_wait3A_96 : memref<10112x80xf32, #tpu.memory_space<vmem_shared>>)
      } else {
      }
      %add3A_50 = arith.constant 1 : i32
      %add3A_51 = arith.addi %mul3A_31, %add3A_50 : i32
      %dma_start3A_52 = arith.constant 0 : i32
      %dma_start3A_53 = arith.constant 0 : i32
      %dma_start3A_54 = tpu.memref_slice %arg7[%add3A_51, %dma_start3A_52, %dma_start3A_53] : memref<80x1x128xi32, #tpu.memory_space<vmem>> -> memref<1x1x128xi32, #tpu.memory_space<vmem>>
      %dma_start3A_55 = tpu.memref_squeeze %dma_start3A_54 : memref<1x1x128xi32, #tpu.memory_space<vmem>> -> memref<128xi32, #tpu.memory_space<vmem>>
      %dma_start3A_56 = arith.constant 0 : i32
      %dma_start3A_57 = arith.constant 0 : i32
      %dma_start3A_58 = tpu.memref_slice %arg2[%dma_start3A_56, %dma_start3A_57] : memref<10000x80xf32, #tpu.memory_space<hbm>> -> memref<10000x80xf32, #tpu.memory_space<hbm>>
      tpu.enqueue_indirect_dma source(%dma_start3A_58 : memref<10000x80xf32, #tpu.memory_space<hbm>>) target(%arg10 : memref<128x80xf32, #tpu.memory_space<vmem>>) offsets(%dma_start3A_55 : memref<128xi32, #tpu.memory_space<vmem>>) semaphore(%arg13 : memref<!tpu.dma_semaphore, #tpu.memory_space<semaphore_mem>>)
      %add3A_59 = arith.constant 1 : i32
      %add3A_60 = arith.addi %mul3A_31, %add3A_59 : i32
      %dma_wait3A_61 = arith.constant 0 : i32
      %dma_wait3A_62 = arith.constant 0 : i32
      %dma_wait3A_63 = tpu.memref_slice %arg7[%add3A_60, %dma_wait3A_61, %dma_wait3A_62] : memref<80x1x128xi32, #tpu.memory_space<vmem>> -> memref<1x1x128xi32, #tpu.memory_space<vmem>>
      %dma_wait3A_64 = tpu.memref_squeeze %dma_wait3A_63 : memref<1x1x128xi32, #tpu.memory_space<vmem>> -> memref<128xi32, #tpu.memory_space<vmem>>
      %dma_wait3A_65 = arith.constant 0 : i32
      %dma_wait3A_66 = arith.constant 0 : i32
      %dma_wait3A_67 = tpu.memref_slice %arg2[%dma_wait3A_65, %dma_wait3A_66] : memref<10000x80xf32, #tpu.memory_space<hbm>> -> memref<10000x80xf32, #tpu.memory_space<hbm>>
      tpu.wait_indirect_dma semaphore(%arg13 : memref<!tpu.dma_semaphore, #tpu.memory_space<semaphore_mem>>) src(%dma_wait3A_67 : memref<10000x80xf32, #tpu.memory_space<hbm>>) dst(%arg10 : memref<128x80xf32, #tpu.memory_space<vmem>>)
      %add3A_68 = arith.constant 1 : i32
      %add3A_69 = arith.addi %mul3A_31, %add3A_68 : i32
      %dma_start3A_70 = arith.constant 0 : i32
      %dma_start3A_71 = arith.constant 0 : i32
      %dma_start3A_72 = tpu.memref_slice %arg8[%add3A_69, %dma_start3A_70, %dma_start3A_71] : memref<80x1x128xi32, #tpu.memory_space<vmem>> -> memref<1x1x128xi32, #tpu.memory_space<vmem>>
      %dma_start3A_73 = tpu.memref_squeeze %dma_start3A_72 : memref<1x1x128xi32, #tpu.memory_space<vmem>> -> memref<128xi32, #tpu.memory_space<vmem>>
      %dma_start3A_74 = arith.constant 0 : i32
      %dma_start3A_75 = arith.constant 0 : i32
      %dma_start3A_76 = tpu.memref_slice %arg11[%dma_start3A_74, %dma_start3A_75] : memref<10112x80xf32, #tpu.memory_space<vmem_shared>> -> memref<10112x80xf32, #tpu.memory_space<vmem_shared>>
      tpu.enqueue_indirect_dma source(%arg10 : memref<128x80xf32, #tpu.memory_space<vmem>>) target(%dma_start3A_76 : memref<10112x80xf32, #tpu.memory_space<vmem_shared>>) offsets(%dma_start3A_73 : memref<128xi32, #tpu.memory_space<vmem>>) semaphore(%arg15 : memref<!tpu.dma_semaphore, #tpu.memory_space<semaphore_mem>>) {add = true}
      %dma_wait3A_77 = arith.constant 0 : i32
      %dma_wait3A_78 = arith.constant 0 : i32
      %dma_wait3A_79 = tpu.memref_slice %arg8[%mul3A_31, %dma_wait3A_77, %dma_wait3A_78] : memref<80x1x128xi32, #tpu.memory_space<vmem>> -> memref<1x1x128xi32, #tpu.memory_space<vmem>>
      %dma_wait3A_80 = tpu.memref_squeeze %dma_wait3A_79 : memref<1x1x128xi32, #tpu.memory_space<vmem>> -> memref<128xi32, #tpu.memory_space<vmem>>
      %dma_wait3A_81 = arith.constant 0 : i32
      %dma_wait3A_82 = arith.constant 0 : i32
      %dma_wait3A_83 = tpu.memref_slice %arg11[%dma_wait3A_81, %dma_wait3A_82] : memref<10112x80xf32, #tpu.memory_space<vmem_shared>> -> memref<10112x80xf32, #tpu.memory_space<vmem_shared>>
      tpu.wait_indirect_dma semaphore(%arg14 : memref<!tpu.dma_semaphore, #tpu.memory_space<semaphore_mem>>) src(%arg9 : memref<128x80xf32, #tpu.memory_space<vmem>>) dst(%dma_wait3A_83 : memref<10112x80xf32, #tpu.memory_space<vmem_shared>>)
      %lt3A_84 = arith.constant 39 : i32
      %lt3A_85 = arith.cmpi slt, %scan3A_29, %lt3A_84 : i32
      %convert_element_type3A_86 = arith.extui %lt3A_85 : i1 to i32
      %cond3A_87 = arith.constant 0 : i32
      %cond3A_88 = arith.cmpi ne, %convert_element_type3A_86, %cond3A_87 : i32
      scf.if %cond3A_88 {
        %add3A_89 = arith.constant 2 : i32
        %add3A_90 = arith.addi %mul3A_31, %add3A_89 : i32
        %dma_start3A_91 = arith.constant 0 : i32
        %dma_start3A_92 = arith.constant 0 : i32
        %dma_start3A_93 = tpu.memref_slice %arg7[%add3A_90, %dma_start3A_91, %dma_start3A_92] : memref<80x1x128xi32, #tpu.memory_space<vmem>> -> memref<1x1x128xi32, #tpu.memory_space<vmem>>
        %dma_start3A_94 = tpu.memref_squeeze %dma_start3A_93 : memref<1x1x128xi32, #tpu.memory_space<vmem>> -> memref<128xi32, #tpu.memory_space<vmem>>
        %dma_start3A_95 = arith.constant 0 : i32
        %dma_start3A_96 = arith.constant 0 : i32
        %dma_start3A_97 = tpu.memref_slice %arg2[%dma_start3A_95, %dma_start3A_96] : memref<10000x80xf32, #tpu.memory_space<hbm>> -> memref<10000x80xf32, #tpu.memory_space<hbm>>
        tpu.enqueue_indirect_dma source(%dma_start3A_97 : memref<10000x80xf32, #tpu.memory_space<hbm>>) target(%arg9 : memref<128x80xf32, #tpu.memory_space<vmem>>) offsets(%dma_start3A_94 : memref<128xi32, #tpu.memory_space<vmem>>) semaphore(%arg12 : memref<!tpu.dma_semaphore, #tpu.memory_space<semaphore_mem>>)
      } else {
      }
    }
    %scan3A_14 = arith.constant 40 : i32
    %dma_wait3A = arith.constant 79 : i32
    %dma_wait3A_15 = arith.constant 0 : i32
    %dma_wait3A_16 = arith.constant 0 : i32
    %dma_wait3A_17 = tpu.memref_slice %arg8[%dma_wait3A, %dma_wait3A_15, %dma_wait3A_16] : memref<80x1x128xi32, #tpu.memory_space<vmem>> -> memref<1x1x128xi32, #tpu.memory_space<vmem>>
    %dma_wait3A_18 = tpu.memref_squeeze %dma_wait3A_17 : memref<1x1x128xi32, #tpu.memory_space<vmem>> -> memref<128xi32, #tpu.memory_space<vmem>>
    %dma_wait3A_19 = arith.constant 0 : i32
    %dma_wait3A_20 = arith.constant 0 : i32
    %dma_wait3A_21 = tpu.memref_slice %arg11[%dma_wait3A_19, %dma_wait3A_20] : memref<10112x80xf32, #tpu.memory_space<vmem_shared>> -> memref<10112x80xf32, #tpu.memory_space<vmem_shared>>
    tpu.wait_indirect_dma semaphore(%arg15 : memref<!tpu.dma_semaphore, #tpu.memory_space<semaphore_mem>>) src(%arg10 : memref<128x80xf32, #tpu.memory_space<vmem>>) dst(%dma_wait3A_21 : memref<10112x80xf32, #tpu.memory_space<vmem_shared>>)
    %barrier3A_22 = arith.constant 0 : index
    tpu.barrier barrier_id(%barrier3A_22)
    %lt3A = arith.constant 15 : i32
    %lt3A_23 = arith.cmpi slt, %arg1, %lt3A : i32
    %convert_element_type3A = arith.extui %lt3A_23 : i1 to i32
    %cond3A = arith.constant 0 : i32
    %cond3A_24 = arith.cmpi ne, %convert_element_type3A, %cond3A : i32
    scf.if %cond3A_24 {
      %mul3A_29 = arith.constant 632 : i32
      %mul3A_30 = arith.muli %arg1, %mul3A_29 : i32
      %mul3A_31 = arith.constant 632 : i32
      %mul3A_32 = arith.muli %arg1, %mul3A_31 : i32
      "tpu.region"() ({
        %run_scoped3A = tpu.sem_alloc : memref<!tpu.dma_semaphore, #tpu.memory_space<semaphore_mem>>
        %dma_start3A_33 = arith.constant 0 : i32
        %dma_start3A_34 = tpu.memref_slice %arg6[%arg0, %mul3A_32, %dma_start3A_33] : memref<2x10000x80xf32, #tpu.memory_space<hbm>> -> memref<1x632x80xf32, #tpu.memory_space<hbm>>
        %dma_start3A_35 = tpu.memref_squeeze %dma_start3A_34 : memref<1x632x80xf32, #tpu.memory_space<hbm>> -> memref<632x80xf32, #tpu.memory_space<hbm>>
        %dma_start3A_36 = arith.constant 0 : i32
        %dma_start3A_37 = tpu.memref_slice %arg11[%mul3A_30, %dma_start3A_36] : memref<10112x80xf32, #tpu.memory_space<vmem_shared>> -> memref<632x80xf32, #tpu.memory_space<vmem_shared>>
        tpu.enqueue_dma source(%dma_start3A_37 : memref<632x80xf32, #tpu.memory_space<vmem_shared>>) target(%dma_start3A_35 : memref<632x80xf32, #tpu.memory_space<hbm>>) target_semaphore(%run_scoped3A : memref<!tpu.dma_semaphore, #tpu.memory_space<semaphore_mem>>)
        %dma_wait3A_38 = arith.constant 0 : i32
        %dma_wait3A_39 = tpu.memref_slice %arg6[%arg0, %mul3A_32, %dma_wait3A_38] : memref<2x10000x80xf32, #tpu.memory_space<hbm>> -> memref<1x632x80xf32, #tpu.memory_space<hbm>>
        %dma_wait3A_40 = tpu.memref_squeeze %dma_wait3A_39 : memref<1x632x80xf32, #tpu.memory_space<hbm>> -> memref<632x80xf32, #tpu.memory_space<hbm>>
        %dma_wait3A_41 = arith.constant 0 : i32
        %dma_wait3A_42 = tpu.memref_slice %arg11[%mul3A_30, %dma_wait3A_41] : memref<10112x80xf32, #tpu.memory_space<vmem_shared>> -> memref<632x80xf32, #tpu.memory_space<vmem_shared>>
        tpu.wait_dma2 semaphore(%run_scoped3A : memref<!tpu.dma_semaphore, #tpu.memory_space<semaphore_mem>>) src(%dma_wait3A_42 : memref<632x80xf32, #tpu.memory_space<vmem_shared>>) dst(%dma_wait3A_40 : memref<632x80xf32, #tpu.memory_space<hbm>>)
        tpu.yield
      }) : () -> ()
    } else {
    }
    %eq3A = arith.constant 15 : i32
    %eq3A_25 = arith.cmpi eq, %arg1, %eq3A : i32
    %convert_element_type3A_26 = arith.extui %eq3A_25 : i1 to i32
    %cond3A_27 = arith.constant 0 : i32
    %cond3A_28 = arith.cmpi ne, %convert_element_type3A_26, %cond3A_27 : i32
    scf.if %cond3A_28 {
      "tpu.region"() ({
        %run_scoped3A = tpu.sem_alloc : memref<!tpu.dma_semaphore, #tpu.memory_space<semaphore_mem>>
        %dma_start3A_29 = arith.constant 9480 : i32
        %dma_start3A_30 = arith.constant 0 : i32
        %dma_start3A_31 = tpu.memref_slice %arg6[%arg0, %dma_start3A_29, %dma_start3A_30] : memref<2x10000x80xf32, #tpu.memory_space<hbm>> -> memref<1x520x80xf32, #tpu.memory_space<hbm>>
        %dma_start3A_32 = tpu.memref_squeeze %dma_start3A_31 : memref<1x520x80xf32, #tpu.memory_space<hbm>> -> memref<520x80xf32, #tpu.memory_space<hbm>>
        %dma_start3A_33 = arith.constant 9480 : i32
        %dma_start3A_34 = arith.constant 0 : i32
        %dma_start3A_35 = tpu.memref_slice %arg11[%dma_start3A_33, %dma_start3A_34] : memref<10112x80xf32, #tpu.memory_space<vmem_shared>> -> memref<520x80xf32, #tpu.memory_space<vmem_shared>>
        tpu.enqueue_dma source(%dma_start3A_35 : memref<520x80xf32, #tpu.memory_space<vmem_shared>>) target(%dma_start3A_32 : memref<520x80xf32, #tpu.memory_space<hbm>>) target_semaphore(%run_scoped3A : memref<!tpu.dma_semaphore, #tpu.memory_space<semaphore_mem>>)
        %dma_wait3A_36 = arith.constant 9480 : i32
        %dma_wait3A_37 = arith.constant 0 : i32
        %dma_wait3A_38 = tpu.memref_slice %arg6[%arg0, %dma_wait3A_36, %dma_wait3A_37] : memref<2x10000x80xf32, #tpu.memory_space<hbm>> -> memref<1x520x80xf32, #tpu.memory_space<hbm>>
        %dma_wait3A_39 = tpu.memref_squeeze %dma_wait3A_38 : memref<1x520x80xf32, #tpu.memory_space<hbm>> -> memref<520x80xf32, #tpu.memory_space<hbm>>
        %dma_wait3A_40 = arith.constant 9480 : i32
        %dma_wait3A_41 = arith.constant 0 : i32
        %dma_wait3A_42 = tpu.memref_slice %arg11[%dma_wait3A_40, %dma_wait3A_41] : memref<10112x80xf32, #tpu.memory_space<vmem_shared>> -> memref<520x80xf32, #tpu.memory_space<vmem_shared>>
        tpu.wait_dma2 semaphore(%run_scoped3A : memref<!tpu.dma_semaphore, #tpu.memory_space<semaphore_mem>>) src(%dma_wait3A_42 : memref<520x80xf32, #tpu.memory_space<vmem_shared>>) dst(%dma_wait3A_39 : memref<520x80xf32, #tpu.memory_space<hbm>>)
        tpu.yield
      }) : () -> ()
    } else {
    }
    return
  }
}

#map = affine_map<(d0, d1) -> (0, 0)>
#map1 = affine_map<(d0, d1) -> (0, 0, 0, 0)>
#map2 = affine_map<(d0, d1) -> (0, 0, 0)>
module attributes {stable_mosaic.version = 14 : i64} {
  func.func @kern(%arg0: i32, %arg1: i32, %arg2: memref<10000x16xf32, #tpu.memory_space<hbm>>, %arg3: memref<32x80x1x128xi32, #tpu.memory_space<hbm>>, %arg4: memref<32x80x1x128xi32, #tpu.memory_space<hbm>>, %arg5: memref<632x16xf32, #tpu.memory_space<hbm>>, %arg6: memref<2x10000x16xf32, #tpu.memory_space<hbm>>, %arg7: memref<80x1x128xi32, #tpu.memory_space<vmem>>, %arg8: memref<80x1x128xi32, #tpu.memory_space<vmem>>, %arg9: memref<128x16xf32, #tpu.memory_space<vmem>>, %arg10: memref<128x16xf32, #tpu.memory_space<vmem>>, %arg11: memref<10112x16xf32, #tpu.memory_space<vmem_shared>>, %arg12: memref<!tpu.dma_semaphore, #tpu.memory_space<semaphore_mem>>, %arg13: memref<!tpu.dma_semaphore, #tpu.memory_space<semaphore_mem>>, %arg14: memref<!tpu.dma_semaphore, #tpu.memory_space<semaphore_mem>>, %arg15: memref<!tpu.dma_semaphore, #tpu.memory_space<semaphore_mem>>) attributes {dimension_semantics = [#tpu.dimension_semantics<core_parallel>, #tpu.dimension_semantics<subcore_parallel>], iteration_bounds = array<i64: 2, 16>, scalar_prefetch = 0 : i64, scratch_operands = 9 : i64, tpu.core_type = #tpu.core_type<sc_vector_subcore>, window_params = [{transform_indices = #map}, {transform_indices = #map1}, {transform_indices = #map1}, {transform_indices = #map}, {transform_indices = #map2}]} {
    %mul3A = arith.constant 2 : i32
    %mul3A_0 = arith.muli %arg1, %mul3A : i32
    %add3A = arith.addi %mul3A_0, %arg0 : i32
    "tpu.region"() ({
      %run_scoped3A = tpu.sem_alloc : memref<!tpu.dma_semaphore, #tpu.memory_space<semaphore_mem>>
      %dma_start3A_29 = arith.constant 0 : i32
      %dma_start3A_30 = arith.constant 0 : i32
      %dma_start3A_31 = arith.constant 0 : i32
      %dma_start3A_32 = tpu.memref_slice %arg3[%add3A, %dma_start3A_29, %dma_start3A_30, %dma_start3A_31] : memref<32x80x1x128xi32, #tpu.memory_space<hbm>> -> memref<1x80x1x128xi32, #tpu.memory_space<hbm>>
      %dma_start3A_33 = tpu.memref_squeeze %dma_start3A_32 : memref<1x80x1x128xi32, #tpu.memory_space<hbm>> -> memref<80x1x128xi32, #tpu.memory_space<hbm>>
      %dma_start3A_34 = arith.constant 0 : i32
      %dma_start3A_35 = arith.constant 0 : i32
      %dma_start3A_36 = arith.constant 0 : i32
      %dma_start3A_37 = tpu.memref_slice %arg3[%add3A, %dma_start3A_34, %dma_start3A_35, %dma_start3A_36] : memref<32x80x1x128xi32, #tpu.memory_space<hbm>> -> memref<1x80x1x128xi32, #tpu.memory_space<hbm>>
      %dma_start3A_38 = tpu.memref_squeeze %dma_start3A_37 : memref<1x80x1x128xi32, #tpu.memory_space<hbm>> -> memref<80x1x128xi32, #tpu.memory_space<hbm>>
      tpu.enqueue_dma source(%dma_start3A_38 : memref<80x1x128xi32, #tpu.memory_space<hbm>>) target(%arg7 : memref<80x1x128xi32, #tpu.memory_space<vmem>>) target_semaphore(%run_scoped3A : memref<!tpu.dma_semaphore, #tpu.memory_space<semaphore_mem>>)
      %dma_wait3A_39 = arith.constant 0 : i32
      %dma_wait3A_40 = arith.constant 0 : i32
      %dma_wait3A_41 = arith.constant 0 : i32
      %dma_wait3A_42 = tpu.memref_slice %arg3[%add3A, %dma_wait3A_39, %dma_wait3A_40, %dma_wait3A_41] : memref<32x80x1x128xi32, #tpu.memory_space<hbm>> -> memref<1x80x1x128xi32, #tpu.memory_space<hbm>>
      %dma_wait3A_43 = tpu.memref_squeeze %dma_wait3A_42 : memref<1x80x1x128xi32, #tpu.memory_space<hbm>> -> memref<80x1x128xi32, #tpu.memory_space<hbm>>
      %dma_wait3A_44 = arith.constant 0 : i32
      %dma_wait3A_45 = arith.constant 0 : i32
      %dma_wait3A_46 = arith.constant 0 : i32
      %dma_wait3A_47 = tpu.memref_slice %arg3[%add3A, %dma_wait3A_44, %dma_wait3A_45, %dma_wait3A_46] : memref<32x80x1x128xi32, #tpu.memory_space<hbm>> -> memref<1x80x1x128xi32, #tpu.memory_space<hbm>>
      %dma_wait3A_48 = tpu.memref_squeeze %dma_wait3A_47 : memref<1x80x1x128xi32, #tpu.memory_space<hbm>> -> memref<80x1x128xi32, #tpu.memory_space<hbm>>
      tpu.wait_dma2 semaphore(%run_scoped3A : memref<!tpu.dma_semaphore, #tpu.memory_space<semaphore_mem>>) src(%dma_wait3A_48 : memref<80x1x128xi32, #tpu.memory_space<hbm>>) dst(%arg7 : memref<80x1x128xi32, #tpu.memory_space<vmem>>)
      tpu.yield
    }) : () -> ()
    %dma_start3A = arith.constant 0 : i32
    %dma_start3A_1 = arith.constant 0 : i32
    %dma_start3A_2 = arith.constant 0 : i32
    %dma_start3A_3 = tpu.memref_slice %arg7[%dma_start3A, %dma_start3A_1, %dma_start3A_2] : memref<80x1x128xi32, #tpu.memory_space<vmem>> -> memref<1x1x128xi32, #tpu.memory_space<vmem>>
    %dma_start3A_4 = tpu.memref_squeeze %dma_start3A_3 : memref<1x1x128xi32, #tpu.memory_space<vmem>> -> memref<128xi32, #tpu.memory_space<vmem>>
    %dma_start3A_5 = arith.constant 0 : i32
    %dma_start3A_6 = arith.constant 0 : i32
    %dma_start3A_7 = tpu.memref_slice %arg2[%dma_start3A_5, %dma_start3A_6] : memref<10000x16xf32, #tpu.memory_space<hbm>> -> memref<10000x16xf32, #tpu.memory_space<hbm>>
    tpu.enqueue_indirect_dma source(%dma_start3A_7 : memref<10000x16xf32, #tpu.memory_space<hbm>>) target(%arg9 : memref<128x16xf32, #tpu.memory_space<vmem>>) offsets(%dma_start3A_4 : memref<128xi32, #tpu.memory_space<vmem>>) semaphore(%arg12 : memref<!tpu.dma_semaphore, #tpu.memory_space<semaphore_mem>>)
    "tpu.region"() ({
      %run_scoped3A = tpu.sem_alloc : memref<!tpu.dma_semaphore, #tpu.memory_space<semaphore_mem>>
      %dma_start3A_29 = arith.constant 0 : i32
      %dma_start3A_30 = arith.constant 0 : i32
      %dma_start3A_31 = arith.constant 0 : i32
      %dma_start3A_32 = tpu.memref_slice %arg4[%add3A, %dma_start3A_29, %dma_start3A_30, %dma_start3A_31] : memref<32x80x1x128xi32, #tpu.memory_space<hbm>> -> memref<1x80x1x128xi32, #tpu.memory_space<hbm>>
      %dma_start3A_33 = tpu.memref_squeeze %dma_start3A_32 : memref<1x80x1x128xi32, #tpu.memory_space<hbm>> -> memref<80x1x128xi32, #tpu.memory_space<hbm>>
      %dma_start3A_34 = arith.constant 0 : i32
      %dma_start3A_35 = arith.constant 0 : i32
      %dma_start3A_36 = arith.constant 0 : i32
      %dma_start3A_37 = tpu.memref_slice %arg4[%add3A, %dma_start3A_34, %dma_start3A_35, %dma_start3A_36] : memref<32x80x1x128xi32, #tpu.memory_space<hbm>> -> memref<1x80x1x128xi32, #tpu.memory_space<hbm>>
      %dma_start3A_38 = tpu.memref_squeeze %dma_start3A_37 : memref<1x80x1x128xi32, #tpu.memory_space<hbm>> -> memref<80x1x128xi32, #tpu.memory_space<hbm>>
      tpu.enqueue_dma source(%dma_start3A_38 : memref<80x1x128xi32, #tpu.memory_space<hbm>>) target(%arg8 : memref<80x1x128xi32, #tpu.memory_space<vmem>>) target_semaphore(%run_scoped3A : memref<!tpu.dma_semaphore, #tpu.memory_space<semaphore_mem>>)
      %dma_wait3A_39 = arith.constant 0 : i32
      %dma_wait3A_40 = arith.constant 0 : i32
      %dma_wait3A_41 = arith.constant 0 : i32
      %dma_wait3A_42 = tpu.memref_slice %arg4[%add3A, %dma_wait3A_39, %dma_wait3A_40, %dma_wait3A_41] : memref<32x80x1x128xi32, #tpu.memory_space<hbm>> -> memref<1x80x1x128xi32, #tpu.memory_space<hbm>>
      %dma_wait3A_43 = tpu.memref_squeeze %dma_wait3A_42 : memref<1x80x1x128xi32, #tpu.memory_space<hbm>> -> memref<80x1x128xi32, #tpu.memory_space<hbm>>
      %dma_wait3A_44 = arith.constant 0 : i32
      %dma_wait3A_45 = arith.constant 0 : i32
      %dma_wait3A_46 = arith.constant 0 : i32
      %dma_wait3A_47 = tpu.memref_slice %arg4[%add3A, %dma_wait3A_44, %dma_wait3A_45, %dma_wait3A_46] : memref<32x80x1x128xi32, #tpu.memory_space<hbm>> -> memref<1x80x1x128xi32, #tpu.memory_space<hbm>>
      %dma_wait3A_48 = tpu.memref_squeeze %dma_wait3A_47 : memref<1x80x1x128xi32, #tpu.memory_space<hbm>> -> memref<80x1x128xi32, #tpu.memory_space<hbm>>
      tpu.wait_dma2 semaphore(%run_scoped3A : memref<!tpu.dma_semaphore, #tpu.memory_space<semaphore_mem>>) src(%dma_wait3A_48 : memref<80x1x128xi32, #tpu.memory_space<hbm>>) dst(%arg8 : memref<80x1x128xi32, #tpu.memory_space<vmem>>)
      tpu.yield
    }) : () -> ()
    %mul3A_8 = arith.constant 632 : i32
    %mul3A_9 = arith.muli %arg1, %mul3A_8 : i32
    "tpu.region"() ({
      %run_scoped3A = tpu.sem_alloc : memref<!tpu.dma_semaphore, #tpu.memory_space<semaphore_mem>>
      %dma_start3A_29 = arith.constant 0 : i32
      %dma_start3A_30 = tpu.memref_slice %arg11[%mul3A_9, %dma_start3A_29] : memref<10112x16xf32, #tpu.memory_space<vmem_shared>> -> memref<632x16xf32, #tpu.memory_space<vmem_shared>>
      tpu.enqueue_dma source(%arg5 : memref<632x16xf32, #tpu.memory_space<hbm>>) target(%dma_start3A_30 : memref<632x16xf32, #tpu.memory_space<vmem_shared>>) target_semaphore(%run_scoped3A : memref<!tpu.dma_semaphore, #tpu.memory_space<semaphore_mem>>)
      %dma_wait3A_31 = arith.constant 0 : i32
      %dma_wait3A_32 = tpu.memref_slice %arg11[%mul3A_9, %dma_wait3A_31] : memref<10112x16xf32, #tpu.memory_space<vmem_shared>> -> memref<632x16xf32, #tpu.memory_space<vmem_shared>>
      tpu.wait_dma2 semaphore(%run_scoped3A : memref<!tpu.dma_semaphore, #tpu.memory_space<semaphore_mem>>) src(%arg5 : memref<632x16xf32, #tpu.memory_space<hbm>>) dst(%dma_wait3A_32 : memref<632x16xf32, #tpu.memory_space<vmem_shared>>)
      tpu.yield
    }) : () -> ()
    %barrier3A = arith.constant 0 : index
    tpu.barrier barrier_id(%barrier3A)
    %scan3A = arith.constant 0 : i32
    %scan3A_10 = arith.constant 0 : i32
    %scan3A_11 = arith.constant 40 : i32
    %scan3A_12 = arith.addi %scan3A_10, %scan3A_11 : i32
    %scan3A_13 = arith.constant 1 : i32
    scf.for %scan3A_29 = %scan3A_10 to %scan3A_12 step %scan3A_13  : i32 {
      %mul3A_30 = arith.constant 2 : i32
      %mul3A_31 = arith.muli %mul3A_30, %scan3A_29 : i32
      %dma_wait3A_32 = arith.constant 0 : i32
      %dma_wait3A_33 = arith.constant 0 : i32
      %dma_wait3A_34 = tpu.memref_slice %arg7[%mul3A_31, %dma_wait3A_32, %dma_wait3A_33] : memref<80x1x128xi32, #tpu.memory_space<vmem>> -> memref<1x1x128xi32, #tpu.memory_space<vmem>>
      %dma_wait3A_35 = tpu.memref_squeeze %dma_wait3A_34 : memref<1x1x128xi32, #tpu.memory_space<vmem>> -> memref<128xi32, #tpu.memory_space<vmem>>
      %dma_wait3A_36 = arith.constant 0 : i32
      %dma_wait3A_37 = arith.constant 0 : i32
      %dma_wait3A_38 = tpu.memref_slice %arg2[%dma_wait3A_36, %dma_wait3A_37] : memref<10000x16xf32, #tpu.memory_space<hbm>> -> memref<10000x16xf32, #tpu.memory_space<hbm>>
      tpu.wait_indirect_dma semaphore(%arg12 : memref<!tpu.dma_semaphore, #tpu.memory_space<semaphore_mem>>) src(%dma_wait3A_38 : memref<10000x16xf32, #tpu.memory_space<hbm>>) dst(%arg9 : memref<128x16xf32, #tpu.memory_space<vmem>>)
      %dma_start3A_39 = arith.constant 0 : i32
      %dma_start3A_40 = arith.constant 0 : i32
      %dma_start3A_41 = tpu.memref_slice %arg8[%mul3A_31, %dma_start3A_39, %dma_start3A_40] : memref<80x1x128xi32, #tpu.memory_space<vmem>> -> memref<1x1x128xi32, #tpu.memory_space<vmem>>
      %dma_start3A_42 = tpu.memref_squeeze %dma_start3A_41 : memref<1x1x128xi32, #tpu.memory_space<vmem>> -> memref<128xi32, #tpu.memory_space<vmem>>
      %dma_start3A_43 = arith.constant 0 : i32
      %dma_start3A_44 = arith.constant 0 : i32
      %dma_start3A_45 = tpu.memref_slice %arg11[%dma_start3A_43, %dma_start3A_44] : memref<10112x16xf32, #tpu.memory_space<vmem_shared>> -> memref<10112x16xf32, #tpu.memory_space<vmem_shared>>
      tpu.enqueue_indirect_dma source(%arg9 : memref<128x16xf32, #tpu.memory_space<vmem>>) target(%dma_start3A_45 : memref<10112x16xf32, #tpu.memory_space<vmem_shared>>) offsets(%dma_start3A_42 : memref<128xi32, #tpu.memory_space<vmem>>) semaphore(%arg14 : memref<!tpu.dma_semaphore, #tpu.memory_space<semaphore_mem>>) {add = true}
      %gt3A = arith.constant 0 : i32
      %gt3A_46 = arith.cmpi sgt, %scan3A_29, %gt3A : i32
      %convert_element_type3A_47 = arith.extui %gt3A_46 : i1 to i32
      %cond3A_48 = arith.constant 0 : i32
      %cond3A_49 = arith.cmpi ne, %convert_element_type3A_47, %cond3A_48 : i32
      scf.if %cond3A_49 {
        %sub3A = arith.constant 1 : i32
        %sub3A_89 = arith.subi %mul3A_31, %sub3A : i32
        %dma_wait3A_90 = arith.constant 0 : i32
        %dma_wait3A_91 = arith.constant 0 : i32
        %dma_wait3A_92 = tpu.memref_slice %arg8[%sub3A_89, %dma_wait3A_90, %dma_wait3A_91] : memref<80x1x128xi32, #tpu.memory_space<vmem>> -> memref<1x1x128xi32, #tpu.memory_space<vmem>>
        %dma_wait3A_93 = tpu.memref_squeeze %dma_wait3A_92 : memref<1x1x128xi32, #tpu.memory_space<vmem>> -> memref<128xi32, #tpu.memory_space<vmem>>
        %dma_wait3A_94 = arith.constant 0 : i32
        %dma_wait3A_95 = arith.constant 0 : i32
        %dma_wait3A_96 = tpu.memref_slice %arg11[%dma_wait3A_94, %dma_wait3A_95] : memref<10112x16xf32, #tpu.memory_space<vmem_shared>> -> memref<10112x16xf32, #tpu.memory_space<vmem_shared>>
        tpu.wait_indirect_dma semaphore(%arg15 : memref<!tpu.dma_semaphore, #tpu.memory_space<semaphore_mem>>) src(%arg10 : memref<128x16xf32, #tpu.memory_space<vmem>>) dst(%dma_wait3A_96 : memref<10112x16xf32, #tpu.memory_space<vmem_shared>>)
      } else {
      }
      %add3A_50 = arith.constant 1 : i32
      %add3A_51 = arith.addi %mul3A_31, %add3A_50 : i32
      %dma_start3A_52 = arith.constant 0 : i32
      %dma_start3A_53 = arith.constant 0 : i32
      %dma_start3A_54 = tpu.memref_slice %arg7[%add3A_51, %dma_start3A_52, %dma_start3A_53] : memref<80x1x128xi32, #tpu.memory_space<vmem>> -> memref<1x1x128xi32, #tpu.memory_space<vmem>>
      %dma_start3A_55 = tpu.memref_squeeze %dma_start3A_54 : memref<1x1x128xi32, #tpu.memory_space<vmem>> -> memref<128xi32, #tpu.memory_space<vmem>>
      %dma_start3A_56 = arith.constant 0 : i32
      %dma_start3A_57 = arith.constant 0 : i32
      %dma_start3A_58 = tpu.memref_slice %arg2[%dma_start3A_56, %dma_start3A_57] : memref<10000x16xf32, #tpu.memory_space<hbm>> -> memref<10000x16xf32, #tpu.memory_space<hbm>>
      tpu.enqueue_indirect_dma source(%dma_start3A_58 : memref<10000x16xf32, #tpu.memory_space<hbm>>) target(%arg10 : memref<128x16xf32, #tpu.memory_space<vmem>>) offsets(%dma_start3A_55 : memref<128xi32, #tpu.memory_space<vmem>>) semaphore(%arg13 : memref<!tpu.dma_semaphore, #tpu.memory_space<semaphore_mem>>)
      %add3A_59 = arith.constant 1 : i32
      %add3A_60 = arith.addi %mul3A_31, %add3A_59 : i32
      %dma_wait3A_61 = arith.constant 0 : i32
      %dma_wait3A_62 = arith.constant 0 : i32
      %dma_wait3A_63 = tpu.memref_slice %arg7[%add3A_60, %dma_wait3A_61, %dma_wait3A_62] : memref<80x1x128xi32, #tpu.memory_space<vmem>> -> memref<1x1x128xi32, #tpu.memory_space<vmem>>
      %dma_wait3A_64 = tpu.memref_squeeze %dma_wait3A_63 : memref<1x1x128xi32, #tpu.memory_space<vmem>> -> memref<128xi32, #tpu.memory_space<vmem>>
      %dma_wait3A_65 = arith.constant 0 : i32
      %dma_wait3A_66 = arith.constant 0 : i32
      %dma_wait3A_67 = tpu.memref_slice %arg2[%dma_wait3A_65, %dma_wait3A_66] : memref<10000x16xf32, #tpu.memory_space<hbm>> -> memref<10000x16xf32, #tpu.memory_space<hbm>>
      tpu.wait_indirect_dma semaphore(%arg13 : memref<!tpu.dma_semaphore, #tpu.memory_space<semaphore_mem>>) src(%dma_wait3A_67 : memref<10000x16xf32, #tpu.memory_space<hbm>>) dst(%arg10 : memref<128x16xf32, #tpu.memory_space<vmem>>)
      %add3A_68 = arith.constant 1 : i32
      %add3A_69 = arith.addi %mul3A_31, %add3A_68 : i32
      %dma_start3A_70 = arith.constant 0 : i32
      %dma_start3A_71 = arith.constant 0 : i32
      %dma_start3A_72 = tpu.memref_slice %arg8[%add3A_69, %dma_start3A_70, %dma_start3A_71] : memref<80x1x128xi32, #tpu.memory_space<vmem>> -> memref<1x1x128xi32, #tpu.memory_space<vmem>>
      %dma_start3A_73 = tpu.memref_squeeze %dma_start3A_72 : memref<1x1x128xi32, #tpu.memory_space<vmem>> -> memref<128xi32, #tpu.memory_space<vmem>>
      %dma_start3A_74 = arith.constant 0 : i32
      %dma_start3A_75 = arith.constant 0 : i32
      %dma_start3A_76 = tpu.memref_slice %arg11[%dma_start3A_74, %dma_start3A_75] : memref<10112x16xf32, #tpu.memory_space<vmem_shared>> -> memref<10112x16xf32, #tpu.memory_space<vmem_shared>>
      tpu.enqueue_indirect_dma source(%arg10 : memref<128x16xf32, #tpu.memory_space<vmem>>) target(%dma_start3A_76 : memref<10112x16xf32, #tpu.memory_space<vmem_shared>>) offsets(%dma_start3A_73 : memref<128xi32, #tpu.memory_space<vmem>>) semaphore(%arg15 : memref<!tpu.dma_semaphore, #tpu.memory_space<semaphore_mem>>) {add = true}
      %dma_wait3A_77 = arith.constant 0 : i32
      %dma_wait3A_78 = arith.constant 0 : i32
      %dma_wait3A_79 = tpu.memref_slice %arg8[%mul3A_31, %dma_wait3A_77, %dma_wait3A_78] : memref<80x1x128xi32, #tpu.memory_space<vmem>> -> memref<1x1x128xi32, #tpu.memory_space<vmem>>
      %dma_wait3A_80 = tpu.memref_squeeze %dma_wait3A_79 : memref<1x1x128xi32, #tpu.memory_space<vmem>> -> memref<128xi32, #tpu.memory_space<vmem>>
      %dma_wait3A_81 = arith.constant 0 : i32
      %dma_wait3A_82 = arith.constant 0 : i32
      %dma_wait3A_83 = tpu.memref_slice %arg11[%dma_wait3A_81, %dma_wait3A_82] : memref<10112x16xf32, #tpu.memory_space<vmem_shared>> -> memref<10112x16xf32, #tpu.memory_space<vmem_shared>>
      tpu.wait_indirect_dma semaphore(%arg14 : memref<!tpu.dma_semaphore, #tpu.memory_space<semaphore_mem>>) src(%arg9 : memref<128x16xf32, #tpu.memory_space<vmem>>) dst(%dma_wait3A_83 : memref<10112x16xf32, #tpu.memory_space<vmem_shared>>)
      %lt3A_84 = arith.constant 39 : i32
      %lt3A_85 = arith.cmpi slt, %scan3A_29, %lt3A_84 : i32
      %convert_element_type3A_86 = arith.extui %lt3A_85 : i1 to i32
      %cond3A_87 = arith.constant 0 : i32
      %cond3A_88 = arith.cmpi ne, %convert_element_type3A_86, %cond3A_87 : i32
      scf.if %cond3A_88 {
        %add3A_89 = arith.constant 2 : i32
        %add3A_90 = arith.addi %mul3A_31, %add3A_89 : i32
        %dma_start3A_91 = arith.constant 0 : i32
        %dma_start3A_92 = arith.constant 0 : i32
        %dma_start3A_93 = tpu.memref_slice %arg7[%add3A_90, %dma_start3A_91, %dma_start3A_92] : memref<80x1x128xi32, #tpu.memory_space<vmem>> -> memref<1x1x128xi32, #tpu.memory_space<vmem>>
        %dma_start3A_94 = tpu.memref_squeeze %dma_start3A_93 : memref<1x1x128xi32, #tpu.memory_space<vmem>> -> memref<128xi32, #tpu.memory_space<vmem>>
        %dma_start3A_95 = arith.constant 0 : i32
        %dma_start3A_96 = arith.constant 0 : i32
        %dma_start3A_97 = tpu.memref_slice %arg2[%dma_start3A_95, %dma_start3A_96] : memref<10000x16xf32, #tpu.memory_space<hbm>> -> memref<10000x16xf32, #tpu.memory_space<hbm>>
        tpu.enqueue_indirect_dma source(%dma_start3A_97 : memref<10000x16xf32, #tpu.memory_space<hbm>>) target(%arg9 : memref<128x16xf32, #tpu.memory_space<vmem>>) offsets(%dma_start3A_94 : memref<128xi32, #tpu.memory_space<vmem>>) semaphore(%arg12 : memref<!tpu.dma_semaphore, #tpu.memory_space<semaphore_mem>>)
      } else {
      }
    }
    %scan3A_14 = arith.constant 40 : i32
    %dma_wait3A = arith.constant 79 : i32
    %dma_wait3A_15 = arith.constant 0 : i32
    %dma_wait3A_16 = arith.constant 0 : i32
    %dma_wait3A_17 = tpu.memref_slice %arg8[%dma_wait3A, %dma_wait3A_15, %dma_wait3A_16] : memref<80x1x128xi32, #tpu.memory_space<vmem>> -> memref<1x1x128xi32, #tpu.memory_space<vmem>>
    %dma_wait3A_18 = tpu.memref_squeeze %dma_wait3A_17 : memref<1x1x128xi32, #tpu.memory_space<vmem>> -> memref<128xi32, #tpu.memory_space<vmem>>
    %dma_wait3A_19 = arith.constant 0 : i32
    %dma_wait3A_20 = arith.constant 0 : i32
    %dma_wait3A_21 = tpu.memref_slice %arg11[%dma_wait3A_19, %dma_wait3A_20] : memref<10112x16xf32, #tpu.memory_space<vmem_shared>> -> memref<10112x16xf32, #tpu.memory_space<vmem_shared>>
    tpu.wait_indirect_dma semaphore(%arg15 : memref<!tpu.dma_semaphore, #tpu.memory_space<semaphore_mem>>) src(%arg10 : memref<128x16xf32, #tpu.memory_space<vmem>>) dst(%dma_wait3A_21 : memref<10112x16xf32, #tpu.memory_space<vmem_shared>>)
    %barrier3A_22 = arith.constant 0 : index
    tpu.barrier barrier_id(%barrier3A_22)
    %lt3A = arith.constant 15 : i32
    %lt3A_23 = arith.cmpi slt, %arg1, %lt3A : i32
    %convert_element_type3A = arith.extui %lt3A_23 : i1 to i32
    %cond3A = arith.constant 0 : i32
    %cond3A_24 = arith.cmpi ne, %convert_element_type3A, %cond3A : i32
    scf.if %cond3A_24 {
      %mul3A_29 = arith.constant 632 : i32
      %mul3A_30 = arith.muli %arg1, %mul3A_29 : i32
      %mul3A_31 = arith.constant 632 : i32
      %mul3A_32 = arith.muli %arg1, %mul3A_31 : i32
      "tpu.region"() ({
        %run_scoped3A = tpu.sem_alloc : memref<!tpu.dma_semaphore, #tpu.memory_space<semaphore_mem>>
        %dma_start3A_33 = arith.constant 0 : i32
        %dma_start3A_34 = tpu.memref_slice %arg6[%arg0, %mul3A_32, %dma_start3A_33] : memref<2x10000x16xf32, #tpu.memory_space<hbm>> -> memref<1x632x16xf32, #tpu.memory_space<hbm>>
        %dma_start3A_35 = tpu.memref_squeeze %dma_start3A_34 : memref<1x632x16xf32, #tpu.memory_space<hbm>> -> memref<632x16xf32, #tpu.memory_space<hbm>>
        %dma_start3A_36 = arith.constant 0 : i32
        %dma_start3A_37 = tpu.memref_slice %arg11[%mul3A_30, %dma_start3A_36] : memref<10112x16xf32, #tpu.memory_space<vmem_shared>> -> memref<632x16xf32, #tpu.memory_space<vmem_shared>>
        tpu.enqueue_dma source(%dma_start3A_37 : memref<632x16xf32, #tpu.memory_space<vmem_shared>>) target(%dma_start3A_35 : memref<632x16xf32, #tpu.memory_space<hbm>>) target_semaphore(%run_scoped3A : memref<!tpu.dma_semaphore, #tpu.memory_space<semaphore_mem>>)
        %dma_wait3A_38 = arith.constant 0 : i32
        %dma_wait3A_39 = tpu.memref_slice %arg6[%arg0, %mul3A_32, %dma_wait3A_38] : memref<2x10000x16xf32, #tpu.memory_space<hbm>> -> memref<1x632x16xf32, #tpu.memory_space<hbm>>
        %dma_wait3A_40 = tpu.memref_squeeze %dma_wait3A_39 : memref<1x632x16xf32, #tpu.memory_space<hbm>> -> memref<632x16xf32, #tpu.memory_space<hbm>>
        %dma_wait3A_41 = arith.constant 0 : i32
        %dma_wait3A_42 = tpu.memref_slice %arg11[%mul3A_30, %dma_wait3A_41] : memref<10112x16xf32, #tpu.memory_space<vmem_shared>> -> memref<632x16xf32, #tpu.memory_space<vmem_shared>>
        tpu.wait_dma2 semaphore(%run_scoped3A : memref<!tpu.dma_semaphore, #tpu.memory_space<semaphore_mem>>) src(%dma_wait3A_42 : memref<632x16xf32, #tpu.memory_space<vmem_shared>>) dst(%dma_wait3A_40 : memref<632x16xf32, #tpu.memory_space<hbm>>)
        tpu.yield
      }) : () -> ()
    } else {
    }
    %eq3A = arith.constant 15 : i32
    %eq3A_25 = arith.cmpi eq, %arg1, %eq3A : i32
    %convert_element_type3A_26 = arith.extui %eq3A_25 : i1 to i32
    %cond3A_27 = arith.constant 0 : i32
    %cond3A_28 = arith.cmpi ne, %convert_element_type3A_26, %cond3A_27 : i32
    scf.if %cond3A_28 {
      "tpu.region"() ({
        %run_scoped3A = tpu.sem_alloc : memref<!tpu.dma_semaphore, #tpu.memory_space<semaphore_mem>>
        %dma_start3A_29 = arith.constant 9480 : i32
        %dma_start3A_30 = arith.constant 0 : i32
        %dma_start3A_31 = tpu.memref_slice %arg6[%arg0, %dma_start3A_29, %dma_start3A_30] : memref<2x10000x16xf32, #tpu.memory_space<hbm>> -> memref<1x520x16xf32, #tpu.memory_space<hbm>>
        %dma_start3A_32 = tpu.memref_squeeze %dma_start3A_31 : memref<1x520x16xf32, #tpu.memory_space<hbm>> -> memref<520x16xf32, #tpu.memory_space<hbm>>
        %dma_start3A_33 = arith.constant 9480 : i32
        %dma_start3A_34 = arith.constant 0 : i32
        %dma_start3A_35 = tpu.memref_slice %arg11[%dma_start3A_33, %dma_start3A_34] : memref<10112x16xf32, #tpu.memory_space<vmem_shared>> -> memref<520x16xf32, #tpu.memory_space<vmem_shared>>
        tpu.enqueue_dma source(%dma_start3A_35 : memref<520x16xf32, #tpu.memory_space<vmem_shared>>) target(%dma_start3A_32 : memref<520x16xf32, #tpu.memory_space<hbm>>) target_semaphore(%run_scoped3A : memref<!tpu.dma_semaphore, #tpu.memory_space<semaphore_mem>>)
        %dma_wait3A_36 = arith.constant 9480 : i32
        %dma_wait3A_37 = arith.constant 0 : i32
        %dma_wait3A_38 = tpu.memref_slice %arg6[%arg0, %dma_wait3A_36, %dma_wait3A_37] : memref<2x10000x16xf32, #tpu.memory_space<hbm>> -> memref<1x520x16xf32, #tpu.memory_space<hbm>>
        %dma_wait3A_39 = tpu.memref_squeeze %dma_wait3A_38 : memref<1x520x16xf32, #tpu.memory_space<hbm>> -> memref<520x16xf32, #tpu.memory_space<hbm>>
        %dma_wait3A_40 = arith.constant 9480 : i32
        %dma_wait3A_41 = arith.constant 0 : i32
        %dma_wait3A_42 = tpu.memref_slice %arg11[%dma_wait3A_40, %dma_wait3A_41] : memref<10112x16xf32, #tpu.memory_space<vmem_shared>> -> memref<520x16xf32, #tpu.memory_space<vmem_shared>>
        tpu.wait_dma2 semaphore(%run_scoped3A : memref<!tpu.dma_semaphore, #tpu.memory_space<semaphore_mem>>) src(%dma_wait3A_42 : memref<520x16xf32, #tpu.memory_space<vmem_shared>>) dst(%dma_wait3A_39 : memref<520x16xf32, #tpu.memory_space<hbm>>)
        tpu.yield
      }) : () -> ()
    } else {
    }
    return
  }
}

module attributes {stable_mosaic.version = 14 : i64} {
  func.func @body(%arg0: i32, %arg1: memref<400x128xf32, #tpu.memory_space<vmem>>, %arg2: memref<128x120xf32, #tpu.memory_space<vmem>>, %arg3: memref<128x120xf32, #tpu.memory_space<vmem>>, %arg4: memref<128x64xf32, #tpu.memory_space<vmem>>, %arg5: memref<400x120xf32, #tpu.memory_space<vmem>>, %arg6: memref<400x120xf32, #tpu.memory_space<vmem>>, %arg7: memref<400x64xf32, #tpu.memory_space<vmem>>) attributes {dimension_semantics = [#tpu.dimension_semantics<arbitrary>], iteration_bounds = array<i64: 25>, scalar_prefetch = 0 : i64, scratch_operands = 0 : i64, tpu.core_type = #tpu.core_type<tc>, window_params = [{transform_indices = @transform_0, window_bounds = array<i64: 400, 128>}, {pipeline_mode = #tpu.pipeline_mode<synchronous>, transform_indices = @transform_1, window_bounds = array<i64: 128, 120>}, {pipeline_mode = #tpu.pipeline_mode<synchronous>, transform_indices = @transform_2, window_bounds = array<i64: 128, 120>}, {pipeline_mode = #tpu.pipeline_mode<synchronous>, transform_indices = @transform_3, window_bounds = array<i64: 128, 64>}, {transform_indices = @transform_4, window_bounds = array<i64: 400, 120>}, {transform_indices = @transform_5, window_bounds = array<i64: 400, 120>}, {transform_indices = @transform_6, window_bounds = array<i64: 400, 64>}]} {
    %get3A = arith.constant 0 : index
    %get3A_0 = arith.constant 0 : index
    %get3A_1 = vector.load %arg1[%get3A, %get3A_0] : memref<400x128xf32, #tpu.memory_space<vmem>>, vector<400x128xf32>
    %get3A_2 = arith.constant 0 : index
    %get3A_3 = arith.constant 0 : index
    %get3A_4 = vector.load %arg2[%get3A_2, %get3A_3] : memref<128x120xf32, #tpu.memory_space<vmem>>, vector<128x120xf32>
    %dot_general3A = arith.constant dense<0.000000e+00> : vector<400x120xf32>
    %dot_general3A_5 = tpu.matmul %get3A_1, %get3A_4, %dot_general3A {dimension_numbers = #tpu.dot_dimension_numbers<[1], [0], [0], [1], [0, 0, 1, 1], [], []>, transpose_lhs_hint = false} : vector<400x128xf32>, vector<128x120xf32>, vector<400x120xf32> -> vector<400x120xf32>
    %swap3A = arith.constant 0 : index
    %swap3A_6 = arith.constant 0 : index
    %swap3A_7 = vector.load %arg5[%swap3A, %swap3A_6] : memref<400x120xf32, #tpu.memory_space<vmem>>, vector<400x120xf32>
    tpu.vector_store %arg5[%swap3A, %swap3A_6], %dot_general3A_5 {strides = array<i32>} : memref<400x120xf32, #tpu.memory_space<vmem>>, vector<400x120xf32>,
    %get3A_8 = arith.constant 0 : index
    %get3A_9 = arith.constant 0 : index
    %get3A_10 = vector.load %arg3[%get3A_8, %get3A_9] : memref<128x120xf32, #tpu.memory_space<vmem>>, vector<128x120xf32>
    %dot_general3A_11 = arith.constant dense<0.000000e+00> : vector<400x120xf32>
    %dot_general3A_12 = tpu.matmul %get3A_1, %get3A_10, %dot_general3A_11 {dimension_numbers = #tpu.dot_dimension_numbers<[1], [0], [0], [1], [0, 0, 1, 1], [], []>, transpose_lhs_hint = false} : vector<400x128xf32>, vector<128x120xf32>, vector<400x120xf32> -> vector<400x120xf32>
    %swap3A_13 = arith.constant 0 : index
    %swap3A_14 = arith.constant 0 : index
    %swap3A_15 = vector.load %arg6[%swap3A_13, %swap3A_14] : memref<400x120xf32, #tpu.memory_space<vmem>>, vector<400x120xf32>
    tpu.vector_store %arg6[%swap3A_13, %swap3A_14], %dot_general3A_12 {strides = array<i32>} : memref<400x120xf32, #tpu.memory_space<vmem>>, vector<400x120xf32>,
    %get3A_16 = arith.constant 0 : index
    %get3A_17 = arith.constant 0 : index
    %get3A_18 = vector.load %arg4[%get3A_16, %get3A_17] : memref<128x64xf32, #tpu.memory_space<vmem>>, vector<128x64xf32>
    %dot_general3A_19 = arith.constant dense<0.000000e+00> : vector<400x64xf32>
    %dot_general3A_20 = tpu.matmul %get3A_1, %get3A_18, %dot_general3A_19 {dimension_numbers = #tpu.dot_dimension_numbers<[1], [0], [0], [1], [0, 0, 1, 1], [], []>, transpose_lhs_hint = false} : vector<400x128xf32>, vector<128x64xf32>, vector<400x64xf32> -> vector<400x64xf32>
    %swap3A_21 = arith.constant 0 : index
    %swap3A_22 = arith.constant 0 : index
    %swap3A_23 = vector.load %arg7[%swap3A_21, %swap3A_22] : memref<400x64xf32, #tpu.memory_space<vmem>>, vector<400x64xf32>
    tpu.vector_store %arg7[%swap3A_21, %swap3A_22], %dot_general3A_20 {strides = array<i32>} : memref<400x64xf32, #tpu.memory_space<vmem>>, vector<400x64xf32>,
    return
  }
  func.func @transform_0(%arg0: i32) -> (i32, i32) {
    %c0_i32 = arith.constant 0 : i32
    %c0_i32_0 = arith.constant 0 : i32
    return %arg0, %c0_i32 : i32, i32
  }
  func.func @transform_1(%arg0: i32) -> (i32, i32) {
    %c0_i32 = arith.constant 0 : i32
    %c0_i32_0 = arith.constant 0 : i32
    %c0_i32_1 = arith.constant 0 : i32
    return %c0_i32, %c0_i32_0 : i32, i32
  }
  func.func @transform_2(%arg0: i32) -> (i32, i32) {
    %c0_i32 = arith.constant 0 : i32
    %c0_i32_0 = arith.constant 0 : i32
    %c0_i32_1 = arith.constant 0 : i32
    return %c0_i32, %c0_i32_0 : i32, i32
  }
  func.func @transform_3(%arg0: i32) -> (i32, i32) {
    %c0_i32 = arith.constant 0 : i32
    %c0_i32_0 = arith.constant 0 : i32
    %c0_i32_1 = arith.constant 0 : i32
    return %c0_i32, %c0_i32_0 : i32, i32
  }
  func.func @transform_4(%arg0: i32) -> (i32, i32) {
    %c0_i32 = arith.constant 0 : i32
    %c0_i32_0 = arith.constant 0 : i32
    return %arg0, %c0_i32 : i32, i32
  }
  func.func @transform_5(%arg0: i32) -> (i32, i32) {
    %c0_i32 = arith.constant 0 : i32
    %c0_i32_0 = arith.constant 0 : i32
    return %arg0, %c0_i32 : i32, i32
  }
  func.func @transform_6(%arg0: i32) -> (i32, i32) {
    %c0_i32 = arith.constant 0 : i32
    %c0_i32_0 = arith.constant 0 : i32
    return %arg0, %c0_i32 : i32, i32
  }
}

module attributes {stable_mosaic.version = 14 : i64} {
  func.func @body(%arg0: i32, %arg1: memref<2x400x120xf32, #tpu.memory_space<vmem>>, %arg2: memref<2x400x120xf32, #tpu.memory_space<vmem>>, %arg3: memref<2x400x64xf32, #tpu.memory_space<vmem>>, %arg4: memref<1x120xf32, #tpu.memory_space<vmem>>, %arg5: memref<1x120xf32, #tpu.memory_space<vmem>>, %arg6: memref<1x64xf32, #tpu.memory_space<vmem>>, %arg7: memref<120x120xf32, #tpu.memory_space<vmem>>, %arg8: memref<120x80xf32, #tpu.memory_space<vmem>>, %arg9: memref<120x120xf32, #tpu.memory_space<vmem>>, %arg10: memref<120x80xf32, #tpu.memory_space<vmem>>, %arg11: memref<64x120xf32, #tpu.memory_space<vmem>>, %arg12: memref<64x80xf32, #tpu.memory_space<vmem>>, %arg13: memref<400x120xf32, #tpu.memory_space<vmem>>, %arg14: memref<400x80xf32, #tpu.memory_space<vmem>>) attributes {dimension_semantics = [#tpu.dimension_semantics<arbitrary>], iteration_bounds = array<i64: 25>, scalar_prefetch = 0 : i64, scratch_operands = 0 : i64, tpu.core_type = #tpu.core_type<tc>, window_params = [{transform_indices = @transform_0, window_bounds = array<i64: 2, 400, 120>}, {transform_indices = @transform_1, window_bounds = array<i64: 2, 400, 120>}, {transform_indices = @transform_2, window_bounds = array<i64: 2, 400, 64>}, {pipeline_mode = #tpu.pipeline_mode<synchronous>, transform_indices = @transform_3, window_bounds = array<i64: 1, 120>}, {pipeline_mode = #tpu.pipeline_mode<synchronous>, transform_indices = @transform_4, window_bounds = array<i64: 1, 120>}, {pipeline_mode = #tpu.pipeline_mode<synchronous>, transform_indices = @transform_5, window_bounds = array<i64: 1, 64>}, {pipeline_mode = #tpu.pipeline_mode<synchronous>, transform_indices = @transform_6, window_bounds = array<i64: 120, 120>}, {pipeline_mode = #tpu.pipeline_mode<synchronous>, transform_indices = @transform_7, window_bounds = array<i64: 120, 80>}, {pipeline_mode = #tpu.pipeline_mode<synchronous>, transform_indices = @transform_8, window_bounds = array<i64: 120, 120>}, {pipeline_mode = #tpu.pipeline_mode<synchronous>, transform_indices = @transform_9, window_bounds = array<i64: 120, 80>}, {pipeline_mode = #tpu.pipeline_mode<synchronous>, transform_indices = @transform_10, window_bounds = array<i64: 64, 120>}, {pipeline_mode = #tpu.pipeline_mode<synchronous>, transform_indices = @transform_11, window_bounds = array<i64: 64, 80>}, {transform_indices = @transform_12, window_bounds = array<i64: 400, 120>}, {transform_indices = @transform_13, window_bounds = array<i64: 400, 80>}]} {
    %get3A = arith.constant 0 : index
    %get3A_0 = arith.constant 0 : index
    %get3A_1 = arith.constant 0 : index
    %get3A_2 = vector.load %arg1[%get3A, %get3A_0, %get3A_1] : memref<2x400x120xf32, #tpu.memory_space<vmem>>, vector<1x400x120xf32>
    %get3A_3 = vector.shape_cast %get3A_2 : vector<1x400x120xf32> to vector<400x120xf32>
    %get3A_4 = arith.constant 1 : index
    %get3A_5 = arith.constant 0 : index
    %get3A_6 = arith.constant 0 : index
    %get3A_7 = vector.load %arg1[%get3A_4, %get3A_5, %get3A_6] : memref<2x400x120xf32, #tpu.memory_space<vmem>>, vector<1x400x120xf32>
    %get3A_8 = vector.shape_cast %get3A_7 : vector<1x400x120xf32> to vector<400x120xf32>
    %add3A = arith.addf %get3A_3, %get3A_8 : vector<400x120xf32>
    %get3A_9 = arith.constant 0 : index
    %get3A_10 = arith.constant 0 : index
    %get3A_11 = vector.load %arg4[%get3A_9, %get3A_10] : memref<1x120xf32, #tpu.memory_space<vmem>>, vector<1x120xf32>
    %get3A_12 = vector.shape_cast %get3A_11 : vector<1x120xf32> to vector<120xf32>
    %broadcast_in_dim3A = vector.shape_cast %get3A_12 : vector<120xf32> to vector<1x120xf32>
    %add3A_13 = vector.broadcast %broadcast_in_dim3A : vector<1x120xf32> to vector<400x120xf32>
    %add3A_14 = arith.addf %add3A, %add3A_13 : vector<400x120xf32>
    %max3A = arith.constant 0.000000e+00 : f32
    %max3A_15 = vector.broadcast %max3A : f32 to vector<400x120xf32>
    %max3A_16 = arith.maximumf %add3A_14, %max3A_15 : vector<400x120xf32>
    %get3A_17 = arith.constant 0 : index
    %get3A_18 = arith.constant 0 : index
    %get3A_19 = arith.constant 0 : index
    %get3A_20 = vector.load %arg2[%get3A_17, %get3A_18, %get3A_19] : memref<2x400x120xf32, #tpu.memory_space<vmem>>, vector<1x400x120xf32>
    %get3A_21 = vector.shape_cast %get3A_20 : vector<1x400x120xf32> to vector<400x120xf32>
    %get3A_22 = arith.constant 1 : index
    %get3A_23 = arith.constant 0 : index
    %get3A_24 = arith.constant 0 : index
    %get3A_25 = vector.load %arg2[%get3A_22, %get3A_23, %get3A_24] : memref<2x400x120xf32, #tpu.memory_space<vmem>>, vector<1x400x120xf32>
    %get3A_26 = vector.shape_cast %get3A_25 : vector<1x400x120xf32> to vector<400x120xf32>
    %add3A_27 = arith.addf %get3A_21, %get3A_26 : vector<400x120xf32>
    %get3A_28 = arith.constant 0 : index
    %get3A_29 = arith.constant 0 : index
    %get3A_30 = vector.load %arg5[%get3A_28, %get3A_29] : memref<1x120xf32, #tpu.memory_space<vmem>>, vector<1x120xf32>
    %get3A_31 = vector.shape_cast %get3A_30 : vector<1x120xf32> to vector<120xf32>
    %broadcast_in_dim3A_32 = vector.shape_cast %get3A_31 : vector<120xf32> to vector<1x120xf32>
    %add3A_33 = vector.broadcast %broadcast_in_dim3A_32 : vector<1x120xf32> to vector<400x120xf32>
    %add3A_34 = arith.addf %add3A_27, %add3A_33 : vector<400x120xf32>
    %max3A_35 = arith.constant 0.000000e+00 : f32
    %max3A_36 = vector.broadcast %max3A_35 : f32 to vector<400x120xf32>
    %max3A_37 = arith.maximumf %add3A_34, %max3A_36 : vector<400x120xf32>
    %get3A_38 = arith.constant 0 : index
    %get3A_39 = arith.constant 0 : index
    %get3A_40 = arith.constant 0 : index
    %get3A_41 = vector.load %arg3[%get3A_38, %get3A_39, %get3A_40] : memref<2x400x64xf32, #tpu.memory_space<vmem>>, vector<1x400x64xf32>
    %get3A_42 = vector.shape_cast %get3A_41 : vector<1x400x64xf32> to vector<400x64xf32>
    %get3A_43 = arith.constant 1 : index
    %get3A_44 = arith.constant 0 : index
    %get3A_45 = arith.constant 0 : index
    %get3A_46 = vector.load %arg3[%get3A_43, %get3A_44, %get3A_45] : memref<2x400x64xf32, #tpu.memory_space<vmem>>, vector<1x400x64xf32>
    %get3A_47 = vector.shape_cast %get3A_46 : vector<1x400x64xf32> to vector<400x64xf32>
    %add3A_48 = arith.addf %get3A_42, %get3A_47 : vector<400x64xf32>
    %get3A_49 = arith.constant 0 : index
    %get3A_50 = arith.constant 0 : index
    %get3A_51 = vector.load %arg6[%get3A_49, %get3A_50] : memref<1x64xf32, #tpu.memory_space<vmem>>, vector<1x64xf32>
    %get3A_52 = vector.shape_cast %get3A_51 : vector<1x64xf32> to vector<64xf32>
    %broadcast_in_dim3A_53 = vector.shape_cast %get3A_52 : vector<64xf32> to vector<1x64xf32>
    %add3A_54 = vector.broadcast %broadcast_in_dim3A_53 : vector<1x64xf32> to vector<400x64xf32>
    %add3A_55 = arith.addf %add3A_48, %add3A_54 : vector<400x64xf32>
    %max3A_56 = arith.constant 0.000000e+00 : f32
    %max3A_57 = vector.broadcast %max3A_56 : f32 to vector<400x64xf32>
    %max3A_58 = arith.maximumf %add3A_55, %max3A_57 : vector<400x64xf32>
    %get3A_59 = arith.constant 0 : index
    %get3A_60 = arith.constant 0 : index
    %get3A_61 = vector.load %arg7[%get3A_59, %get3A_60] : memref<120x120xf32, #tpu.memory_space<vmem>>, vector<120x120xf32>
    %dot_general3A = arith.constant dense<0.000000e+00> : vector<400x120xf32>
    %dot_general3A_62 = tpu.matmul %max3A_16, %get3A_61, %dot_general3A {dimension_numbers = #tpu.dot_dimension_numbers<[1], [0], [0], [1], [0, 0, 1, 1], [], []>, transpose_lhs_hint = false} : vector<400x120xf32>, vector<120x120xf32>, vector<400x120xf32> -> vector<400x120xf32>
    %get3A_63 = arith.constant 0 : index
    %get3A_64 = arith.constant 0 : index
    %get3A_65 = vector.load %arg9[%get3A_63, %get3A_64] : memref<120x120xf32, #tpu.memory_space<vmem>>, vector<120x120xf32>
    %dot_general3A_66 = arith.constant dense<0.000000e+00> : vector<400x120xf32>
    %dot_general3A_67 = tpu.matmul %max3A_37, %get3A_65, %dot_general3A_66 {dimension_numbers = #tpu.dot_dimension_numbers<[1], [0], [0], [1], [0, 0, 1, 1], [], []>, transpose_lhs_hint = false} : vector<400x120xf32>, vector<120x120xf32>, vector<400x120xf32> -> vector<400x120xf32>
    %add3A_68 = arith.addf %dot_general3A_62, %dot_general3A_67 : vector<400x120xf32>
    %get3A_69 = arith.constant 0 : index
    %get3A_70 = arith.constant 0 : index
    %get3A_71 = vector.load %arg11[%get3A_69, %get3A_70] : memref<64x120xf32, #tpu.memory_space<vmem>>, vector<64x120xf32>
    %dot_general3A_72 = arith.constant dense<0.000000e+00> : vector<400x120xf32>
    %dot_general3A_73 = tpu.matmul %max3A_58, %get3A_71, %dot_general3A_72 {dimension_numbers = #tpu.dot_dimension_numbers<[1], [0], [0], [1], [0, 0, 1, 1], [], []>, transpose_lhs_hint = false} : vector<400x64xf32>, vector<64x120xf32>, vector<400x120xf32> -> vector<400x120xf32>
    %add3A_74 = arith.addf %add3A_68, %dot_general3A_73 : vector<400x120xf32>
    %swap3A = arith.constant 0 : index
    %swap3A_75 = arith.constant 0 : index
    %swap3A_76 = vector.load %arg13[%swap3A, %swap3A_75] : memref<400x120xf32, #tpu.memory_space<vmem>>, vector<400x120xf32>
    tpu.vector_store %arg13[%swap3A, %swap3A_75], %add3A_74 {strides = array<i32>} : memref<400x120xf32, #tpu.memory_space<vmem>>, vector<400x120xf32>,
    %get3A_77 = arith.constant 0 : index
    %get3A_78 = arith.constant 0 : index
    %get3A_79 = vector.load %arg8[%get3A_77, %get3A_78] : memref<120x80xf32, #tpu.memory_space<vmem>>, vector<120x80xf32>
    %dot_general3A_80 = arith.constant dense<0.000000e+00> : vector<400x80xf32>
    %dot_general3A_81 = tpu.matmul %max3A_16, %get3A_79, %dot_general3A_80 {dimension_numbers = #tpu.dot_dimension_numbers<[1], [0], [0], [1], [0, 0, 1, 1], [], []>, transpose_lhs_hint = false} : vector<400x120xf32>, vector<120x80xf32>, vector<400x80xf32> -> vector<400x80xf32>
    %get3A_82 = arith.constant 0 : index
    %get3A_83 = arith.constant 0 : index
    %get3A_84 = vector.load %arg10[%get3A_82, %get3A_83] : memref<120x80xf32, #tpu.memory_space<vmem>>, vector<120x80xf32>
    %dot_general3A_85 = arith.constant dense<0.000000e+00> : vector<400x80xf32>
    %dot_general3A_86 = tpu.matmul %max3A_37, %get3A_84, %dot_general3A_85 {dimension_numbers = #tpu.dot_dimension_numbers<[1], [0], [0], [1], [0, 0, 1, 1], [], []>, transpose_lhs_hint = false} : vector<400x120xf32>, vector<120x80xf32>, vector<400x80xf32> -> vector<400x80xf32>
    %add3A_87 = arith.addf %dot_general3A_81, %dot_general3A_86 : vector<400x80xf32>
    %get3A_88 = arith.constant 0 : index
    %get3A_89 = arith.constant 0 : index
    %get3A_90 = vector.load %arg12[%get3A_88, %get3A_89] : memref<64x80xf32, #tpu.memory_space<vmem>>, vector<64x80xf32>
    %dot_general3A_91 = arith.constant dense<0.000000e+00> : vector<400x80xf32>
    %dot_general3A_92 = tpu.matmul %max3A_58, %get3A_90, %dot_general3A_91 {dimension_numbers = #tpu.dot_dimension_numbers<[1], [0], [0], [1], [0, 0, 1, 1], [], []>, transpose_lhs_hint = false} : vector<400x64xf32>, vector<64x80xf32>, vector<400x80xf32> -> vector<400x80xf32>
    %add3A_93 = arith.addf %add3A_87, %dot_general3A_92 : vector<400x80xf32>
    %swap3A_94 = arith.constant 0 : index
    %swap3A_95 = arith.constant 0 : index
    %swap3A_96 = vector.load %arg14[%swap3A_94, %swap3A_95] : memref<400x80xf32, #tpu.memory_space<vmem>>, vector<400x80xf32>
    tpu.vector_store %arg14[%swap3A_94, %swap3A_95], %add3A_93 {strides = array<i32>} : memref<400x80xf32, #tpu.memory_space<vmem>>, vector<400x80xf32>,
    return
  }
  func.func @transform_0(%arg0: i32) -> (i32, i32, i32) {
    %c0_i32 = arith.constant 0 : i32
    %c0_i32_0 = arith.constant 0 : i32
    %c0_i32_1 = arith.constant 0 : i32
    return %c0_i32, %arg0, %c0_i32_0 : i32, i32, i32
  }
  func.func @transform_1(%arg0: i32) -> (i32, i32, i32) {
    %c0_i32 = arith.constant 0 : i32
    %c0_i32_0 = arith.constant 0 : i32
    %c0_i32_1 = arith.constant 0 : i32
    return %c0_i32, %arg0, %c0_i32_0 : i32, i32, i32
  }
  func.func @transform_2(%arg0: i32) -> (i32, i32, i32) {
    %c0_i32 = arith.constant 0 : i32
    %c0_i32_0 = arith.constant 0 : i32
    %c0_i32_1 = arith.constant 0 : i32
    return %c0_i32, %arg0, %c0_i32_0 : i32, i32, i32
  }
  func.func @transform_3(%arg0: i32) -> (i32, i32) {
    %c0_i32 = arith.constant 0 : i32
    %c0_i32_0 = arith.constant 0 : i32
    %c0_i32_1 = arith.constant 0 : i32
    return %c0_i32, %c0_i32_0 : i32, i32
  }
  func.func @transform_4(%arg0: i32) -> (i32, i32) {
    %c0_i32 = arith.constant 0 : i32
    %c0_i32_0 = arith.constant 0 : i32
    %c0_i32_1 = arith.constant 0 : i32
    return %c0_i32, %c0_i32_0 : i32, i32
  }
  func.func @transform_5(%arg0: i32) -> (i32, i32) {
    %c0_i32 = arith.constant 0 : i32
    %c0_i32_0 = arith.constant 0 : i32
    %c0_i32_1 = arith.constant 0 : i32
    return %c0_i32, %c0_i32_0 : i32, i32
  }
  func.func @transform_6(%arg0: i32) -> (i32, i32) {
    %c0_i32 = arith.constant 0 : i32
    %c0_i32_0 = arith.constant 0 : i32
    %c0_i32_1 = arith.constant 0 : i32
    return %c0_i32, %c0_i32_0 : i32, i32
  }
  func.func @transform_7(%arg0: i32) -> (i32, i32) {
    %c0_i32 = arith.constant 0 : i32
    %c0_i32_0 = arith.constant 0 : i32
    %c0_i32_1 = arith.constant 0 : i32
    return %c0_i32, %c0_i32_0 : i32, i32
  }
  func.func @transform_8(%arg0: i32) -> (i32, i32) {
    %c0_i32 = arith.constant 0 : i32
    %c0_i32_0 = arith.constant 0 : i32
    %c0_i32_1 = arith.constant 0 : i32
    return %c0_i32, %c0_i32_0 : i32, i32
  }
  func.func @transform_9(%arg0: i32) -> (i32, i32) {
    %c0_i32 = arith.constant 0 : i32
    %c0_i32_0 = arith.constant 0 : i32
    %c0_i32_1 = arith.constant 0 : i32
    return %c0_i32, %c0_i32_0 : i32, i32
  }
  func.func @transform_10(%arg0: i32) -> (i32, i32) {
    %c0_i32 = arith.constant 0 : i32
    %c0_i32_0 = arith.constant 0 : i32
    %c0_i32_1 = arith.constant 0 : i32
    return %c0_i32, %c0_i32_0 : i32, i32
  }
  func.func @transform_11(%arg0: i32) -> (i32, i32) {
    %c0_i32 = arith.constant 0 : i32
    %c0_i32_0 = arith.constant 0 : i32
    %c0_i32_1 = arith.constant 0 : i32
    return %c0_i32, %c0_i32_0 : i32, i32
  }
  func.func @transform_12(%arg0: i32) -> (i32, i32) {
    %c0_i32 = arith.constant 0 : i32
    %c0_i32_0 = arith.constant 0 : i32
    return %arg0, %c0_i32 : i32, i32
  }
  func.func @transform_13(%arg0: i32) -> (i32, i32) {
    %c0_i32 = arith.constant 0 : i32
    %c0_i32_0 = arith.constant 0 : i32
    return %arg0, %c0_i32 : i32, i32
  }
}

module attributes {stable_mosaic.version = 14 : i64} {
  func.func @body(%arg0: i32, %arg1: memref<2x400x120xf32, #tpu.memory_space<vmem>>, %arg2: memref<2x400x80xf32, #tpu.memory_space<vmem>>, %arg3: memref<1x120xf32, #tpu.memory_space<vmem>>, %arg4: memref<1x80xf32, #tpu.memory_space<vmem>>, %arg5: memref<120x16xf32, #tpu.memory_space<vmem>>, %arg6: memref<80x16xf32, #tpu.memory_space<vmem>>, %arg7: memref<400x16xf32, #tpu.memory_space<vmem>>) attributes {dimension_semantics = [#tpu.dimension_semantics<arbitrary>], iteration_bounds = array<i64: 25>, scalar_prefetch = 0 : i64, scratch_operands = 0 : i64, tpu.core_type = #tpu.core_type<tc>, window_params = [{transform_indices = @transform_0, window_bounds = array<i64: 2, 400, 120>}, {transform_indices = @transform_1, window_bounds = array<i64: 2, 400, 80>}, {pipeline_mode = #tpu.pipeline_mode<synchronous>, transform_indices = @transform_2, window_bounds = array<i64: 1, 120>}, {pipeline_mode = #tpu.pipeline_mode<synchronous>, transform_indices = @transform_3, window_bounds = array<i64: 1, 80>}, {pipeline_mode = #tpu.pipeline_mode<synchronous>, transform_indices = @transform_4, window_bounds = array<i64: 120, 16>}, {pipeline_mode = #tpu.pipeline_mode<synchronous>, transform_indices = @transform_5, window_bounds = array<i64: 80, 16>}, {transform_indices = @transform_6, window_bounds = array<i64: 400, 16>}]} {
    %get3A = arith.constant 0 : index
    %get3A_0 = arith.constant 0 : index
    %get3A_1 = arith.constant 0 : index
    %get3A_2 = vector.load %arg1[%get3A, %get3A_0, %get3A_1] : memref<2x400x120xf32, #tpu.memory_space<vmem>>, vector<1x400x120xf32>
    %get3A_3 = vector.shape_cast %get3A_2 : vector<1x400x120xf32> to vector<400x120xf32>
    %get3A_4 = arith.constant 1 : index
    %get3A_5 = arith.constant 0 : index
    %get3A_6 = arith.constant 0 : index
    %get3A_7 = vector.load %arg1[%get3A_4, %get3A_5, %get3A_6] : memref<2x400x120xf32, #tpu.memory_space<vmem>>, vector<1x400x120xf32>
    %get3A_8 = vector.shape_cast %get3A_7 : vector<1x400x120xf32> to vector<400x120xf32>
    %add3A = arith.addf %get3A_3, %get3A_8 : vector<400x120xf32>
    %get3A_9 = arith.constant 0 : index
    %get3A_10 = arith.constant 0 : index
    %get3A_11 = vector.load %arg3[%get3A_9, %get3A_10] : memref<1x120xf32, #tpu.memory_space<vmem>>, vector<1x120xf32>
    %get3A_12 = vector.shape_cast %get3A_11 : vector<1x120xf32> to vector<120xf32>
    %broadcast_in_dim3A = vector.shape_cast %get3A_12 : vector<120xf32> to vector<1x120xf32>
    %add3A_13 = vector.broadcast %broadcast_in_dim3A : vector<1x120xf32> to vector<400x120xf32>
    %add3A_14 = arith.addf %add3A, %add3A_13 : vector<400x120xf32>
    %max3A = arith.constant 0.000000e+00 : f32
    %max3A_15 = vector.broadcast %max3A : f32 to vector<400x120xf32>
    %max3A_16 = arith.maximumf %add3A_14, %max3A_15 : vector<400x120xf32>
    %get3A_17 = arith.constant 0 : index
    %get3A_18 = arith.constant 0 : index
    %get3A_19 = arith.constant 0 : index
    %get3A_20 = vector.load %arg2[%get3A_17, %get3A_18, %get3A_19] : memref<2x400x80xf32, #tpu.memory_space<vmem>>, vector<1x400x80xf32>
    %get3A_21 = vector.shape_cast %get3A_20 : vector<1x400x80xf32> to vector<400x80xf32>
    %get3A_22 = arith.constant 1 : index
    %get3A_23 = arith.constant 0 : index
    %get3A_24 = arith.constant 0 : index
    %get3A_25 = vector.load %arg2[%get3A_22, %get3A_23, %get3A_24] : memref<2x400x80xf32, #tpu.memory_space<vmem>>, vector<1x400x80xf32>
    %get3A_26 = vector.shape_cast %get3A_25 : vector<1x400x80xf32> to vector<400x80xf32>
    %add3A_27 = arith.addf %get3A_21, %get3A_26 : vector<400x80xf32>
    %get3A_28 = arith.constant 0 : index
    %get3A_29 = arith.constant 0 : index
    %get3A_30 = vector.load %arg4[%get3A_28, %get3A_29] : memref<1x80xf32, #tpu.memory_space<vmem>>, vector<1x80xf32>
    %get3A_31 = vector.shape_cast %get3A_30 : vector<1x80xf32> to vector<80xf32>
    %broadcast_in_dim3A_32 = vector.shape_cast %get3A_31 : vector<80xf32> to vector<1x80xf32>
    %add3A_33 = vector.broadcast %broadcast_in_dim3A_32 : vector<1x80xf32> to vector<400x80xf32>
    %add3A_34 = arith.addf %add3A_27, %add3A_33 : vector<400x80xf32>
    %max3A_35 = arith.constant 0.000000e+00 : f32
    %max3A_36 = vector.broadcast %max3A_35 : f32 to vector<400x80xf32>
    %max3A_37 = arith.maximumf %add3A_34, %max3A_36 : vector<400x80xf32>
    %get3A_38 = arith.constant 0 : index
    %get3A_39 = arith.constant 0 : index
    %get3A_40 = vector.load %arg5[%get3A_38, %get3A_39] : memref<120x16xf32, #tpu.memory_space<vmem>>, vector<120x16xf32>
    %dot_general3A = arith.constant dense<0.000000e+00> : vector<400x16xf32>
    %dot_general3A_41 = tpu.matmul %max3A_16, %get3A_40, %dot_general3A {dimension_numbers = #tpu.dot_dimension_numbers<[1], [0], [0], [1], [0, 0, 1, 1], [], []>, transpose_lhs_hint = false} : vector<400x120xf32>, vector<120x16xf32>, vector<400x16xf32> -> vector<400x16xf32>
    %get3A_42 = arith.constant 0 : index
    %get3A_43 = arith.constant 0 : index
    %get3A_44 = vector.load %arg6[%get3A_42, %get3A_43] : memref<80x16xf32, #tpu.memory_space<vmem>>, vector<80x16xf32>
    %dot_general3A_45 = arith.constant dense<0.000000e+00> : vector<400x16xf32>
    %dot_general3A_46 = tpu.matmul %max3A_37, %get3A_44, %dot_general3A_45 {dimension_numbers = #tpu.dot_dimension_numbers<[1], [0], [0], [1], [0, 0, 1, 1], [], []>, transpose_lhs_hint = false} : vector<400x80xf32>, vector<80x16xf32>, vector<400x16xf32> -> vector<400x16xf32>
    %add3A_47 = arith.addf %dot_general3A_41, %dot_general3A_46 : vector<400x16xf32>
    %swap3A = arith.constant 0 : index
    %swap3A_48 = arith.constant 0 : index
    %swap3A_49 = vector.load %arg7[%swap3A, %swap3A_48] : memref<400x16xf32, #tpu.memory_space<vmem>>, vector<400x16xf32>
    tpu.vector_store %arg7[%swap3A, %swap3A_48], %add3A_47 {strides = array<i32>} : memref<400x16xf32, #tpu.memory_space<vmem>>, vector<400x16xf32>,
    return
  }
  func.func @transform_0(%arg0: i32) -> (i32, i32, i32) {
    %c0_i32 = arith.constant 0 : i32
    %c0_i32_0 = arith.constant 0 : i32
    %c0_i32_1 = arith.constant 0 : i32
    return %c0_i32, %arg0, %c0_i32_0 : i32, i32, i32
  }
  func.func @transform_1(%arg0: i32) -> (i32, i32, i32) {
    %c0_i32 = arith.constant 0 : i32
    %c0_i32_0 = arith.constant 0 : i32
    %c0_i32_1 = arith.constant 0 : i32
    return %c0_i32, %arg0, %c0_i32_0 : i32, i32, i32
  }
  func.func @transform_2(%arg0: i32) -> (i32, i32) {
    %c0_i32 = arith.constant 0 : i32
    %c0_i32_0 = arith.constant 0 : i32
    %c0_i32_1 = arith.constant 0 : i32
    return %c0_i32, %c0_i32_0 : i32, i32
  }
  func.func @transform_3(%arg0: i32) -> (i32, i32) {
    %c0_i32 = arith.constant 0 : i32
    %c0_i32_0 = arith.constant 0 : i32
    %c0_i32_1 = arith.constant 0 : i32
    return %c0_i32, %c0_i32_0 : i32, i32
  }
  func.func @transform_4(%arg0: i32) -> (i32, i32) {
    %c0_i32 = arith.constant 0 : i32
    %c0_i32_0 = arith.constant 0 : i32
    %c0_i32_1 = arith.constant 0 : i32
    return %c0_i32, %c0_i32_0 : i32, i32
  }
  func.func @transform_5(%arg0: i32) -> (i32, i32) {
    %c0_i32 = arith.constant 0 : i32
    %c0_i32_0 = arith.constant 0 : i32
    %c0_i32_1 = arith.constant 0 : i32
    return %c0_i32, %c0_i32_0 : i32, i32
  }
  func.func @transform_6(%arg0: i32) -> (i32, i32) {
    %c0_i32 = arith.constant 0 : i32
    %c0_i32_0 = arith.constant 0 : i32
    return %arg0, %c0_i32 : i32, i32
  }
}

module attributes {stable_mosaic.version = 14 : i64} {
  func.func @body(%arg0: i32, %arg1: memref<2x400x16xf32, #tpu.memory_space<vmem>>, %arg2: memref<1x16xf32, #tpu.memory_space<vmem>>, %arg3: memref<400x16xf32, #tpu.memory_space<vmem>>) attributes {dimension_semantics = [#tpu.dimension_semantics<arbitrary>], iteration_bounds = array<i64: 25>, scalar_prefetch = 0 : i64, scratch_operands = 0 : i64, tpu.core_type = #tpu.core_type<tc>, window_params = [{transform_indices = @transform_0, window_bounds = array<i64: 2, 400, 16>}, {pipeline_mode = #tpu.pipeline_mode<synchronous>, transform_indices = @transform_1, window_bounds = array<i64: 1, 16>}, {transform_indices = @transform_2, window_bounds = array<i64: 400, 16>}]} {
    %get3A = arith.constant 0 : index
    %get3A_0 = arith.constant 0 : index
    %get3A_1 = arith.constant 0 : index
    %get3A_2 = vector.load %arg1[%get3A, %get3A_0, %get3A_1] : memref<2x400x16xf32, #tpu.memory_space<vmem>>, vector<1x400x16xf32>
    %get3A_3 = vector.shape_cast %get3A_2 : vector<1x400x16xf32> to vector<400x16xf32>
    %get3A_4 = arith.constant 1 : index
    %get3A_5 = arith.constant 0 : index
    %get3A_6 = arith.constant 0 : index
    %get3A_7 = vector.load %arg1[%get3A_4, %get3A_5, %get3A_6] : memref<2x400x16xf32, #tpu.memory_space<vmem>>, vector<1x400x16xf32>
    %get3A_8 = vector.shape_cast %get3A_7 : vector<1x400x16xf32> to vector<400x16xf32>
    %add3A = arith.addf %get3A_3, %get3A_8 : vector<400x16xf32>
    %get3A_9 = arith.constant 0 : index
    %get3A_10 = arith.constant 0 : index
    %get3A_11 = vector.load %arg2[%get3A_9, %get3A_10] : memref<1x16xf32, #tpu.memory_space<vmem>>, vector<1x16xf32>
    %get3A_12 = vector.shape_cast %get3A_11 : vector<1x16xf32> to vector<16xf32>
    %broadcast_in_dim3A = vector.shape_cast %get3A_12 : vector<16xf32> to vector<1x16xf32>
    %add3A_13 = vector.broadcast %broadcast_in_dim3A : vector<1x16xf32> to vector<400x16xf32>
    %add3A_14 = arith.addf %add3A, %add3A_13 : vector<400x16xf32>
    %iota3A = tpu.iota {dimensions = array<i32: 1>} : vector<400x16xi32>
    %lt3A = arith.constant 7 : i32
    %lt3A_15 = vector.broadcast %lt3A : i32 to vector<400x16xi32>
    %lt3A_16 = arith.cmpi slt, %iota3A, %lt3A_15 : vector<400x16xi32>
    %jit3A = arith.constant -1.000000e+30 : f32
    %broadcast_in_dim3A_17 = vector.broadcast %jit3A : f32 to vector<400x16xf32>
    %select_n3A = arith.select %lt3A_16, %add3A_14, %broadcast_in_dim3A_17 : vector<400x16xi1>, vector<400x16xf32>
    %reduce_max3A = arith.constant dense<0xFF800000> : vector<400xf32>
    %reduce_max3A_18 = vector.multi_reduction <maximumf>, %select_n3A, %reduce_max3A [1] : vector<400x16xf32> to vector<400xf32>
    %broadcast_in_dim3A_19 = vector.shape_cast %reduce_max3A_18 : vector<400xf32> to vector<400x1xf32>
    %sub3A = vector.broadcast %broadcast_in_dim3A_19 : vector<400x1xf32> to vector<400x16xf32>
    %sub3A_20 = arith.subf %select_n3A, %sub3A : vector<400x16xf32>
    %exp3A = math.exp %sub3A_20 : vector<400x16xf32>
    %reduce_sum3A = arith.constant dense<0.000000e+00> : vector<400xf32>
    %reduce_sum3A_21 = vector.multi_reduction <add>, %exp3A, %reduce_sum3A [1] : vector<400x16xf32> to vector<400xf32>
    %broadcast_in_dim3A_22 = vector.shape_cast %reduce_sum3A_21 : vector<400xf32> to vector<400x1xf32>
    %div3A = vector.broadcast %broadcast_in_dim3A_22 : vector<400x1xf32> to vector<400x16xf32>
    %div3A_23 = arith.divf %exp3A, %div3A : vector<400x16xf32>
    %swap3A = arith.constant 0 : index
    %swap3A_24 = arith.constant 0 : index
    %swap3A_25 = vector.load %arg3[%swap3A, %swap3A_24] : memref<400x16xf32, #tpu.memory_space<vmem>>, vector<400x16xf32>
    tpu.vector_store %arg3[%swap3A, %swap3A_24], %div3A_23 {strides = array<i32>} : memref<400x16xf32, #tpu.memory_space<vmem>>, vector<400x16xf32>,
    return
  }
  func.func @transform_0(%arg0: i32) -> (i32, i32, i32) {
    %c0_i32 = arith.constant 0 : i32
    %c0_i32_0 = arith.constant 0 : i32
    %c0_i32_1 = arith.constant 0 : i32
    return %c0_i32, %arg0, %c0_i32_0 : i32, i32, i32
  }
  func.func @transform_1(%arg0: i32) -> (i32, i32) {
    %c0_i32 = arith.constant 0 : i32
    %c0_i32_0 = arith.constant 0 : i32
    %c0_i32_1 = arith.constant 0 : i32
    return %c0_i32, %c0_i32_0 : i32, i32
  }
  func.func @transform_2(%arg0: i32) -> (i32, i32) {
    %c0_i32 = arith.constant 0 : i32
    %c0_i32_0 = arith.constant 0 : i32
    return %arg0, %c0_i32 : i32, i32
  }
}

</mosaic_0001>

<sc_bundles>
// kernel: kernel.12.cloned.1.call-start
scs
__scs_entry_jumppad:
0x0: {  	(pc) =	sbr.rel $0x88, $3  }
0x1: {  	(tag) =	ssettag $0x0;
	lr =	simm.s32 $0x1  }
0x2: {  	[smem:$0x3F99] =	sst lr;
	_ =	strace $0xD0000000  }
0x3: {  	_ = 	snop  }
0x4: {  	_ = 	snop  }
0x5: {  	_ = 	snop  }
0x6: {  	_ = 	snop  }
0x7: {  	_ = 	snop  }
__scs_overlays_trampoline_lowered:
0x8: {  	[smem:$0x3FA8] =	sst s0  }
0x9: {  	[smem:$0x3FA9] =	sst s1  }
0xa: {  	[smem:$0x3FAA] =	sst s2  }
0xb: {  	[smem:$0x3FAB] =	sst s3  }
0xc: {  	[smem:$0x3FAC] =	sst s4  }
0xd: {  	[smem:$0x3FAD] =	sst s5  }
0xe: {  	[smem:$0x3FAE] =	sst s6  }
0xf: {  	[smem:$0x3FAF] =	sst s7  }
0x10: {  	[smem:$0x3FB0] =	sst s8  }
0x11: {  	[smem:$0x3FB1] =	sst s9;
	s0 =	simm.s32 @!p0 $0x0  }
0x12: {  	s1 =	sld [smem:$0x3F97];
	s0 =	simm.s32 @p0 $0x1  }
0x13: {  	[smem:$0x3FB2] =	sst s0;
	s0 =	simm.s32 @!p1 $0x0  }
0x14: {  	s2 =	sld [smem:$0x3F96];
	s0 =	simm.s32 @p1 $0x1  }
0x15: {  	[smem:$0x3FB3] =	sst s0;
	s0 =	simm.s32 @!p2 $0x0  }
0x16: {  	s3 =	sld [smem:$0x3FDB];
	s0 =	simm.s32 @p2 $0x1  }
0x17: {  	s4 =	simm.s32 $0x1BF5;
	[smem:$0x3FB5] =	sst s0  }
0x18: {  	s0 =	sld [smem:$0x3F98];
	_ =	swait.ge [sflag:s4], $0x0  }
0x19: {  	s7 =	sld [smem:$0x3F99]  }
0x1a: {  	s8 =	sadd.s32 $0xFFFFE003, lr  }
0x1b: {  	s9 =	sadd.s32 $0xFFFFFEF7, lr;
	s5 =	simm.s32 $0xFFFFFFFF;
	p2 =	slt.u32 s8, $0xFFFFF086  }
0x1c: {  	p1 =	slt.u32 s9, $0xF7A;
	s5 =	simm.s32 @!p2 $0x0  }
0x1d: {  	s5 =	simm.s32 @p1 $0x1;
	p0 =	seq.s32 s7, s2  }
0x1e: {  	s7 =	smul.u32 @!p0 $0xF7A, s2;
	p2 =	seq.s32 @!p0 s5, $0x0  }
0x1f: {  	s9 =	smul.u32 $0xF7A, s1;
	s8 =	simm.s32 @!p0 $0x1BF5;
	p2 =	por !p2, p0  }
0x20: {  	[sflag:s8] =	ssyncset.s32 @!p0 $0xFFFFF086;
	s6 =	sadd.s32 @!p0 s3, s7;
	s7 =	simm.s32 @!p0 $0x108  }
0x21: {  	s3 =	sadd.s32 s3, s9;
	s6 =	sadd.s32 @!p0 $0x88, s6;
	s7 =	simm.s32 @p2 $0x1082  }
0x22: {  	[simem:s7], [sflag:s8] =	dma.local @!p0 [hbm:s6], $0xF7A  }
0x23: {  	s9 =	sor.u32 $0xD0000000, s2;
	s6 =	simm.s32 $0x108;
	_ =	swait.ge @!p0 [sflag:s8], $0x0  }
0x24: {  	s3 =	sadd.s32 $0x88, s3;
	s6 =	simm.s32 @!p1 $0x1082;
	[sflag:s4] =	ssyncset.s32 $0xFFFFF086  }
0x25: {  	[simem:s6], [sflag:s4] =	dma.local [hbm:s3], $0xF7A  }
0x26: {  	[smem:$0x3F99] =	sst s1;
	(tag) =	ssettag s2;
	_ =	strace s9  }
0x27: {  	s1 =	sld [smem:$0x3FA9]  }
0x28: {  	s2 =	sld [smem:$0x3FAA]  }
0x29: {  	s4 =	sld [smem:$0x3FAC]  }
0x2a: {  	p0 =	seq.s32 s5, $0x0;
	s5 =	sld [smem:$0x3FAD]  }
0x2b: {  	s6 =	sld [smem:$0x3FAE]  }
0x2c: {  	s7 =	sld [smem:$0x3FAF]  }
0x2d: {  	s3 =	simm.s32 $0x108;
	s8 =	sld [smem:$0x3FB0]  }
0x2e: {  	s3 =	simm.s32 @!p0 $0x1082;
	s9 =	sld [smem:$0x3FB1]  }
0x2f: {  	lr =	sadd.s32 s0, s3;
	s0 =	sld [smem:$0x3FA8]  }
0x30: {  	s3 =	sld [smem:$0x3FAB]  }
0x31: {  	[smem:$0x3FB4] =	sst s10  }
0x32: {  	s10 =	sld [smem:$0x3FB2];
	_ =	sdelay $0x3  }
0x33: {  	p0 =	seq.s32 s10, $0x1;
	s10 =	sld [smem:$0x3FB4];
	_ =	sdelay $0x3  }
0x34: {  	[smem:$0x3FB4] =	sst s10  }
0x35: {  	s10 =	sld [smem:$0x3FB3];
	_ =	sdelay $0x3  }
0x36: {  	p1 =	seq.s32 s10, $0x1;
	s10 =	sld [smem:$0x3FB4];
	_ =	sdelay $0x3  }
0x37: {  	[smem:$0x3FB4] =	sst s10  }
0x38: {  	s10 =	sld [smem:$0x3FB5]  }
0x39: {  	_ = 	snop;
	(pc) =	sbr.ind lr, $3  }
0x3a: {  	_ = 	snop  }
0x3b: {  	_ = 	snop  }
0x3c: {  	p2 =	seq.s32 s10, $0x1;
	s10 =	sld [smem:$0x3FB4]  }
0x3d: {  	_ =	shalt  }
0x3e: {  	_ =	shalt  }
0x3f: {  	_ =	shalt  }
0x40: {  	_ =	shalt  }
0x41: {  	_ =	shalt  }
0x42: {  	_ =	shalt  }
0x43: {  	_ =	shalt  }
0x44: {  	_ =	shalt  }
0x45: {  	_ =	shalt  }
0x46: {  	_ =	shalt  }
0x47: {  	_ =	shalt  }
0x48: {  	_ =	shalt  }
0x49: {  	_ =	shalt  }
0x4a: {  	_ =	shalt  }
0x4b: {  	_ =	shalt  }
0x4c: {  	_ =	shalt  }
0x4d: {  	_ =	shalt  }
0x4e: {  	_ =	shalt  }
0x4f: {  	_ =	shalt  }
0x50: {  	_ =	shalt  }
0x51: {  	_ =	shalt  }
0x52: {  	_ =	shalt  }
0x53: {  	_ =	shalt  }
0x54: {  	_ =	shalt  }
0x55: {  	_ =	shalt  }
0x56: {  	_ =	shalt  }
0x57: {  	_ =	shalt  }
0x58: {  	_ =	shalt  }
0x59: {  	_ =	shalt  }
0x5a: {  	_ =	shalt  }
0x5b: {  	_ =	shalt  }
0x5c: {  	_ =	shalt  }
0x5d: {  	_ =	shalt  }
0x5e: {  	_ =	shalt  }
0x5f: {  	_ =	shalt  }
0x60: {  	_ =	shalt  }
0x61: {  	_ =	shalt  }
0x62: {  	_ =	shalt  }
0x63: {  	_ =	shalt  }
0x64: {  	_ =	shalt  }
0x65: {  	_ =	shalt  }
0x66: {  	_ =	shalt  }
0x67: {  	_ =	shalt  }
0x68: {  	_ =	shalt  }
0x69: {  	_ =	shalt  }
0x6a: {  	_ =	shalt  }
0x6b: {  	_ =	shalt  }
0x6c: {  	_ =	shalt  }
0x6d: {  	_ =	shalt  }
0x6e: {  	_ =	shalt  }
0x6f: {  	_ =	shalt  }
0x70: {  	_ =	shalt  }
0x71: {  	_ =	shalt  }
0x72: {  	_ =	shalt  }
0x73: {  	_ =	shalt  }
0x74: {  	_ =	shalt  }
0x75: {  	_ =	shalt  }
0x76: {  	_ =	shalt  }
0x77: {  	_ =	shalt  }
0x78: {  	_ =	shalt  }
0x79: {  	_ =	shalt  }
0x7a: {  	_ =	shalt  }
0x7b: {  	_ =	shalt  }
0x7c: {  	_ =	shalt  }
0x7d: {  	_ =	shalt  }
0x7e: {  	_ =	shalt  }
0x7f: {  	_ =	shalt  }
0x80: {  	_ =	shalt  }
0x81: {  	_ =	shalt  }
0x82: {  	_ =	shalt  }
0x83: {  	_ =	shalt  }
0x84: {  	_ =	shalt  }
0x85: {  	_ =	shalt  }
0x86: {  	_ =	shalt  }
0x87: {  	_ =	shalt  }
.Lfunc_end0:
.L_simem_size_0:
called_computation_lowered:
.L_overlay_start_0:
0x88: {  	s2 =	sld [smem:$0x3FD9]  }
0x89: {  	s3 =	sld [smem:$0x3FFE];
	_ =	sdelay $0x1  }
0x8a: {  	s1 =	srdreg.scid  }
0x8b: {  	s0 =	sand.u32 $0x1, s1  }
0x8c: {  	s17 =	sshll.u32 s0, $0xA;
	s2 =	sadd.s32 s3, s2  }
0x8d: {  	s2 =	sadd.s32 s2, s17  }
0x8e: {  	[smem:$0x3FC0] =	sst s2  }
0x8f: {  	_ = 	snop  }
0x90: {  	s18 =	sld [smem:$0x3FD0];
	(tm) =	ssettm $0x1  }
0x91: {  	s19 =	sld [smem:$0x3FFB];
	_ =	sdelay $0x3  }
0x92: {  	_ =	strace s19  }
0x93: {  	s2 =	sld [smem:$0x3FFC];
	_ =	sdelay $0x3  }
0x94: {  	_ =	strace s2  }
0x95: {  	s2 =	sld [smem:$0x3FFD];
	_ =	sdelay $0x3  }
0x96: {  	_ =	strace s2  }
0x97: {  	_ =	strace $0x8FFFFFFF  }
0x98: {  	s20 =	sld [smem:$0x3FDB];
	_ =	sdelay $0x1  }
0x99: {  	s4 =	simm.s32 $_scs_section_size  }
0x9a: {  	s5 =	simm.s32 $_size__tile_overlayer_lowered;
	s6 =	simm.s32 $_tile_overlayer_lowered  }
0x9b: {  	s7 =	simm.s32 $0x1BFF;
	s21 =	sshll.u32 s6, $0x1;
	s4 =	sadd.s32 s4, s20  }
0x9c: {  	s22 =	simm.s32 $0x0;
	s5 =	sshll.u32 s5, $0x1;
	s6 =	sadd.s32 s21, s4  }
0x9d: {  	[timem:s22], [sflag:s7] =	dma.local [hbm:s6], s5  }
0x9e: {  	_ =	swait.ge [sflag:s7], s5  }
0x9f: {  	s5 =	ssub.s32 $0x0, s5;
	[sflag:s7] =	ssyncset.done $0x0  }
0xa0: {  	[sflag:s7] =	ssyncadd.s32 s5;
	_ =	sdelay $0x1  }
0xa1: {  	s23 =	simm.s32 $0x1B8B  }
0xa2: {  	_ =	swait.ge [sflag:s23], $0x1  }
0xa3: {  	[sflag:s23] =	ssyncset.done $0x0  }
0xa4: {  	[sflag:s23] =	ssyncadd.s32 $0xFFFFFFFF  }
0xa5: {  	s5 =	sld [smem:$0x0]  }
0xa6: {  	s6 =	sand.u32 $0xFFFFFFFE, s1  }
0xa7: {  	p0 =	sne.s32 s1, s6  }
0xa8: {  	s6 =	sshll.u32 @p0 s6, $0xE  }
0xa9: {  	s6 =	sadd.s32 @p0 $0x11B8D, s6;
	s7 =	sshll.u32 @p0 s5, $0x11  }
0xaa: {  	s6 =	sor.u32 @p0 s7, s6  }
0xab: {  	[sflag:s6] =	ssyncadd.remote.s32 @p0 $0x1;
	_ =	sdelay $0x1  }
0xac: {  	s6 =	simm.s32 @p0 $0x1B8D  }
0xad: {  	_ =	swait.eq @p0 [sflag:s6], $0x1  }
0xae: {  	[sflag:s6] =	ssyncadd.s32 @p0 $0xFFFFFFFF  }
0xaf: {  	s7 =	sshll.u32 @!p0 s1, $0xE  }
0xb0: {  	s7 =	sor.u32 @!p0 $0x4000, s7;
	s6 =	simm.s32 @!p0 $0x1B8D  }
0xb1: {  	s5 =	sshll.u32 @!p0 s5, $0x11;
	s7 =	sadd.s32 @!p0 $0x11B8D, s7;
	_ =	swait.eq @!p0 [sflag:s6], $0x1  }
0xb2: {  	s5 =	sor.u32 @!p0 s5, s7;
	[sflag:s6] =	ssyncadd.s32 @!p0 $0xFFFFFFFF  }
0xb3: {  	s25 =	simm.s32 $0x1B8E;
	s24 =	sld [smem:$0x3FFE];
	[sflag:s5] =	ssyncadd.remote.s32 @!p0 $0x1  }
0xb4: {  	s26 =	simm.s32 $execute0_lowered;
	[smem:$0x3FD2] =	sst s25  }
0xb5: {  	s6 =	sshll.u32 s26, $0x1;
	_ =	strace $0x80000049;
	[dreg:$0x1] =	wrdreg $0xFFFFFFFF  }
0xb6: {  	s28 =	simm.s32 $_size_execute0_lowered;
	s4 =	sadd.s32 s4, s6;
	[dreg:$0x0] =	wrdreg $0x0  }
0xb7: {  	s6 =	sshll.u32 s28, $0x1;
	[dreg:$0x2] =	wrdreg s4  }
0xb8: {  	[dreg:$0x3] =	wrdreg s6  }
0xb9: {  	[dreg:$0x4] =	wrdreg $0xC0  }
0xba: {  	_ =	task [dreg:s22], $0x5FFFF  }
0xbb: {  	[dreg:$0x1] =	wrdreg $0xFFFFFFFF  }
0xbc: {  	[dreg:$0x0] =	wrdreg $0x60  }
0xbd: {  	[dreg:$0x2] =	wrdreg s24  }
0xbe: {  	[dreg:$0x3] =	wrdreg s18  }
0xbf: {  	[dreg:$0x4] =	wrdreg $0xC8000  }
0xc0: {  	[dreg:$0x5] =	wrdreg $0x9  }
0xc1: {  	_ =	task.clear_ibuf [dreg:s22], $0x6FFFF;
	_ =	strace $0x90000049  }
0xc2: {  	s29 =	simm.s32 $0x9;
	_ =	strace $0x8000004B  }
0xc3: {  	_ =	swait.ge [sflag:s29], $0x1  }
0xc4: {  	[sflag:s29] =	ssyncadd.s32 $0xFFFFFFFF  }
0xc5: {  	_ =	strace $0x9000004B  }
0xc6: {  	_ =	sfence  }
0xc7: {  	s30 =	sld [smem:$0x0];
	_ =	sdelay $0x2  }
0xc8: {  	s31 =	sshll.u32 s1, $0xD;
	s1 =	sshrl.u32 s1, $0x2  }
0xc9: {  	s4 =	sand.u32 $0x4000, s31;
	s1 =	sadd.s32 s1, s30  }
0xca: {  	s0 =	sor.u32 s4, s0;
	s1 =	sshll.u32 s1, $0x11  }
0xcb: {  	s0 =	sor.u32 s1, s0  }
0xcc: {  	s0 =	sadd.s32 $0x8F2B, s0  }
0xcd: {  	[sflag:s0] =	ssyncadd.remote.s32 $0x1  }
0xce: {  	_ =	sfence.sel $0xFFFF  }
0xcf: {  	[dreg:$0x0] =	wrdreg $0xFFFFFFFF;
	(pc) =	sbr.abs _section_cstart, $3  }
0xd0: {  	[dreg:$0x1] =	wrdreg $0xFFFFFFFF  }
0xd1: {  	_ =	task.clear_ibuf [dreg:s22], $0x2FFFF;
	_ =	strace $0x9FFFFFFF  }
0xd2: {  	(tm) =	ssettm $0x7FFFFFFF  }
0xd3: {  	_ =	shalt  }
tec
execute0_lowered:
.L_overlay_start_1:
0x0: {  	(tag) =	ssettag $0x1  }
0x1: {  	s6 =	rddreg [dreg:$0x0]  }
0x2: {  	s2 =	rddreg [dreg:$0x1]  }
0x3: {  	s3 =	rddreg [dreg:$0x2]  }
0x4: {  	s0 =	rddreg [dreg:$0x3];
	s5 =	srdreg.scid  }
0x5: {  	s1 =	stileid.u32;
	s4 =	simm.s32 $0x0;
	s14 =	simm.s32 $0x5000  }
0x6: {  	s15 =	simm.s32 $0x2800;
	s18 =	simm.s32 $0x1;
	s19 =	simm.s32 $0x8C00  }
0x7: {  	s20 =	simm.s32 $0x2;
	s21 =	simm.s32 $0x2880;
	s22 =	simm.s32 $0x3  }
0x8: {  	s23 =	simm.s32 $0x100;
	s24 =	simm.s32 $0x4;
	s26 =	simm.s32 $0x0  }
0x9: {  	s7 =	sand.u32 $0x1, s5;
	s29 =	sshll.u32 s1, $0x1;
	[smem:$0x7FF] =	sst s4  }
0xa: {  	s10 =	smul.u32 $0x12840, s1;
	s13 =	sadd.s32 $0xA9200, s6;
	s25 =	sadd.s32 $0x115BC0, s3  }
0xb: {  	s16 =	sshll.u32 s1, $0x6;
	p0 =	seq.s32 s1, $0xF;
	s5 =	sor.u32 s7, s29  }
0xc: {  	_ =	strace $0x8000004A;
	s9 =	ssub.s32 $0x2, s7;
	s12 =	smul.u32 $0x124F80, s7  }
0xd: {  	s16 =	sor.u32 $0x1C05, s16;
	s25 =	sshrl.u32 @p0 s25, $0x3;
	s11 =	sshrl.u32 s9, $0x1  }
0xe: {  	s8 =	smul.u32 $0x500, s5;
	s5 =	sadd.s32 $0x84800, s6;
	s11 =	ssub.s32 s9, s11  }
.Ltmp0:
0xf: {  	s30 =	sadd.s32 s10, s12;
	s12 =	sshrl.u32 s12, $0x3;
	(pc) =	sbr.rel .LBB2_1-.Ltmp0, $4  }
0x10: {  	s8 =	sadd.s32 s8, s6;
	s9 =	sshrl.u32 s30, $0x3;
	s31 =	sadd.s32 s13, s12  }
0x11: {  	s11 =	smax.u32 s11, $0x1;
	s12 =	simm.s32 $0x5;
	s6 =	sadd.s32 $0x27400, s8  }
0x12: {  	s7 =	sadd.s32 $0x31400, s8;
	s8 =	sadd.s32 s10, s3;
	s9 =	sadd.s32 s13, s9  }
0x13: {  	s10 =	sadd.s32 $0x22B78, s31;
	s13 =	simm.s32 $0x80;
	s17 =	sshrl.u32 s8, $0x3  }
.LBB2_4:
0x14: {  	_ =	swait.ge [sflag:s24], $0x3C00  }
0x15: {  	[sflag:s24] =	ssyncset.done $0x0  }
0x16: {  	[sflag:s24] =	ssyncadd.s32 $0xFFFFC400  }
0x17: {  	s28 =	simm.s32 @p0 $0x5;
	[bflag:$0x0] =	sbarrier.arrive $0xFFFF  }
0x18: {  	[hbm:s10], [sflag:s16] =	dma.local @p0 [spmem:s25], $0x1E78  }
0x19: {  	_ =	swait.ge @p0 [sflag:s28], $0x1E78  }
0x1a: {  	s26 =	sadd.s32 $0x1, s26;
	[sflag:s28] =	ssyncset.done @p0 $0x0  }
0x1b: {  	p1 =	sne.s32 s26, s11;
	[sflag:s28] =	ssyncadd.s32 @p0 $0xFFFFE188;
	s28 =	sshrl.u32 @!p0 s8, $0x3  }
0x1c: {  	[hbm:s9], [sflag:s16] =	dma.local @!p0 [spmem:s28], $0x2508  }
.Ltmp1:
0x1d: {  	_ = 	snop;
	(pc) =	sbr.rel @!p1 .LBB2_5-.Ltmp1, $4  }
0x1e: {  	s28 =	simm.s32 @!p0 $0x5  }
0x1f: {  	_ =	swait.ge @!p0 [sflag:s28], $0x2508  }
0x20: {  	[sflag:s28] =	ssyncset.done @!p0 $0x0  }
0x21: {  	[sflag:s28] =	ssyncadd.s32 @!p0 $0xFFFFDAF8  }
.LBB2_1:
0x22: {  	[tilespmem:s4], [sflag:$0x5] =	stream.linear.gather [hbm4b:s6+s4], $0x2800, $0x38;
	[tilespmem:$0x1F040] =	vst v63  }
0x23: {  	_ =	swait.ge [sflag:s12], $0x2800  }
0x24: {  	[sflag:s12] =	ssyncset.done $0x0  }
0x25: {  	[sflag:s12] =	ssyncadd.s32 $0xFFFFD800  }
0x26: {  	[tilespmem:s14], [sflag:$0x1] =	stream.indirect.gather [hbm4b:s5+s13], $0x78, s4, s13, $0xb8;
	[tilespmem:$0x1F040] =	vst v63  }
0x27: {  	_ = 	snop  }
0x28: {  	[tilespmem:s15], [sflag:$0x5] =	stream.linear.gather [hbm4b:s7+s4], $0x2800, $0x38;
	[tilespmem:$0x1F040] =	vst v63  }
0x29: {  	_ =	swait.ge [sflag:s12], $0x2800  }
0x2a: {  	[sflag:s12] =	ssyncset.done $0x0  }
0x2b: {  	[sflag:s12] =	ssyncadd.s32 $0xFFFFD800  }
0x2c: {  	[spmem:s17], [sflag:s16] =	dma.local [hbm:s2], $0x2508  }
0x2d: {  	_ =	swait.ge [sflag:s12], $0x2508  }
0x2e: {  	[sflag:s12] =	ssyncset.done $0x0  }
0x2f: {  	[sflag:s12] =	ssyncadd.s32 $0xFFFFDAF8  }
0x30: {  	[bflag:$0x0] =	sbarrier.arrive $0xFFFF  }
0x31: {  	_ =	swait.ge [sflag:s18], $0x3C00  }
0x32: {  	[sflag:s18] =	ssyncset.done $0x0  }
0x33: {  	[sflag:s18] =	ssyncadd.s32 $0xFFFFC400  }
0x34: {  	[spmem:s3] =	stream.indirect.scatter.add.f32 [tilespmem:s14], [sflag:$0x3], $0x78, s15, s13, $0xb8;
	[tilespmem:$0x1F040] =	vst v63  }
0x35: {  	_ = 	snop  }
0x36: {  	[tilespmem:s19], [sflag:$0x2] =	stream.indirect.gather [hbm4b:s5+s13], $0x78, s13, s13, $0xb8;
	[tilespmem:$0x1F040] =	vst v63  }
0x37: {  	_ =	swait.ge [sflag:s20], $0x3C00  }
0x38: {  	[sflag:s20] =	ssyncset.done $0x0  }
0x39: {  	[sflag:s20] =	ssyncadd.s32 $0xFFFFC400  }
0x3a: {  	[spmem:s3] =	stream.indirect.scatter.add.f32 [tilespmem:s19], [sflag:$0x4], $0x78, s21, s13, $0xb8;
	[tilespmem:$0x1F040] =	vst v63  }
0x3b: {  	_ =	swait.ge [sflag:s22], $0x3C00  }
0x3c: {  	[sflag:s22] =	ssyncset.done $0x0  }
0x3d: {  	s28 =	simm.s32 $0xFFFF6800;
	[sflag:s22] =	ssyncadd.s32 $0xFFFFC400  }
0x3e: {  	[tilespmem:s14], [sflag:$0x1] =	stream.indirect.gather [hbm4b:s5+s13], $0x78, s23, s13, $0xb8;
	[tilespmem:$0x1F040] =	vst v63  }
.LBB2_2:
0x3f: {  	_ =	swait.ge [sflag:s18], $0x3C00  }
0x40: {  	s29 =	sshra.s32 s28, $0x2;
	[sflag:s18] =	ssyncset.done $0x0  }
0x41: {  	s30 =	sadd.s32 $0x4F00, s29;
	[sflag:s18] =	ssyncadd.s32 $0xFFFFC400  }
0x42: {  	[spmem:s3] =	stream.indirect.scatter.add.f32 [tilespmem:s14], [sflag:$0x3], $0x78, s30, s13, $0xb8;
	[tilespmem:$0x1F040] =	vst v63  }
0x43: {  	_ =	swait.ge [sflag:s24], $0x3C00  }
0x44: {  	[sflag:s24] =	ssyncset.done $0x0  }
0x45: {  	s31 =	sadd.s32 $0x2780, s29;
	[sflag:s24] =	ssyncadd.s32 $0xFFFFC400  }
0x46: {  	[tilespmem:s19], [sflag:$0x2] =	stream.indirect.gather [hbm4b:s5+s13], $0x78, s31, s13, $0xb8;
	[tilespmem:$0x1F040] =	vst v63  }
0x47: {  	_ =	swait.ge [sflag:s20], $0x3C00  }
0x48: {  	p1 =	seq.s32 s28, $0x0;
	[sflag:s20] =	ssyncset.done $0x0  }
.Ltmp2:
0x49: {  	s31 =	sadd.s32 $0x4F80, s29;
	[sflag:s20] =	ssyncadd.s32 $0xFFFFC400;
	(pc) =	sbr.rel @p1 .LBB2_4-.Ltmp2, $4  }
0x4a: {  	[spmem:s3] =	stream.indirect.scatter.add.f32 [tilespmem:s19], [sflag:$0x4], $0x78, s31, s13, $0xb8;
	[tilespmem:$0x1F040] =	vst v63  }
0x4b: {  	_ =	swait.ge [sflag:s22], $0x3C00  }
0x4c: {  	[sflag:s22] =	ssyncset.done $0x0  }
0x4d: {  	[sflag:s22] =	ssyncadd.s32 $0xFFFFC400  }
.Ltmp3:
0x4e: {  	(pc) =	sbr.rel .LBB2_2-.Ltmp3, $3  }
0x4f: {  	_ =	sdelay $0x1  }
0x50: {  	s29 =	sadd.s32 $0x2800, s29;
	s28 =	sadd.s32 $0x400, s28  }
0x51: {  	[tilespmem:s14], [sflag:$0x1] =	stream.indirect.gather [hbm4b:s5+s13], $0x78, s29, s13, $0xb8;
	[tilespmem:$0x1F040] =	vst v63  }
.LBB2_5:
0x52: {  	_ =	sfence.sel $0x180000  }
0x53: {  	[bflag:$0x0] =	sbarrier.arrive $0xFFFF  }
0x54: {  	p0 =	sne.s32 s1, $0x0;
	_ =	strace $0x9000004A  }
0x55: {  	s0 =	sadd.s32 @!p0 $0x100000, s0;
	[bflag:$0x2] =	sbarrier.arrive $0xFFFF  }
0x56: {  	[sflag:s0] =	ssyncadd.tile.s32 @!p0 $0x1;
	_ =	shalt  }
.Lfunc_end2:
_tile_overlayer_lowered:
.L_overlay_start_2:
0x57: {  	(tag) =	ssettag $0x2  }
0x58: {  	s0 =	rddreg [dreg:$0x0];
	s2 =	stileid.u32  }
0x59: {  	s1 =	rddreg [dreg:$0x1];
	p0 =	sne.s32 s2, $0x0  }
0x5a: {  	s3 =	rddreg [dreg:$0x2];
	[bflag:$0x3] =	sbarrier.arrive $0xFFFF;
	s2 =	simm.s32 @!p0 $0x1C05  }
0x5b: {  	[timem:s3], [sflag:s2] =	dma.local @!p0 [hbm:s0], s1  }
0x5c: {  	s0 =	simm.s32 @!p0 $0x5  }
0x5d: {  	_ =	swait.ge @!p0 [sflag:s0], s1  }
0x5e: {  	s1 =	ssub.s32 @!p0 $0x0, s1;
	[sflag:s0] =	ssyncset.done @!p0 $0x0  }
0x5f: {  	[sflag:s0] =	ssyncadd.s32 @!p0 s1  }
0x60: {  	[bflag:$0x3] =	sbarrier.arrive $0xFFFF  }
0x61: {  	_ =	shalt  }

// kernel: kernel.15.cloned.1.call-start
scs
__scs_entry_jumppad:
0x0: {  	(pc) =	sbr.rel $0x88, $3  }
0x1: {  	(tag) =	ssettag $0x0;
	lr =	simm.s32 $0x1  }
0x2: {  	[smem:$0x3F99] =	sst lr;
	_ =	strace $0xD0000000  }
0x3: {  	_ = 	snop  }
0x4: {  	_ = 	snop  }
0x5: {  	_ = 	snop  }
0x6: {  	_ = 	snop  }
0x7: {  	_ = 	snop  }
__scs_overlays_trampoline_lowered:
0x8: {  	[smem:$0x3FA8] =	sst s0  }
0x9: {  	[smem:$0x3FA9] =	sst s1  }
0xa: {  	[smem:$0x3FAA] =	sst s2  }
0xb: {  	[smem:$0x3FAB] =	sst s3  }
0xc: {  	[smem:$0x3FAC] =	sst s4  }
0xd: {  	[smem:$0x3FAD] =	sst s5  }
0xe: {  	[smem:$0x3FAE] =	sst s6  }
0xf: {  	[smem:$0x3FAF] =	sst s7  }
0x10: {  	[smem:$0x3FB0] =	sst s8  }
0x11: {  	[smem:$0x3FB1] =	sst s9;
	s0 =	simm.s32 @!p0 $0x0  }
0x12: {  	s1 =	sld [smem:$0x3F97];
	s0 =	simm.s32 @p0 $0x1  }
0x13: {  	[smem:$0x3FB2] =	sst s0;
	s0 =	simm.s32 @!p1 $0x0  }
0x14: {  	s2 =	sld [smem:$0x3F96];
	s0 =	simm.s32 @p1 $0x1  }
0x15: {  	[smem:$0x3FB3] =	sst s0;
	s0 =	simm.s32 @!p2 $0x0  }
0x16: {  	s3 =	sld [smem:$0x3FDB];
	s0 =	simm.s32 @p2 $0x1  }
0x17: {  	s4 =	simm.s32 $0x1BF5;
	[smem:$0x3FB5] =	sst s0  }
0x18: {  	s0 =	sld [smem:$0x3F98];
	_ =	swait.ge [sflag:s4], $0x0  }
0x19: {  	s7 =	sld [smem:$0x3F99]  }
0x1a: {  	s8 =	sadd.s32 $0xFFFFE003, lr  }
0x1b: {  	s9 =	sadd.s32 $0xFFFFFEF7, lr;
	s5 =	simm.s32 $0xFFFFFFFF;
	p2 =	slt.u32 s8, $0xFFFFF086  }
0x1c: {  	p1 =	slt.u32 s9, $0xF7A;
	s5 =	simm.s32 @!p2 $0x0  }
0x1d: {  	s5 =	simm.s32 @p1 $0x1;
	p0 =	seq.s32 s7, s2  }
0x1e: {  	s7 =	smul.u32 @!p0 $0xF7A, s2;
	p2 =	seq.s32 @!p0 s5, $0x0  }
0x1f: {  	s9 =	smul.u32 $0xF7A, s1;
	s8 =	simm.s32 @!p0 $0x1BF5;
	p2 =	por !p2, p0  }
0x20: {  	[sflag:s8] =	ssyncset.s32 @!p0 $0xFFFFF086;
	s6 =	sadd.s32 @!p0 s3, s7;
	s7 =	simm.s32 @!p0 $0x108  }
0x21: {  	s3 =	sadd.s32 s3, s9;
	s6 =	sadd.s32 @!p0 $0x88, s6;
	s7 =	simm.s32 @p2 $0x1082  }
0x22: {  	[simem:s7], [sflag:s8] =	dma.local @!p0 [hbm:s6], $0xF7A  }
0x23: {  	s9 =	sor.u32 $0xD0000000, s2;
	s6 =	simm.s32 $0x108;
	_ =	swait.ge @!p0 [sflag:s8], $0x0  }
0x24: {  	s3 =	sadd.s32 $0x88, s3;
	s6 =	simm.s32 @!p1 $0x1082;
	[sflag:s4] =	ssyncset.s32 $0xFFFFF086  }
0x25: {  	[simem:s6], [sflag:s4] =	dma.local [hbm:s3], $0xF7A  }
0x26: {  	[smem:$0x3F99] =	sst s1;
	(tag) =	ssettag s2;
	_ =	strace s9  }
0x27: {  	s1 =	sld [smem:$0x3FA9]  }
0x28: {  	s2 =	sld [smem:$0x3FAA]  }
0x29: {  	s4 =	sld [smem:$0x3FAC]  }
0x2a: {  	p0 =	seq.s32 s5, $0x0;
	s5 =	sld [smem:$0x3FAD]  }
0x2b: {  	s6 =	sld [smem:$0x3FAE]  }
0x2c: {  	s7 =	sld [smem:$0x3FAF]  }
0x2d: {  	s3 =	simm.s32 $0x108;
	s8 =	sld [smem:$0x3FB0]  }
0x2e: {  	s3 =	simm.s32 @!p0 $0x1082;
	s9 =	sld [smem:$0x3FB1]  }
0x2f: {  	lr =	sadd.s32 s0, s3;
	s0 =	sld [smem:$0x3FA8]  }
0x30: {  	s3 =	sld [smem:$0x3FAB]  }
0x31: {  	[smem:$0x3FB4] =	sst s10  }
0x32: {  	s10 =	sld [smem:$0x3FB2];
	_ =	sdelay $0x3  }
0x33: {  	p0 =	seq.s32 s10, $0x1;
	s10 =	sld [smem:$0x3FB4];
	_ =	sdelay $0x3  }
0x34: {  	[smem:$0x3FB4] =	sst s10  }
0x35: {  	s10 =	sld [smem:$0x3FB3];
	_ =	sdelay $0x3  }
0x36: {  	p1 =	seq.s32 s10, $0x1;
	s10 =	sld [smem:$0x3FB4];
	_ =	sdelay $0x3  }
0x37: {  	[smem:$0x3FB4] =	sst s10  }
0x38: {  	s10 =	sld [smem:$0x3FB5]  }
0x39: {  	_ = 	snop;
	(pc) =	sbr.ind lr, $3  }
0x3a: {  	_ = 	snop  }
0x3b: {  	_ = 	snop  }
0x3c: {  	p2 =	seq.s32 s10, $0x1;
	s10 =	sld [smem:$0x3FB4]  }
0x3d: {  	_ =	shalt  }
0x3e: {  	_ =	shalt  }
0x3f: {  	_ =	shalt  }
0x40: {  	_ =	shalt  }
0x41: {  	_ =	shalt  }
0x42: {  	_ =	shalt  }
0x43: {  	_ =	shalt  }
0x44: {  	_ =	shalt  }
0x45: {  	_ =	shalt  }
0x46: {  	_ =	shalt  }
0x47: {  	_ =	shalt  }
0x48: {  	_ =	shalt  }
0x49: {  	_ =	shalt  }
0x4a: {  	_ =	shalt  }
0x4b: {  	_ =	shalt  }
0x4c: {  	_ =	shalt  }
0x4d: {  	_ =	shalt  }
0x4e: {  	_ =	shalt  }
0x4f: {  	_ =	shalt  }
0x50: {  	_ =	shalt  }
0x51: {  	_ =	shalt  }
0x52: {  	_ =	shalt  }
0x53: {  	_ =	shalt  }
0x54: {  	_ =	shalt  }
0x55: {  	_ =	shalt  }
0x56: {  	_ =	shalt  }
0x57: {  	_ =	shalt  }
0x58: {  	_ =	shalt  }
0x59: {  	_ =	shalt  }
0x5a: {  	_ =	shalt  }
0x5b: {  	_ =	shalt  }
0x5c: {  	_ =	shalt  }
0x5d: {  	_ =	shalt  }
0x5e: {  	_ =	shalt  }
0x5f: {  	_ =	shalt  }
0x60: {  	_ =	shalt  }
0x61: {  	_ =	shalt  }
0x62: {  	_ =	shalt  }
0x63: {  	_ =	shalt  }
0x64: {  	_ =	shalt  }
0x65: {  	_ =	shalt  }
0x66: {  	_ =	shalt  }
0x67: {  	_ =	shalt  }
0x68: {  	_ =	shalt  }
0x69: {  	_ =	shalt  }
0x6a: {  	_ =	shalt  }
0x6b: {  	_ =	shalt  }
0x6c: {  	_ =	shalt  }
0x6d: {  	_ =	shalt  }
0x6e: {  	_ =	shalt  }
0x6f: {  	_ =	shalt  }
0x70: {  	_ =	shalt  }
0x71: {  	_ =	shalt  }
0x72: {  	_ =	shalt  }
0x73: {  	_ =	shalt  }
0x74: {  	_ =	shalt  }
0x75: {  	_ =	shalt  }
0x76: {  	_ =	shalt  }
0x77: {  	_ =	shalt  }
0x78: {  	_ =	shalt  }
0x79: {  	_ =	shalt  }
0x7a: {  	_ =	shalt  }
0x7b: {  	_ =	shalt  }
0x7c: {  	_ =	shalt  }
0x7d: {  	_ =	shalt  }
0x7e: {  	_ =	shalt  }
0x7f: {  	_ =	shalt  }
0x80: {  	_ =	shalt  }
0x81: {  	_ =	shalt  }
0x82: {  	_ =	shalt  }
0x83: {  	_ =	shalt  }
0x84: {  	_ =	shalt  }
0x85: {  	_ =	shalt  }
0x86: {  	_ =	shalt  }
0x87: {  	_ =	shalt  }
.Lfunc_end0:
.L_simem_size_0:
called_computation.1_lowered:
.L_overlay_start_0:
0x88: {  	s2 =	sld [smem:$0x3FD9]  }
0x89: {  	s3 =	sld [smem:$0x3FFE];
	_ =	sdelay $0x1  }
0x8a: {  	s1 =	srdreg.scid  }
0x8b: {  	s0 =	sand.u32 $0x1, s1  }
0x8c: {  	s17 =	sshll.u32 s0, $0xA;
	s2 =	sadd.s32 s3, s2  }
0x8d: {  	s2 =	sadd.s32 s2, s17  }
0x8e: {  	[smem:$0x3FC0] =	sst s2  }
0x8f: {  	_ = 	snop  }
0x90: {  	s2 =	sld [smem:$0x3FD0];
	(tm) =	ssettm $0x1  }
0x91: {  	s18 =	sld [smem:$0x3FFB];
	_ =	sdelay $0x3  }
0x92: {  	_ =	strace s18  }
0x93: {  	s3 =	sld [smem:$0x3FFC];
	_ =	sdelay $0x3  }
0x94: {  	_ =	strace s3  }
0x95: {  	s3 =	sld [smem:$0x3FFD];
	_ =	sdelay $0x3  }
0x96: {  	_ =	strace s3  }
0x97: {  	_ =	strace $0x8FFFFFFF  }
0x98: {  	s19 =	sld [smem:$0x3FDB];
	_ =	sdelay $0x1  }
0x99: {  	s4 =	simm.s32 $_scs_section_size  }
0x9a: {  	s5 =	simm.s32 $_size__tile_overlayer_lowered;
	s6 =	simm.s32 $_tile_overlayer_lowered  }
0x9b: {  	s22 =	simm.s32 $0x1BFF;
	s21 =	sshll.u32 s6, $0x1;
	s3 =	sadd.s32 s4, s19  }
0x9c: {  	s7 =	simm.s32 $0x0;
	s20 =	sshll.u32 s5, $0x1;
	s5 =	sadd.s32 s21, s3  }
0x9d: {  	[timem:s7], [sflag:s22] =	dma.local [hbm:s5], s20  }
0x9e: {  	_ =	swait.ge [sflag:s22], s20  }
0x9f: {  	s4 =	ssub.s32 $0x0, s20;
	[sflag:s22] =	ssyncset.done $0x0  }
0xa0: {  	[sflag:s22] =	ssyncadd.s32 s4;
	_ =	sdelay $0x1  }
0xa1: {  	s23 =	simm.s32 $0x1B8B  }
0xa2: {  	_ =	swait.ge [sflag:s23], $0x1  }
0xa3: {  	[sflag:s23] =	ssyncset.done $0x0  }
0xa4: {  	s25 =	simm.s32 $0x1B8E;
	s24 =	sld [smem:$0x3FFE];
	[sflag:s23] =	ssyncadd.s32 $0xFFFFFFFF  }
0xa5: {  	s26 =	simm.s32 $execute0_lowered;
	[smem:$0x3FD2] =	sst s25  }
0xa6: {  	s5 =	sshll.u32 s26, $0x1;
	_ =	strace $0x80000046;
	[dreg:$0x1] =	wrdreg $0xFFFFFFFF  }
0xa7: {  	s28 =	simm.s32 $_size_execute0_lowered;
	s3 =	sadd.s32 s3, s5;
	[dreg:$0x0] =	wrdreg $0x0  }
0xa8: {  	s5 =	sshll.u32 s28, $0x1;
	[dreg:$0x2] =	wrdreg s3  }
0xa9: {  	[dreg:$0x3] =	wrdreg s5  }
0xaa: {  	[dreg:$0x4] =	wrdreg $0xC0  }
0xab: {  	_ =	task [dreg:s7], $0x5FFFF  }
0xac: {  	[dreg:$0x1] =	wrdreg $0xFFFFFFFF  }
0xad: {  	[dreg:$0x0] =	wrdreg $0x60  }
0xae: {  	[dreg:$0x2] =	wrdreg s24  }
0xaf: {  	[dreg:$0x3] =	wrdreg s2  }
0xb0: {  	[dreg:$0x4] =	wrdreg $0xC8000  }
0xb1: {  	[dreg:$0x5] =	wrdreg $0xA  }
0xb2: {  	_ =	task.clear_ibuf [dreg:s7], $0x6FFFF;
	_ =	strace $0x90000046  }
0xb3: {  	s29 =	simm.s32 $0xA;
	_ =	strace $0x80000048  }
0xb4: {  	_ =	swait.ge [sflag:s29], $0x1  }
0xb5: {  	[sflag:s29] =	ssyncadd.s32 $0xFFFFFFFF  }
0xb6: {  	_ =	strace $0x90000048  }
0xb7: {  	_ =	sfence  }
0xb8: {  	s30 =	sld [smem:$0x0];
	_ =	sdelay $0x2  }
0xb9: {  	s31 =	sshll.u32 s1, $0xD;
	s1 =	sshrl.u32 s1, $0x2  }
0xba: {  	s3 =	sand.u32 $0x4000, s31;
	s1 =	sadd.s32 s1, s30  }
0xbb: {  	s0 =	sor.u32 s3, s0;
	s1 =	sshll.u32 s1, $0x11  }
0xbc: {  	s0 =	sor.u32 s1, s0  }
0xbd: {  	s0 =	sadd.s32 $0x8F2B, s0  }
0xbe: {  	[sflag:s0] =	ssyncadd.remote.s32 $0x1  }
0xbf: {  	_ =	sfence.sel $0xFFFF  }
0xc0: {  	[dreg:$0x0] =	wrdreg $0xFFFFFFFF;
	(pc) =	sbr.abs _section_cstart, $3  }
0xc1: {  	[dreg:$0x1] =	wrdreg $0xFFFFFFFF  }
0xc2: {  	_ =	task.clear_ibuf [dreg:s7], $0x2FFFF;
	_ =	strace $0x9FFFFFFF  }
0xc3: {  	(tm) =	ssettm $0x7FFFFFFF  }
tec
execute0_lowered:
.L_overlay_start_1:
0x0: {  	(tag) =	ssettag $0x1  }
0x1: {  	s6 =	rddreg [dreg:$0x0]  }
0x2: {  	s2 =	rddreg [dreg:$0x1]  }
0x3: {  	s3 =	rddreg [dreg:$0x2]  }
0x4: {  	s0 =	rddreg [dreg:$0x3];
	s5 =	srdreg.scid  }
0x5: {  	s1 =	stileid.u32;
	s4 =	simm.s32 $0x0;
	s14 =	simm.s32 $0x5000  }
0x6: {  	s15 =	simm.s32 $0x2800;
	s18 =	simm.s32 $0x1;
	s19 =	simm.s32 $0x8C00  }
0x7: {  	s20 =	simm.s32 $0x2;
	s21 =	simm.s32 $0x2880;
	s22 =	simm.s32 $0x3  }
0x8: {  	s23 =	simm.s32 $0x100;
	s24 =	simm.s32 $0x4;
	s26 =	simm.s32 $0x0  }
0x9: {  	s7 =	sand.u32 $0x1, s5;
	s29 =	sshll.u32 s1, $0x1;
	[smem:$0x7FF] =	sst s4  }
0xa: {  	s10 =	smul.u32 $0x12840, s1;
	s13 =	sadd.s32 $0x3B400, s6;
	s25 =	sadd.s32 $0x115BC0, s3  }
0xb: {  	s16 =	sshll.u32 s1, $0x6;
	p0 =	seq.s32 s1, $0xF;
	s5 =	sor.u32 s7, s29  }
0xc: {  	_ =	strace $0x80000047;
	s9 =	ssub.s32 $0x2, s7;
	s12 =	smul.u32 $0x124F80, s7  }
0xd: {  	s16 =	sor.u32 $0x1C05, s16;
	s25 =	sshrl.u32 @p0 s25, $0x3;
	s11 =	sshrl.u32 s9, $0x1  }
0xe: {  	s8 =	smul.u32 $0x500, s5;
	s5 =	sadd.s32 $0x2A00, s6;
	s11 =	ssub.s32 s9, s11  }
.Ltmp0:
0xf: {  	s30 =	sadd.s32 s10, s12;
	s12 =	sshrl.u32 s12, $0x3;
	(pc) =	sbr.rel .LBB2_1-.Ltmp0, $4  }
0x10: {  	s8 =	sadd.s32 s8, s6;
	s9 =	sshrl.u32 s30, $0x3;
	s31 =	sadd.s32 s13, s12  }
0x11: {  	s11 =	smax.u32 s11, $0x1;
	s12 =	simm.s32 $0x5;
	s6 =	sadd.s32 $0x27400, s8  }
0x12: {  	s7 =	sadd.s32 $0x31400, s8;
	s8 =	sadd.s32 s10, s3;
	s9 =	sadd.s32 s13, s9  }
0x13: {  	s10 =	sadd.s32 $0x22B78, s31;
	s13 =	simm.s32 $0x80;
	s17 =	sshrl.u32 s8, $0x3  }
.LBB2_4:
0x14: {  	_ =	swait.ge [sflag:s24], $0x3C00  }
0x15: {  	[sflag:s24] =	ssyncset.done $0x0  }
0x16: {  	[sflag:s24] =	ssyncadd.s32 $0xFFFFC400  }
0x17: {  	s28 =	simm.s32 @p0 $0x5;
	[bflag:$0x0] =	sbarrier.arrive $0xFFFF  }
0x18: {  	[hbm:s10], [sflag:s16] =	dma.local @p0 [spmem:s25], $0x1E78  }
0x19: {  	_ =	swait.ge @p0 [sflag:s28], $0x1E78  }
0x1a: {  	s26 =	sadd.s32 $0x1, s26;
	[sflag:s28] =	ssyncset.done @p0 $0x0  }
0x1b: {  	p1 =	sne.s32 s26, s11;
	[sflag:s28] =	ssyncadd.s32 @p0 $0xFFFFE188;
	s28 =	sshrl.u32 @!p0 s8, $0x3  }
0x1c: {  	[hbm:s9], [sflag:s16] =	dma.local @!p0 [spmem:s28], $0x2508  }
.Ltmp1:
0x1d: {  	_ = 	snop;
	(pc) =	sbr.rel @!p1 .LBB2_5-.Ltmp1, $4  }
0x1e: {  	s28 =	simm.s32 @!p0 $0x5  }
0x1f: {  	_ =	swait.ge @!p0 [sflag:s28], $0x2508  }
0x20: {  	[sflag:s28] =	ssyncset.done @!p0 $0x0  }
0x21: {  	[sflag:s28] =	ssyncadd.s32 @!p0 $0xFFFFDAF8  }
.LBB2_1:
0x22: {  	[tilespmem:s4], [sflag:$0x5] =	stream.linear.gather [hbm4b:s6+s4], $0x2800, $0x38;
	[tilespmem:$0x1F040] =	vst v63  }
0x23: {  	_ =	swait.ge [sflag:s12], $0x2800  }
0x24: {  	[sflag:s12] =	ssyncset.done $0x0  }
0x25: {  	[sflag:s12] =	ssyncadd.s32 $0xFFFFD800  }
0x26: {  	[tilespmem:s14], [sflag:$0x1] =	stream.indirect.gather [hbm4b:s5+s13], $0x78, s4, s13, $0xb8;
	[tilespmem:$0x1F040] =	vst v63  }
0x27: {  	_ = 	snop  }
0x28: {  	[tilespmem:s15], [sflag:$0x5] =	stream.linear.gather [hbm4b:s7+s4], $0x2800, $0x38;
	[tilespmem:$0x1F040] =	vst v63  }
0x29: {  	_ =	swait.ge [sflag:s12], $0x2800  }
0x2a: {  	[sflag:s12] =	ssyncset.done $0x0  }
0x2b: {  	[sflag:s12] =	ssyncadd.s32 $0xFFFFD800  }
0x2c: {  	[spmem:s17], [sflag:s16] =	dma.local [hbm:s2], $0x2508  }
0x2d: {  	_ =	swait.ge [sflag:s12], $0x2508  }
0x2e: {  	[sflag:s12] =	ssyncset.done $0x0  }
0x2f: {  	[sflag:s12] =	ssyncadd.s32 $0xFFFFDAF8  }
0x30: {  	[bflag:$0x0] =	sbarrier.arrive $0xFFFF  }
0x31: {  	_ =	swait.ge [sflag:s18], $0x3C00  }
0x32: {  	[sflag:s18] =	ssyncset.done $0x0  }
0x33: {  	[sflag:s18] =	ssyncadd.s32 $0xFFFFC400  }
0x34: {  	[spmem:s3] =	stream.indirect.scatter.add.f32 [tilespmem:s14], [sflag:$0x3], $0x78, s15, s13, $0xb8;
	[tilespmem:$0x1F040] =	vst v63  }
0x35: {  	_ = 	snop  }
0x36: {  	[tilespmem:s19], [sflag:$0x2] =	stream.indirect.gather [hbm4b:s5+s13], $0x78, s13, s13, $0xb8;
	[tilespmem:$0x1F040] =	vst v63  }
0x37: {  	_ =	swait.ge [sflag:s20], $0x3C00  }
0x38: {  	[sflag:s20] =	ssyncset.done $0x0  }
0x39: {  	[sflag:s20] =	ssyncadd.s32 $0xFFFFC400  }
0x3a: {  	[spmem:s3] =	stream.indirect.scatter.add.f32 [tilespmem:s19], [sflag:$0x4], $0x78, s21, s13, $0xb8;
	[tilespmem:$0x1F040] =	vst v63  }
0x3b: {  	_ =	swait.ge [sflag:s22], $0x3C00  }
0x3c: {  	[sflag:s22] =	ssyncset.done $0x0  }
0x3d: {  	s28 =	simm.s32 $0xFFFF6800;
	[sflag:s22] =	ssyncadd.s32 $0xFFFFC400  }
0x3e: {  	[tilespmem:s14], [sflag:$0x1] =	stream.indirect.gather [hbm4b:s5+s13], $0x78, s23, s13, $0xb8;
	[tilespmem:$0x1F040] =	vst v63  }
.LBB2_2:
0x3f: {  	_ =	swait.ge [sflag:s18], $0x3C00  }
0x40: {  	s29 =	sshra.s32 s28, $0x2;
	[sflag:s18] =	ssyncset.done $0x0  }
0x41: {  	s30 =	sadd.s32 $0x4F00, s29;
	[sflag:s18] =	ssyncadd.s32 $0xFFFFC400  }
0x42: {  	[spmem:s3] =	stream.indirect.scatter.add.f32 [tilespmem:s14], [sflag:$0x3], $0x78, s30, s13, $0xb8;
	[tilespmem:$0x1F040] =	vst v63  }
0x43: {  	_ =	swait.ge [sflag:s24], $0x3C00  }
0x44: {  	[sflag:s24] =	ssyncset.done $0x0  }
0x45: {  	s31 =	sadd.s32 $0x2780, s29;
	[sflag:s24] =	ssyncadd.s32 $0xFFFFC400  }
0x46: {  	[tilespmem:s19], [sflag:$0x2] =	stream.indirect.gather [hbm4b:s5+s13], $0x78, s31, s13, $0xb8;
	[tilespmem:$0x1F040] =	vst v63  }
0x47: {  	_ =	swait.ge [sflag:s20], $0x3C00  }
0x48: {  	p1 =	seq.s32 s28, $0x0;
	[sflag:s20] =	ssyncset.done $0x0  }
.Ltmp2:
0x49: {  	s31 =	sadd.s32 $0x4F80, s29;
	[sflag:s20] =	ssyncadd.s32 $0xFFFFC400;
	(pc) =	sbr.rel @p1 .LBB2_4-.Ltmp2, $4  }
0x4a: {  	[spmem:s3] =	stream.indirect.scatter.add.f32 [tilespmem:s19], [sflag:$0x4], $0x78, s31, s13, $0xb8;
	[tilespmem:$0x1F040] =	vst v63  }
0x4b: {  	_ =	swait.ge [sflag:s22], $0x3C00  }
0x4c: {  	[sflag:s22] =	ssyncset.done $0x0  }
0x4d: {  	[sflag:s22] =	ssyncadd.s32 $0xFFFFC400  }
.Ltmp3:
0x4e: {  	(pc) =	sbr.rel .LBB2_2-.Ltmp3, $3  }
0x4f: {  	_ =	sdelay $0x1  }
0x50: {  	s29 =	sadd.s32 $0x2800, s29;
	s28 =	sadd.s32 $0x400, s28  }
0x51: {  	[tilespmem:s14], [sflag:$0x1] =	stream.indirect.gather [hbm4b:s5+s13], $0x78, s29, s13, $0xb8;
	[tilespmem:$0x1F040] =	vst v63  }
.LBB2_5:
0x52: {  	_ =	sfence.sel $0x180000  }
0x53: {  	[bflag:$0x0] =	sbarrier.arrive $0xFFFF  }
0x54: {  	p0 =	sne.s32 s1, $0x0;
	_ =	strace $0x90000047  }
0x55: {  	s0 =	sadd.s32 @!p0 $0x100000, s0;
	[bflag:$0x2] =	sbarrier.arrive $0xFFFF  }
0x56: {  	[sflag:s0] =	ssyncadd.tile.s32 @!p0 $0x1;
	_ =	shalt  }
.Lfunc_end2:
_tile_overlayer_lowered:
.L_overlay_start_2:
0x57: {  	(tag) =	ssettag $0x2  }
0x58: {  	s0 =	rddreg [dreg:$0x0];
	s2 =	stileid.u32  }
0x59: {  	s1 =	rddreg [dreg:$0x1];
	p0 =	sne.s32 s2, $0x0  }
0x5a: {  	s3 =	rddreg [dreg:$0x2];
	[bflag:$0x3] =	sbarrier.arrive $0xFFFF;
	s2 =	simm.s32 @!p0 $0x1C05  }
0x5b: {  	[timem:s3], [sflag:s2] =	dma.local @!p0 [hbm:s0], s1  }
0x5c: {  	s0 =	simm.s32 @!p0 $0x5  }
0x5d: {  	_ =	swait.ge @!p0 [sflag:s0], s1  }
0x5e: {  	s1 =	ssub.s32 @!p0 $0x0, s1;
	[sflag:s0] =	ssyncset.done @!p0 $0x0  }
0x5f: {  	[sflag:s0] =	ssyncadd.s32 @!p0 s1  }
0x60: {  	[bflag:$0x3] =	sbarrier.arrive $0xFFFF  }
0x61: {  	_ =	shalt  }

// kernel: kernel.18.cloned.1.call-start
scs
__scs_entry_jumppad:
0x0: {  	(pc) =	sbr.rel $0x88, $3  }
0x1: {  	(tag) =	ssettag $0x0;
	lr =	simm.s32 $0x1  }
0x2: {  	[smem:$0x3F99] =	sst lr;
	_ =	strace $0xD0000000  }
0x3: {  	_ = 	snop  }
0x4: {  	_ = 	snop  }
0x5: {  	_ = 	snop  }
0x6: {  	_ = 	snop  }
0x7: {  	_ = 	snop  }
__scs_overlays_trampoline_lowered:
0x8: {  	[smem:$0x3FA8] =	sst s0  }
0x9: {  	[smem:$0x3FA9] =	sst s1  }
0xa: {  	[smem:$0x3FAA] =	sst s2  }
0xb: {  	[smem:$0x3FAB] =	sst s3  }
0xc: {  	[smem:$0x3FAC] =	sst s4  }
0xd: {  	[smem:$0x3FAD] =	sst s5  }
0xe: {  	[smem:$0x3FAE] =	sst s6  }
0xf: {  	[smem:$0x3FAF] =	sst s7  }
0x10: {  	[smem:$0x3FB0] =	sst s8  }
0x11: {  	[smem:$0x3FB1] =	sst s9;
	s0 =	simm.s32 @!p0 $0x0  }
0x12: {  	s1 =	sld [smem:$0x3F97];
	s0 =	simm.s32 @p0 $0x1  }
0x13: {  	[smem:$0x3FB2] =	sst s0;
	s0 =	simm.s32 @!p1 $0x0  }
0x14: {  	s2 =	sld [smem:$0x3F96];
	s0 =	simm.s32 @p1 $0x1  }
0x15: {  	[smem:$0x3FB3] =	sst s0;
	s0 =	simm.s32 @!p2 $0x0  }
0x16: {  	s3 =	sld [smem:$0x3FDB];
	s0 =	simm.s32 @p2 $0x1  }
0x17: {  	s4 =	simm.s32 $0x1BF5;
	[smem:$0x3FB5] =	sst s0  }
0x18: {  	s0 =	sld [smem:$0x3F98];
	_ =	swait.ge [sflag:s4], $0x0  }
0x19: {  	s7 =	sld [smem:$0x3F99]  }
0x1a: {  	s8 =	sadd.s32 $0xFFFFE003, lr  }
0x1b: {  	s9 =	sadd.s32 $0xFFFFFEF7, lr;
	s5 =	simm.s32 $0xFFFFFFFF;
	p2 =	slt.u32 s8, $0xFFFFF086  }
0x1c: {  	p1 =	slt.u32 s9, $0xF7A;
	s5 =	simm.s32 @!p2 $0x0  }
0x1d: {  	s5 =	simm.s32 @p1 $0x1;
	p0 =	seq.s32 s7, s2  }
0x1e: {  	s7 =	smul.u32 @!p0 $0xF7A, s2;
	p2 =	seq.s32 @!p0 s5, $0x0  }
0x1f: {  	s9 =	smul.u32 $0xF7A, s1;
	s8 =	simm.s32 @!p0 $0x1BF5;
	p2 =	por !p2, p0  }
0x20: {  	[sflag:s8] =	ssyncset.s32 @!p0 $0xFFFFF086;
	s6 =	sadd.s32 @!p0 s3, s7;
	s7 =	simm.s32 @!p0 $0x108  }
0x21: {  	s3 =	sadd.s32 s3, s9;
	s6 =	sadd.s32 @!p0 $0x88, s6;
	s7 =	simm.s32 @p2 $0x1082  }
0x22: {  	[simem:s7], [sflag:s8] =	dma.local @!p0 [hbm:s6], $0xF7A  }
0x23: {  	s9 =	sor.u32 $0xD0000000, s2;
	s6 =	simm.s32 $0x108;
	_ =	swait.ge @!p0 [sflag:s8], $0x0  }
0x24: {  	s3 =	sadd.s32 $0x88, s3;
	s6 =	simm.s32 @!p1 $0x1082;
	[sflag:s4] =	ssyncset.s32 $0xFFFFF086  }
0x25: {  	[simem:s6], [sflag:s4] =	dma.local [hbm:s3], $0xF7A  }
0x26: {  	[smem:$0x3F99] =	sst s1;
	(tag) =	ssettag s2;
	_ =	strace s9  }
0x27: {  	s1 =	sld [smem:$0x3FA9]  }
0x28: {  	s2 =	sld [smem:$0x3FAA]  }
0x29: {  	s4 =	sld [smem:$0x3FAC]  }
0x2a: {  	p0 =	seq.s32 s5, $0x0;
	s5 =	sld [smem:$0x3FAD]  }
0x2b: {  	s6 =	sld [smem:$0x3FAE]  }
0x2c: {  	s7 =	sld [smem:$0x3FAF]  }
0x2d: {  	s3 =	simm.s32 $0x108;
	s8 =	sld [smem:$0x3FB0]  }
0x2e: {  	s3 =	simm.s32 @!p0 $0x1082;
	s9 =	sld [smem:$0x3FB1]  }
0x2f: {  	lr =	sadd.s32 s0, s3;
	s0 =	sld [smem:$0x3FA8]  }
0x30: {  	s3 =	sld [smem:$0x3FAB]  }
0x31: {  	[smem:$0x3FB4] =	sst s10  }
0x32: {  	s10 =	sld [smem:$0x3FB2];
	_ =	sdelay $0x3  }
0x33: {  	p0 =	seq.s32 s10, $0x1;
	s10 =	sld [smem:$0x3FB4];
	_ =	sdelay $0x3  }
0x34: {  	[smem:$0x3FB4] =	sst s10  }
0x35: {  	s10 =	sld [smem:$0x3FB3];
	_ =	sdelay $0x3  }
0x36: {  	p1 =	seq.s32 s10, $0x1;
	s10 =	sld [smem:$0x3FB4];
	_ =	sdelay $0x3  }
0x37: {  	[smem:$0x3FB4] =	sst s10  }
0x38: {  	s10 =	sld [smem:$0x3FB5]  }
0x39: {  	_ = 	snop;
	(pc) =	sbr.ind lr, $3  }
0x3a: {  	_ = 	snop  }
0x3b: {  	_ = 	snop  }
0x3c: {  	p2 =	seq.s32 s10, $0x1;
	s10 =	sld [smem:$0x3FB4]  }
0x3d: {  	_ =	shalt  }
0x3e: {  	_ =	shalt  }
0x3f: {  	_ =	shalt  }
0x40: {  	_ =	shalt  }
0x41: {  	_ =	shalt  }
0x42: {  	_ =	shalt  }
0x43: {  	_ =	shalt  }
0x44: {  	_ =	shalt  }
0x45: {  	_ =	shalt  }
0x46: {  	_ =	shalt  }
0x47: {  	_ =	shalt  }
0x48: {  	_ =	shalt  }
0x49: {  	_ =	shalt  }
0x4a: {  	_ =	shalt  }
0x4b: {  	_ =	shalt  }
0x4c: {  	_ =	shalt  }
0x4d: {  	_ =	shalt  }
0x4e: {  	_ =	shalt  }
0x4f: {  	_ =	shalt  }
0x50: {  	_ =	shalt  }
0x51: {  	_ =	shalt  }
0x52: {  	_ =	shalt  }
0x53: {  	_ =	shalt  }
0x54: {  	_ =	shalt  }
0x55: {  	_ =	shalt  }
0x56: {  	_ =	shalt  }
0x57: {  	_ =	shalt  }
0x58: {  	_ =	shalt  }
0x59: {  	_ =	shalt  }
0x5a: {  	_ =	shalt  }
0x5b: {  	_ =	shalt  }
0x5c: {  	_ =	shalt  }
0x5d: {  	_ =	shalt  }
0x5e: {  	_ =	shalt  }
0x5f: {  	_ =	shalt  }
0x60: {  	_ =	shalt  }
0x61: {  	_ =	shalt  }
0x62: {  	_ =	shalt  }
0x63: {  	_ =	shalt  }
0x64: {  	_ =	shalt  }
0x65: {  	_ =	shalt  }
0x66: {  	_ =	shalt  }
0x67: {  	_ =	shalt  }
0x68: {  	_ =	shalt  }
0x69: {  	_ =	shalt  }
0x6a: {  	_ =	shalt  }
0x6b: {  	_ =	shalt  }
0x6c: {  	_ =	shalt  }
0x6d: {  	_ =	shalt  }
0x6e: {  	_ =	shalt  }
0x6f: {  	_ =	shalt  }
0x70: {  	_ =	shalt  }
0x71: {  	_ =	shalt  }
0x72: {  	_ =	shalt  }
0x73: {  	_ =	shalt  }
0x74: {  	_ =	shalt  }
0x75: {  	_ =	shalt  }
0x76: {  	_ =	shalt  }
0x77: {  	_ =	shalt  }
0x78: {  	_ =	shalt  }
0x79: {  	_ =	shalt  }
0x7a: {  	_ =	shalt  }
0x7b: {  	_ =	shalt  }
0x7c: {  	_ =	shalt  }
0x7d: {  	_ =	shalt  }
0x7e: {  	_ =	shalt  }
0x7f: {  	_ =	shalt  }
0x80: {  	_ =	shalt  }
0x81: {  	_ =	shalt  }
0x82: {  	_ =	shalt  }
0x83: {  	_ =	shalt  }
0x84: {  	_ =	shalt  }
0x85: {  	_ =	shalt  }
0x86: {  	_ =	shalt  }
0x87: {  	_ =	shalt  }
.Lfunc_end0:
.L_simem_size_0:
called_computation.2_lowered:
.L_overlay_start_0:
0x88: {  	s2 =	sld [smem:$0x3FD9]  }
0x89: {  	s3 =	sld [smem:$0x3FFE];
	_ =	sdelay $0x1  }
0x8a: {  	s1 =	srdreg.scid  }
0x8b: {  	s0 =	sand.u32 $0x1, s1  }
0x8c: {  	s17 =	sshll.u32 s0, $0xA;
	s2 =	sadd.s32 s3, s2  }
0x8d: {  	s2 =	sadd.s32 s2, s17  }
0x8e: {  	[smem:$0x3FC0] =	sst s2  }
0x8f: {  	_ = 	snop  }
0x90: {  	(tm) =	ssettm $0x1  }
0x91: {  	s18 =	sld [smem:$0x3FFB];
	_ =	sdelay $0x3  }
0x92: {  	_ =	strace s18  }
0x93: {  	s2 =	sld [smem:$0x3FFC];
	_ =	sdelay $0x3  }
0x94: {  	_ =	strace s2  }
0x95: {  	s2 =	sld [smem:$0x3FFD];
	_ =	sdelay $0x3  }
0x96: {  	_ =	strace s2  }
0x97: {  	_ =	strace $0x8FFFFFFF  }
0x98: {  	s19 =	sld [smem:$0x3FDB];
	_ =	sdelay $0x1  }
0x99: {  	s20 =	simm.s32 $_scs_section_size  }
0x9a: {  	s4 =	simm.s32 $_size__tile_overlayer_lowered;
	s5 =	simm.s32 $_tile_overlayer_lowered  }
0x9b: {  	s6 =	simm.s32 $0x1BFF;
	s21 =	sshll.u32 s5, $0x1;
	s3 =	sadd.s32 s20, s19  }
0x9c: {  	s22 =	simm.s32 $0x0;
	s4 =	sshll.u32 s4, $0x1;
	s5 =	sadd.s32 s21, s3  }
0x9d: {  	[timem:s22], [sflag:s6] =	dma.local [hbm:s5], s4  }
0x9e: {  	_ =	swait.ge [sflag:s6], s4  }
0x9f: {  	s4 =	ssub.s32 $0x0, s4;
	[sflag:s6] =	ssyncset.done $0x0  }
0xa0: {  	[sflag:s6] =	ssyncadd.s32 s4;
	_ =	sdelay $0x1  }
0xa1: {  	s23 =	simm.s32 $0x1B8B  }
0xa2: {  	_ =	swait.ge [sflag:s23], $0x1  }
0xa3: {  	[sflag:s23] =	ssyncset.done $0x0  }
0xa4: {  	[sflag:s23] =	ssyncadd.s32 $0xFFFFFFFF  }
0xa5: {  	s4 =	sld [smem:$0x0]  }
0xa6: {  	s5 =	sand.u32 $0xFFFFFFFE, s1  }
0xa7: {  	p0 =	sne.s32 s1, s5  }
0xa8: {  	s5 =	sshll.u32 @p0 s5, $0xE  }
0xa9: {  	s5 =	sadd.s32 @p0 $0x11B8D, s5;
	s6 =	sshll.u32 @p0 s4, $0x11  }
0xaa: {  	s5 =	sor.u32 @p0 s6, s5  }
0xab: {  	[sflag:s5] =	ssyncadd.remote.s32 @p0 $0x1;
	_ =	sdelay $0x1  }
0xac: {  	s5 =	simm.s32 @p0 $0x1B8D  }
0xad: {  	_ =	swait.eq @p0 [sflag:s5], $0x1  }
0xae: {  	[sflag:s5] =	ssyncadd.s32 @p0 $0xFFFFFFFF  }
0xaf: {  	s6 =	sshll.u32 @!p0 s1, $0xE  }
0xb0: {  	s6 =	sor.u32 @!p0 $0x4000, s6;
	s5 =	simm.s32 @!p0 $0x1B8D  }
0xb1: {  	s4 =	sshll.u32 @!p0 s4, $0x11;
	s6 =	sadd.s32 @!p0 $0x11B8D, s6;
	_ =	swait.eq @!p0 [sflag:s5], $0x1  }
0xb2: {  	s4 =	sor.u32 @!p0 s4, s6;
	[sflag:s5] =	ssyncadd.s32 @!p0 $0xFFFFFFFF  }
0xb3: {  	s25 =	simm.s32 $0x1B8E;
	s24 =	sld [smem:$0x3FFE];
	[sflag:s4] =	ssyncadd.remote.s32 @!p0 $0x1  }
0xb4: {  	s26 =	simm.s32 $execute0_lowered;
	[smem:$0x3FD2] =	sst s25  }
0xb5: {  	s5 =	sshll.u32 s26, $0x1;
	_ =	strace $0x8000004C;
	[dreg:$0x1] =	wrdreg $0xFFFFFFFF  }
0xb6: {  	s28 =	simm.s32 $_size_execute0_lowered;
	s3 =	sadd.s32 s3, s5;
	[dreg:$0x0] =	wrdreg $0x0  }
0xb7: {  	s5 =	sshll.u32 s28, $0x1;
	[dreg:$0x2] =	wrdreg s3  }
0xb8: {  	[dreg:$0x3] =	wrdreg s5  }
0xb9: {  	[dreg:$0x4] =	wrdreg $0xC0  }
0xba: {  	_ =	task [dreg:s22], $0x5FFFF  }
0xbb: {  	[dreg:$0x1] =	wrdreg $0xFFFFFFFF  }
0xbc: {  	[dreg:$0x0] =	wrdreg $0x60  }
0xbd: {  	[dreg:$0x2] =	wrdreg s24  }
0xbe: {  	[dreg:$0x3] =	wrdreg $0x90000  }
0xbf: {  	[dreg:$0x4] =	wrdreg $0xB  }
0xc0: {  	_ =	task.clear_ibuf [dreg:s22], $0x5FFFF;
	_ =	strace $0x9000004C  }
0xc1: {  	s29 =	simm.s32 $0xB;
	_ =	strace $0x8000004E  }
0xc2: {  	_ =	swait.ge [sflag:s29], $0x1  }
0xc3: {  	[sflag:s29] =	ssyncadd.s32 $0xFFFFFFFF  }
0xc4: {  	_ =	strace $0x9000004E  }
0xc5: {  	_ =	sfence  }
0xc6: {  	s30 =	sld [smem:$0x0];
	_ =	sdelay $0x2  }
0xc7: {  	s31 =	sshll.u32 s1, $0xD;
	s1 =	sshrl.u32 s1, $0x2  }
0xc8: {  	s4 =	sand.u32 $0x4000, s31;
	s1 =	sadd.s32 s1, s30  }
0xc9: {  	s0 =	sor.u32 s4, s0;
	s1 =	sshll.u32 s1, $0x11  }
0xca: {  	s0 =	sor.u32 s1, s0  }
0xcb: {  	s0 =	sadd.s32 $0x8F2B, s0  }
0xcc: {  	[sflag:s0] =	ssyncadd.remote.s32 $0x1  }
0xcd: {  	_ =	sfence.sel $0xFFFF  }
0xce: {  	[dreg:$0x0] =	wrdreg $0xFFFFFFFF;
	(pc) =	sbr.abs _section_cstart, $3  }
0xcf: {  	[dreg:$0x1] =	wrdreg $0xFFFFFFFF  }
0xd0: {  	_ =	task.clear_ibuf [dreg:s22], $0x2FFFF;
	_ =	strace $0x9FFFFFFF  }
0xd1: {  	(tm) =	ssettm $0x7FFFFFFF  }
tec
execute0_lowered:
.L_overlay_start_1:
0x0: {  	(tag) =	ssettag $0x1  }
0x1: {  	s6 =	rddreg [dreg:$0x0];
	s1 =	srdreg.scid  }
0x2: {  	s0 =	stileid.u32;
	s2 =	rddreg [dreg:$0x1];
	s3 =	simm.s32 $0x0  }
0x3: {  	s14 =	simm.s32 $0x5000;
	s15 =	simm.s32 $0x2800;
	s18 =	simm.s32 $0x1  }
0x4: {  	s19 =	simm.s32 $0x7000;
	s20 =	simm.s32 $0x2;
	s21 =	simm.s32 $0x2880  }
0x5: {  	s22 =	simm.s32 $0x3;
	s23 =	simm.s32 $0x100;
	s24 =	simm.s32 $0x4  }
0x6: {  	s26 =	simm.s32 $0x0;
	s7 =	sand.u32 $0x1, s1;
	s1 =	rddreg [dreg:$0x2]  }
0x7: {  	s4 =	sshll.u32 s0, $0x1;
	[smem:$0x7FF] =	sst s3;
	s10 =	smul.u32 $0x9E00, s0  }
0x8: {  	s13 =	sadd.s32 $0x107400, s6;
	s25 =	sadd.s32 $0x94200, s2;
	s16 =	sshll.u32 s0, $0x6  }
0x9: {  	p0 =	seq.s32 s0, $0xF;
	s4 =	sor.u32 s7, s4;
	_ =	strace $0x8000004D  }
0xa: {  	s9 =	ssub.s32 $0x2, s7;
	s12 =	smul.u32 $0x9C400, s7;
	s16 =	sor.u32 $0x1C05, s16  }
0xb: {  	s25 =	sshrl.u32 @p0 s25, $0x3;
	s5 =	smul.u32 $0x500, s4;
	s11 =	sshrl.u32 s9, $0x1  }
0xc: {  	s4 =	sadd.s32 $0xF2600, s6;
	s11 =	ssub.s32 s9, s11;
	s30 =	sadd.s32 s10, s12  }
.Ltmp0:
0xd: {  	s12 =	sshrl.u32 s12, $0x3;
	s8 =	sadd.s32 s5, s6;
	(pc) =	sbr.rel .LBB2_1-.Ltmp0, $4  }
0xe: {  	s5 =	sadd.s32 $0x106000, s6;
	s9 =	sshrl.u32 s30, $0x3;
	s31 =	sadd.s32 s13, s12  }
0xf: {  	s11 =	smax.u32 s11, $0x1;
	s12 =	simm.s32 $0x5;
	s6 =	sadd.s32 $0x27400, s8  }
0x10: {  	s7 =	sadd.s32 $0x31400, s8;
	s8 =	sadd.s32 s10, s2;
	s9 =	sadd.s32 s13, s9  }
0x11: {  	s10 =	sadd.s32 $0x12840, s31;
	s13 =	simm.s32 $0x80;
	s17 =	sshrl.u32 s8, $0x3  }
.LBB2_4:
0x12: {  	_ =	swait.ge [sflag:s24], $0x2000  }
0x13: {  	[sflag:s24] =	ssyncset.done $0x0  }
0x14: {  	[sflag:s24] =	ssyncadd.s32 $0xFFFFE000  }
0x15: {  	s28 =	simm.s32 @p0 $0x5;
	[bflag:$0x0] =	sbarrier.arrive $0xFFFF  }
0x16: {  	[hbm:s10], [sflag:s16] =	dma.local @p0 [spmem:s25], $0x1040  }
0x17: {  	_ =	swait.ge @p0 [sflag:s28], $0x1040  }
0x18: {  	s26 =	sadd.s32 $0x1, s26;
	[sflag:s28] =	ssyncset.done @p0 $0x0  }
0x19: {  	p1 =	sne.s32 s26, s11;
	[sflag:s28] =	ssyncadd.s32 @p0 $0xFFFFEFC0;
	s28 =	sshrl.u32 @!p0 s8, $0x3  }
0x1a: {  	[hbm:s9], [sflag:s16] =	dma.local @!p0 [spmem:s28], $0x13C0  }
.Ltmp1:
0x1b: {  	_ = 	snop;
	(pc) =	sbr.rel @!p1 .LBB2_5-.Ltmp1, $4  }
0x1c: {  	s28 =	simm.s32 @!p0 $0x5  }
0x1d: {  	_ =	swait.ge @!p0 [sflag:s28], $0x13C0  }
0x1e: {  	[sflag:s28] =	ssyncset.done @!p0 $0x0  }
0x1f: {  	[sflag:s28] =	ssyncadd.s32 @!p0 $0xFFFFEC40  }
.LBB2_1:
0x20: {  	[tilespmem:s3], [sflag:$0x5] =	stream.linear.gather [hbm4b:s6+s3], $0x2800, $0x38;
	[tilespmem:$0x12E00] =	vst v63  }
0x21: {  	_ =	swait.ge [sflag:s12], $0x2800  }
0x22: {  	[sflag:s12] =	ssyncset.done $0x0  }
0x23: {  	[sflag:s12] =	ssyncadd.s32 $0xFFFFD800  }
0x24: {  	[tilespmem:s14], [sflag:$0x1] =	stream.indirect.gather [hbm4b:s4+s13], $0x40, s3, s13, $0xb8;
	[tilespmem:$0x12E00] =	vst v63  }
0x25: {  	_ = 	snop  }
0x26: {  	[tilespmem:s15], [sflag:$0x5] =	stream.linear.gather [hbm4b:s7+s3], $0x2800, $0x38;
	[tilespmem:$0x12E00] =	vst v63  }
0x27: {  	_ =	swait.ge [sflag:s12], $0x2800  }
0x28: {  	[sflag:s12] =	ssyncset.done $0x0  }
0x29: {  	[sflag:s12] =	ssyncadd.s32 $0xFFFFD800  }
0x2a: {  	[spmem:s17], [sflag:s16] =	dma.local [hbm:s5], $0x13C0  }
0x2b: {  	_ =	swait.ge [sflag:s12], $0x13C0  }
0x2c: {  	[sflag:s12] =	ssyncset.done $0x0  }
0x2d: {  	[sflag:s12] =	ssyncadd.s32 $0xFFFFEC40  }
0x2e: {  	[bflag:$0x0] =	sbarrier.arrive $0xFFFF  }
0x2f: {  	_ =	swait.ge [sflag:s18], $0x2000  }
0x30: {  	[sflag:s18] =	ssyncset.done $0x0  }
0x31: {  	[sflag:s18] =	ssyncadd.s32 $0xFFFFE000  }
0x32: {  	[spmem:s2] =	stream.indirect.scatter.add.f32 [tilespmem:s14], [sflag:$0x3], $0x40, s15, s13, $0xb8;
	[tilespmem:$0x12E00] =	vst v63  }
0x33: {  	_ = 	snop  }
0x34: {  	[tilespmem:s19], [sflag:$0x2] =	stream.indirect.gather [hbm4b:s4+s13], $0x40, s13, s13, $0xb8;
	[tilespmem:$0x12E00] =	vst v63  }
0x35: {  	_ =	swait.ge [sflag:s20], $0x2000  }
0x36: {  	[sflag:s20] =	ssyncset.done $0x0  }
0x37: {  	[sflag:s20] =	ssyncadd.s32 $0xFFFFE000  }
0x38: {  	[spmem:s2] =	stream.indirect.scatter.add.f32 [tilespmem:s19], [sflag:$0x4], $0x40, s21, s13, $0xb8;
	[tilespmem:$0x12E00] =	vst v63  }
0x39: {  	_ =	swait.ge [sflag:s22], $0x2000  }
0x3a: {  	[sflag:s22] =	ssyncset.done $0x0  }
0x3b: {  	s28 =	simm.s32 $0xFFFF6800;
	[sflag:s22] =	ssyncadd.s32 $0xFFFFE000  }
0x3c: {  	[tilespmem:s14], [sflag:$0x1] =	stream.indirect.gather [hbm4b:s4+s13], $0x40, s23, s13, $0xb8;
	[tilespmem:$0x12E00] =	vst v63  }
.LBB2_2:
0x3d: {  	_ =	swait.ge [sflag:s18], $0x2000  }
0x3e: {  	s29 =	sshra.s32 s28, $0x2;
	[sflag:s18] =	ssyncset.done $0x0  }
0x3f: {  	s30 =	sadd.s32 $0x4F00, s29;
	[sflag:s18] =	ssyncadd.s32 $0xFFFFE000  }
0x40: {  	[spmem:s2] =	stream.indirect.scatter.add.f32 [tilespmem:s14], [sflag:$0x3], $0x40, s30, s13, $0xb8;
	[tilespmem:$0x12E00] =	vst v63  }
0x41: {  	_ =	swait.ge [sflag:s24], $0x2000  }
0x42: {  	[sflag:s24] =	ssyncset.done $0x0  }
0x43: {  	s31 =	sadd.s32 $0x2780, s29;
	[sflag:s24] =	ssyncadd.s32 $0xFFFFE000  }
0x44: {  	[tilespmem:s19], [sflag:$0x2] =	stream.indirect.gather [hbm4b:s4+s13], $0x40, s31, s13, $0xb8;
	[tilespmem:$0x12E00] =	vst v63  }
0x45: {  	_ =	swait.ge [sflag:s20], $0x2000  }
0x46: {  	p1 =	seq.s32 s28, $0x0;
	[sflag:s20] =	ssyncset.done $0x0  }
.Ltmp2:
0x47: {  	s31 =	sadd.s32 $0x4F80, s29;
	[sflag:s20] =	ssyncadd.s32 $0xFFFFE000;
	(pc) =	sbr.rel @p1 .LBB2_4-.Ltmp2, $4  }
0x48: {  	[spmem:s2] =	stream.indirect.scatter.add.f32 [tilespmem:s19], [sflag:$0x4], $0x40, s31, s13, $0xb8;
	[tilespmem:$0x12E00] =	vst v63  }
0x49: {  	_ =	swait.ge [sflag:s22], $0x2000  }
0x4a: {  	[sflag:s22] =	ssyncset.done $0x0  }
0x4b: {  	[sflag:s22] =	ssyncadd.s32 $0xFFFFE000  }
.Ltmp3:
0x4c: {  	(pc) =	sbr.rel .LBB2_2-.Ltmp3, $3  }
0x4d: {  	_ =	sdelay $0x1  }
0x4e: {  	s29 =	sadd.s32 $0x2800, s29;
	s28 =	sadd.s32 $0x400, s28  }
0x4f: {  	[tilespmem:s14], [sflag:$0x1] =	stream.indirect.gather [hbm4b:s4+s13], $0x40, s29, s13, $0xb8;
	[tilespmem:$0x12E00] =	vst v63  }
.LBB2_5:
0x50: {  	_ =	sfence.sel $0x180000  }
0x51: {  	[bflag:$0x0] =	sbarrier.arrive $0xFFFF  }
0x52: {  	p0 =	sne.s32 s0, $0x0;
	_ =	strace $0x9000004D  }
0x53: {  	s0 =	sadd.s32 @!p0 $0x100000, s1;
	[bflag:$0x2] =	sbarrier.arrive $0xFFFF  }
0x54: {  	[sflag:s0] =	ssyncadd.tile.s32 @!p0 $0x1;
	_ =	shalt  }
.Lfunc_end2:
_tile_overlayer_lowered:
.L_overlay_start_2:
0x55: {  	(tag) =	ssettag $0x2  }
0x56: {  	s0 =	rddreg [dreg:$0x0];
	s2 =	stileid.u32  }
0x57: {  	s1 =	rddreg [dreg:$0x1];
	p0 =	sne.s32 s2, $0x0  }
0x58: {  	s3 =	rddreg [dreg:$0x2];
	[bflag:$0x3] =	sbarrier.arrive $0xFFFF;
	s2 =	simm.s32 @!p0 $0x1C05  }
0x59: {  	[timem:s3], [sflag:s2] =	dma.local @!p0 [hbm:s0], s1  }
0x5a: {  	s0 =	simm.s32 @!p0 $0x5  }
0x5b: {  	_ =	swait.ge @!p0 [sflag:s0], s1  }
0x5c: {  	s1 =	ssub.s32 @!p0 $0x0, s1;
	[sflag:s0] =	ssyncset.done @!p0 $0x0  }
0x5d: {  	[sflag:s0] =	ssyncadd.s32 @!p0 s1  }
0x5e: {  	[bflag:$0x3] =	sbarrier.arrive $0xFFFF  }
0x5f: {  	_ =	shalt  }

// kernel: kernel.21.cloned.1.call-start
scs
__scs_entry_jumppad:
0x0: {  	(pc) =	sbr.rel $0x88, $3  }
0x1: {  	(tag) =	ssettag $0x0;
	lr =	simm.s32 $0x1  }
0x2: {  	[smem:$0x3F99] =	sst lr;
	_ =	strace $0xD0000000  }
0x3: {  	_ = 	snop  }
0x4: {  	_ = 	snop  }
0x5: {  	_ = 	snop  }
0x6: {  	_ = 	snop  }
0x7: {  	_ = 	snop  }
__scs_overlays_trampoline_lowered:
0x8: {  	[smem:$0x3FA8] =	sst s0  }
0x9: {  	[smem:$0x3FA9] =	sst s1  }
0xa: {  	[smem:$0x3FAA] =	sst s2  }
0xb: {  	[smem:$0x3FAB] =	sst s3  }
0xc: {  	[smem:$0x3FAC] =	sst s4  }
0xd: {  	[smem:$0x3FAD] =	sst s5  }
0xe: {  	[smem:$0x3FAE] =	sst s6  }
0xf: {  	[smem:$0x3FAF] =	sst s7  }
0x10: {  	[smem:$0x3FB0] =	sst s8  }
0x11: {  	[smem:$0x3FB1] =	sst s9;
	s0 =	simm.s32 @!p0 $0x0  }
0x12: {  	s1 =	sld [smem:$0x3F97];
	s0 =	simm.s32 @p0 $0x1  }
0x13: {  	[smem:$0x3FB2] =	sst s0;
	s0 =	simm.s32 @!p1 $0x0  }
0x14: {  	s2 =	sld [smem:$0x3F96];
	s0 =	simm.s32 @p1 $0x1  }
0x15: {  	[smem:$0x3FB3] =	sst s0;
	s0 =	simm.s32 @!p2 $0x0  }
0x16: {  	s3 =	sld [smem:$0x3FDB];
	s0 =	simm.s32 @p2 $0x1  }
0x17: {  	s4 =	simm.s32 $0x1BF5;
	[smem:$0x3FB5] =	sst s0  }
0x18: {  	s0 =	sld [smem:$0x3F98];
	_ =	swait.ge [sflag:s4], $0x0  }
0x19: {  	s7 =	sld [smem:$0x3F99]  }
0x1a: {  	s8 =	sadd.s32 $0xFFFFE003, lr  }
0x1b: {  	s9 =	sadd.s32 $0xFFFFFEF7, lr;
	s5 =	simm.s32 $0xFFFFFFFF;
	p2 =	slt.u32 s8, $0xFFFFF086  }
0x1c: {  	p1 =	slt.u32 s9, $0xF7A;
	s5 =	simm.s32 @!p2 $0x0  }
0x1d: {  	s5 =	simm.s32 @p1 $0x1;
	p0 =	seq.s32 s7, s2  }
0x1e: {  	s7 =	smul.u32 @!p0 $0xF7A, s2;
	p2 =	seq.s32 @!p0 s5, $0x0  }
0x1f: {  	s9 =	smul.u32 $0xF7A, s1;
	s8 =	simm.s32 @!p0 $0x1BF5;
	p2 =	por !p2, p0  }
0x20: {  	[sflag:s8] =	ssyncset.s32 @!p0 $0xFFFFF086;
	s6 =	sadd.s32 @!p0 s3, s7;
	s7 =	simm.s32 @!p0 $0x108  }
0x21: {  	s3 =	sadd.s32 s3, s9;
	s6 =	sadd.s32 @!p0 $0x88, s6;
	s7 =	simm.s32 @p2 $0x1082  }
0x22: {  	[simem:s7], [sflag:s8] =	dma.local @!p0 [hbm:s6], $0xF7A  }
0x23: {  	s9 =	sor.u32 $0xD0000000, s2;
	s6 =	simm.s32 $0x108;
	_ =	swait.ge @!p0 [sflag:s8], $0x0  }
0x24: {  	s3 =	sadd.s32 $0x88, s3;
	s6 =	simm.s32 @!p1 $0x1082;
	[sflag:s4] =	ssyncset.s32 $0xFFFFF086  }
0x25: {  	[simem:s6], [sflag:s4] =	dma.local [hbm:s3], $0xF7A  }
0x26: {  	[smem:$0x3F99] =	sst s1;
	(tag) =	ssettag s2;
	_ =	strace s9  }
0x27: {  	s1 =	sld [smem:$0x3FA9]  }
0x28: {  	s2 =	sld [smem:$0x3FAA]  }
0x29: {  	s4 =	sld [smem:$0x3FAC]  }
0x2a: {  	p0 =	seq.s32 s5, $0x0;
	s5 =	sld [smem:$0x3FAD]  }
0x2b: {  	s6 =	sld [smem:$0x3FAE]  }
0x2c: {  	s7 =	sld [smem:$0x3FAF]  }
0x2d: {  	s3 =	simm.s32 $0x108;
	s8 =	sld [smem:$0x3FB0]  }
0x2e: {  	s3 =	simm.s32 @!p0 $0x1082;
	s9 =	sld [smem:$0x3FB1]  }
0x2f: {  	lr =	sadd.s32 s0, s3;
	s0 =	sld [smem:$0x3FA8]  }
0x30: {  	s3 =	sld [smem:$0x3FAB]  }
0x31: {  	[smem:$0x3FB4] =	sst s10  }
0x32: {  	s10 =	sld [smem:$0x3FB2];
	_ =	sdelay $0x3  }
0x33: {  	p0 =	seq.s32 s10, $0x1;
	s10 =	sld [smem:$0x3FB4];
	_ =	sdelay $0x3  }
0x34: {  	[smem:$0x3FB4] =	sst s10  }
0x35: {  	s10 =	sld [smem:$0x3FB3];
	_ =	sdelay $0x3  }
0x36: {  	p1 =	seq.s32 s10, $0x1;
	s10 =	sld [smem:$0x3FB4];
	_ =	sdelay $0x3  }
0x37: {  	[smem:$0x3FB4] =	sst s10  }
0x38: {  	s10 =	sld [smem:$0x3FB5]  }
0x39: {  	_ = 	snop;
	(pc) =	sbr.ind lr, $3  }
0x3a: {  	_ = 	snop  }
0x3b: {  	_ = 	snop  }
0x3c: {  	p2 =	seq.s32 s10, $0x1;
	s10 =	sld [smem:$0x3FB4]  }
0x3d: {  	_ =	shalt  }
0x3e: {  	_ =	shalt  }
0x3f: {  	_ =	shalt  }
0x40: {  	_ =	shalt  }
0x41: {  	_ =	shalt  }
0x42: {  	_ =	shalt  }
0x43: {  	_ =	shalt  }
0x44: {  	_ =	shalt  }
0x45: {  	_ =	shalt  }
0x46: {  	_ =	shalt  }
0x47: {  	_ =	shalt  }
0x48: {  	_ =	shalt  }
0x49: {  	_ =	shalt  }
0x4a: {  	_ =	shalt  }
0x4b: {  	_ =	shalt  }
0x4c: {  	_ =	shalt  }
0x4d: {  	_ =	shalt  }
0x4e: {  	_ =	shalt  }
0x4f: {  	_ =	shalt  }
0x50: {  	_ =	shalt  }
0x51: {  	_ =	shalt  }
0x52: {  	_ =	shalt  }
0x53: {  	_ =	shalt  }
0x54: {  	_ =	shalt  }
0x55: {  	_ =	shalt  }
0x56: {  	_ =	shalt  }
0x57: {  	_ =	shalt  }
0x58: {  	_ =	shalt  }
0x59: {  	_ =	shalt  }
0x5a: {  	_ =	shalt  }
0x5b: {  	_ =	shalt  }
0x5c: {  	_ =	shalt  }
0x5d: {  	_ =	shalt  }
0x5e: {  	_ =	shalt  }
0x5f: {  	_ =	shalt  }
0x60: {  	_ =	shalt  }
0x61: {  	_ =	shalt  }
0x62: {  	_ =	shalt  }
0x63: {  	_ =	shalt  }
0x64: {  	_ =	shalt  }
0x65: {  	_ =	shalt  }
0x66: {  	_ =	shalt  }
0x67: {  	_ =	shalt  }
0x68: {  	_ =	shalt  }
0x69: {  	_ =	shalt  }
0x6a: {  	_ =	shalt  }
0x6b: {  	_ =	shalt  }
0x6c: {  	_ =	shalt  }
0x6d: {  	_ =	shalt  }
0x6e: {  	_ =	shalt  }
0x6f: {  	_ =	shalt  }
0x70: {  	_ =	shalt  }
0x71: {  	_ =	shalt  }
0x72: {  	_ =	shalt  }
0x73: {  	_ =	shalt  }
0x74: {  	_ =	shalt  }
0x75: {  	_ =	shalt  }
0x76: {  	_ =	shalt  }
0x77: {  	_ =	shalt  }
0x78: {  	_ =	shalt  }
0x79: {  	_ =	shalt  }
0x7a: {  	_ =	shalt  }
0x7b: {  	_ =	shalt  }
0x7c: {  	_ =	shalt  }
0x7d: {  	_ =	shalt  }
0x7e: {  	_ =	shalt  }
0x7f: {  	_ =	shalt  }
0x80: {  	_ =	shalt  }
0x81: {  	_ =	shalt  }
0x82: {  	_ =	shalt  }
0x83: {  	_ =	shalt  }
0x84: {  	_ =	shalt  }
0x85: {  	_ =	shalt  }
0x86: {  	_ =	shalt  }
0x87: {  	_ =	shalt  }
.Lfunc_end0:
.L_simem_size_0:
called_computation.3_lowered:
.L_overlay_start_0:
0x88: {  	s2 =	sld [smem:$0x3FD9]  }
0x89: {  	s3 =	sld [smem:$0x3FFE];
	_ =	sdelay $0x1  }
0x8a: {  	s1 =	srdreg.scid  }
0x8b: {  	s0 =	sand.u32 $0x1, s1  }
0x8c: {  	s17 =	sshll.u32 s0, $0xA;
	s2 =	sadd.s32 s3, s2  }
0x8d: {  	s2 =	sadd.s32 s2, s17  }
0x8e: {  	[smem:$0x3FC0] =	sst s2  }
0x8f: {  	_ = 	snop  }
0x90: {  	s2 =	sld [smem:$0x3FD0];
	(tm) =	ssettm $0x1  }
0x91: {  	s18 =	sld [smem:$0x3FFB];
	_ =	sdelay $0x3  }
0x92: {  	_ =	strace s18  }
0x93: {  	s3 =	sld [smem:$0x3FFC];
	_ =	sdelay $0x3  }
0x94: {  	_ =	strace s3  }
0x95: {  	s3 =	sld [smem:$0x3FFD];
	_ =	sdelay $0x3  }
0x96: {  	_ =	strace s3  }
0x97: {  	_ =	strace $0x8FFFFFFF  }
0x98: {  	s19 =	sld [smem:$0x3FDB];
	_ =	sdelay $0x1  }
0x99: {  	s4 =	simm.s32 $_scs_section_size  }
0x9a: {  	s5 =	simm.s32 $_size__tile_overlayer_lowered;
	s6 =	simm.s32 $_tile_overlayer_lowered  }
0x9b: {  	s22 =	simm.s32 $0x1BFF;
	s21 =	sshll.u32 s6, $0x1;
	s3 =	sadd.s32 s4, s19  }
0x9c: {  	s7 =	simm.s32 $0x0;
	s20 =	sshll.u32 s5, $0x1;
	s5 =	sadd.s32 s21, s3  }
0x9d: {  	[timem:s7], [sflag:s22] =	dma.local [hbm:s5], s20  }
0x9e: {  	_ =	swait.ge [sflag:s22], s20  }
0x9f: {  	s4 =	ssub.s32 $0x0, s20;
	[sflag:s22] =	ssyncset.done $0x0  }
0xa0: {  	[sflag:s22] =	ssyncadd.s32 s4;
	_ =	sdelay $0x1  }
0xa1: {  	s23 =	simm.s32 $0x1B8B  }
0xa2: {  	_ =	swait.ge [sflag:s23], $0x1  }
0xa3: {  	[sflag:s23] =	ssyncset.done $0x0  }
0xa4: {  	s25 =	simm.s32 $0x1B8E;
	s24 =	sld [smem:$0x3FFE];
	[sflag:s23] =	ssyncadd.s32 $0xFFFFFFFF  }
0xa5: {  	s26 =	simm.s32 $execute0_lowered;
	[smem:$0x3FD2] =	sst s25  }
0xa6: {  	s5 =	sshll.u32 s26, $0x1;
	_ =	strace $0x8000004F;
	[dreg:$0x1] =	wrdreg $0xFFFFFFFF  }
0xa7: {  	s28 =	simm.s32 $_size_execute0_lowered;
	s3 =	sadd.s32 s3, s5;
	[dreg:$0x0] =	wrdreg $0x0  }
0xa8: {  	s5 =	sshll.u32 s28, $0x1;
	[dreg:$0x2] =	wrdreg s3  }
0xa9: {  	[dreg:$0x3] =	wrdreg s5  }
0xaa: {  	[dreg:$0x4] =	wrdreg $0xC0  }
0xab: {  	_ =	task [dreg:s7], $0x5FFFF  }
0xac: {  	[dreg:$0x1] =	wrdreg $0xFFFFFFFF  }
0xad: {  	[dreg:$0x0] =	wrdreg $0x60  }
0xae: {  	[dreg:$0x2] =	wrdreg s24  }
0xaf: {  	[dreg:$0x3] =	wrdreg s2  }
0xb0: {  	[dreg:$0x4] =	wrdreg $0xC8000  }
0xb1: {  	[dreg:$0x5] =	wrdreg $0x9  }
0xb2: {  	_ =	task.clear_ibuf [dreg:s7], $0x6FFFF;
	_ =	strace $0x9000004F  }
0xb3: {  	s29 =	simm.s32 $0x9;
	_ =	strace $0x80000051  }
0xb4: {  	_ =	swait.ge [sflag:s29], $0x1  }
0xb5: {  	[sflag:s29] =	ssyncadd.s32 $0xFFFFFFFF  }
0xb6: {  	_ =	strace $0x90000051  }
0xb7: {  	_ =	sfence  }
0xb8: {  	s30 =	sld [smem:$0x0];
	_ =	sdelay $0x2  }
0xb9: {  	s31 =	sshll.u32 s1, $0xD;
	s1 =	sshrl.u32 s1, $0x2  }
0xba: {  	s3 =	sand.u32 $0x4000, s31;
	s1 =	sadd.s32 s1, s30  }
0xbb: {  	s0 =	sor.u32 s3, s0;
	s1 =	sshll.u32 s1, $0x11  }
0xbc: {  	s0 =	sor.u32 s1, s0  }
0xbd: {  	s0 =	sadd.s32 $0x8F2B, s0  }
0xbe: {  	[sflag:s0] =	ssyncadd.remote.s32 $0x1  }
0xbf: {  	_ =	sfence.sel $0xFFFF  }
0xc0: {  	[dreg:$0x0] =	wrdreg $0xFFFFFFFF;
	(pc) =	sbr.abs _section_cstart, $3  }
0xc1: {  	[dreg:$0x1] =	wrdreg $0xFFFFFFFF  }
0xc2: {  	_ =	task.clear_ibuf [dreg:s7], $0x2FFFF;
	_ =	strace $0x9FFFFFFF  }
0xc3: {  	(tm) =	ssettm $0x7FFFFFFF  }
tec
execute0_lowered:
.L_overlay_start_1:
0x0: {  	(tag) =	ssettag $0x1  }
0x1: {  	s6 =	rddreg [dreg:$0x0]  }
0x2: {  	s2 =	rddreg [dreg:$0x1]  }
0x3: {  	s3 =	rddreg [dreg:$0x2]  }
0x4: {  	s0 =	rddreg [dreg:$0x3];
	s5 =	srdreg.scid  }
0x5: {  	s1 =	stileid.u32;
	s4 =	simm.s32 $0x0;
	s14 =	simm.s32 $0x5000  }
0x6: {  	s15 =	simm.s32 $0x2800;
	s18 =	simm.s32 $0x1;
	s19 =	simm.s32 $0x8C00  }
0x7: {  	s20 =	simm.s32 $0x2;
	s21 =	simm.s32 $0x2880;
	s22 =	simm.s32 $0x3  }
0x8: {  	s23 =	simm.s32 $0x100;
	s24 =	simm.s32 $0x4;
	s26 =	simm.s32 $0x0  }
0x9: {  	s7 =	sand.u32 $0x1, s5;
	s29 =	sshll.u32 s1, $0x1;
	[smem:$0x7FF] =	sst s4  }
0xa: {  	s10 =	smul.u32 $0x12840, s1;
	s13 =	sadd.s32 $0x3B400, s6;
	s25 =	sadd.s32 $0x115BC0, s3  }
0xb: {  	s16 =	sshll.u32 s1, $0x6;
	p0 =	seq.s32 s1, $0xF;
	s5 =	sor.u32 s7, s29  }
0xc: {  	_ =	strace $0x80000050;
	s9 =	ssub.s32 $0x2, s7;
	s12 =	smul.u32 $0x124F80, s7  }
0xd: {  	s16 =	sor.u32 $0x1C05, s16;
	s25 =	sshrl.u32 @p0 s25, $0x3;
	s11 =	sshrl.u32 s9, $0x1  }
0xe: {  	s8 =	smul.u32 $0x500, s5;
	s5 =	sadd.s32 $0x2A00, s6;
	s11 =	ssub.s32 s9, s11  }
.Ltmp0:
0xf: {  	s30 =	sadd.s32 s10, s12;
	s12 =	sshrl.u32 s12, $0x3;
	(pc) =	sbr.rel .LBB2_1-.Ltmp0, $4  }
0x10: {  	s8 =	sadd.s32 s8, s6;
	s9 =	sshrl.u32 s30, $0x3;
	s31 =	sadd.s32 s13, s12  }
0x11: {  	s11 =	smax.u32 s11, $0x1;
	s12 =	simm.s32 $0x5;
	s6 =	sadd.s32 $0x27400, s8  }
0x12: {  	s7 =	sadd.s32 $0x31400, s8;
	s8 =	sadd.s32 s10, s3;
	s9 =	sadd.s32 s13, s9  }
0x13: {  	s10 =	sadd.s32 $0x22B78, s31;
	s13 =	simm.s32 $0x80;
	s17 =	sshrl.u32 s8, $0x3  }
.LBB2_4:
0x14: {  	_ =	swait.ge [sflag:s24], $0x3C00  }
0x15: {  	[sflag:s24] =	ssyncset.done $0x0  }
0x16: {  	[sflag:s24] =	ssyncadd.s32 $0xFFFFC400  }
0x17: {  	s28 =	simm.s32 @p0 $0x5;
	[bflag:$0x0] =	sbarrier.arrive $0xFFFF  }
0x18: {  	[hbm:s10], [sflag:s16] =	dma.local @p0 [spmem:s25], $0x1E78  }
0x19: {  	_ =	swait.ge @p0 [sflag:s28], $0x1E78  }
0x1a: {  	s26 =	sadd.s32 $0x1, s26;
	[sflag:s28] =	ssyncset.done @p0 $0x0  }
0x1b: {  	p1 =	sne.s32 s26, s11;
	[sflag:s28] =	ssyncadd.s32 @p0 $0xFFFFE188;
	s28 =	sshrl.u32 @!p0 s8, $0x3  }
0x1c: {  	[hbm:s9], [sflag:s16] =	dma.local @!p0 [spmem:s28], $0x2508  }
.Ltmp1:
0x1d: {  	_ = 	snop;
	(pc) =	sbr.rel @!p1 .LBB2_5-.Ltmp1, $4  }
0x1e: {  	s28 =	simm.s32 @!p0 $0x5  }
0x1f: {  	_ =	swait.ge @!p0 [sflag:s28], $0x2508  }
0x20: {  	[sflag:s28] =	ssyncset.done @!p0 $0x0  }
0x21: {  	[sflag:s28] =	ssyncadd.s32 @!p0 $0xFFFFDAF8  }
.LBB2_1:
0x22: {  	[tilespmem:s4], [sflag:$0x5] =	stream.linear.gather [hbm4b:s6+s4], $0x2800, $0x38;
	[tilespmem:$0x1F040] =	vst v63  }
0x23: {  	_ =	swait.ge [sflag:s12], $0x2800  }
0x24: {  	[sflag:s12] =	ssyncset.done $0x0  }
0x25: {  	[sflag:s12] =	ssyncadd.s32 $0xFFFFD800  }
0x26: {  	[tilespmem:s14], [sflag:$0x1] =	stream.indirect.gather [hbm4b:s5+s13], $0x78, s4, s13, $0xb8;
	[tilespmem:$0x1F040] =	vst v63  }
0x27: {  	_ = 	snop  }
0x28: {  	[tilespmem:s15], [sflag:$0x5] =	stream.linear.gather [hbm4b:s7+s4], $0x2800, $0x38;
	[tilespmem:$0x1F040] =	vst v63  }
0x29: {  	_ =	swait.ge [sflag:s12], $0x2800  }
0x2a: {  	[sflag:s12] =	ssyncset.done $0x0  }
0x2b: {  	[sflag:s12] =	ssyncadd.s32 $0xFFFFD800  }
0x2c: {  	[spmem:s17], [sflag:s16] =	dma.local [hbm:s2], $0x2508  }
0x2d: {  	_ =	swait.ge [sflag:s12], $0x2508  }
0x2e: {  	[sflag:s12] =	ssyncset.done $0x0  }
0x2f: {  	[sflag:s12] =	ssyncadd.s32 $0xFFFFDAF8  }
0x30: {  	[bflag:$0x0] =	sbarrier.arrive $0xFFFF  }
0x31: {  	_ =	swait.ge [sflag:s18], $0x3C00  }
0x32: {  	[sflag:s18] =	ssyncset.done $0x0  }
0x33: {  	[sflag:s18] =	ssyncadd.s32 $0xFFFFC400  }
0x34: {  	[spmem:s3] =	stream.indirect.scatter.add.f32 [tilespmem:s14], [sflag:$0x3], $0x78, s15, s13, $0xb8;
	[tilespmem:$0x1F040] =	vst v63  }
0x35: {  	_ = 	snop  }
0x36: {  	[tilespmem:s19], [sflag:$0x2] =	stream.indirect.gather [hbm4b:s5+s13], $0x78, s13, s13, $0xb8;
	[tilespmem:$0x1F040] =	vst v63  }
0x37: {  	_ =	swait.ge [sflag:s20], $0x3C00  }
0x38: {  	[sflag:s20] =	ssyncset.done $0x0  }
0x39: {  	[sflag:s20] =	ssyncadd.s32 $0xFFFFC400  }
0x3a: {  	[spmem:s3] =	stream.indirect.scatter.add.f32 [tilespmem:s19], [sflag:$0x4], $0x78, s21, s13, $0xb8;
	[tilespmem:$0x1F040] =	vst v63  }
0x3b: {  	_ =	swait.ge [sflag:s22], $0x3C00  }
0x3c: {  	[sflag:s22] =	ssyncset.done $0x0  }
0x3d: {  	s28 =	simm.s32 $0xFFFF6800;
	[sflag:s22] =	ssyncadd.s32 $0xFFFFC400  }
0x3e: {  	[tilespmem:s14], [sflag:$0x1] =	stream.indirect.gather [hbm4b:s5+s13], $0x78, s23, s13, $0xb8;
	[tilespmem:$0x1F040] =	vst v63  }
.LBB2_2:
0x3f: {  	_ =	swait.ge [sflag:s18], $0x3C00  }
0x40: {  	s29 =	sshra.s32 s28, $0x2;
	[sflag:s18] =	ssyncset.done $0x0  }
0x41: {  	s30 =	sadd.s32 $0x4F00, s29;
	[sflag:s18] =	ssyncadd.s32 $0xFFFFC400  }
0x42: {  	[spmem:s3] =	stream.indirect.scatter.add.f32 [tilespmem:s14], [sflag:$0x3], $0x78, s30, s13, $0xb8;
	[tilespmem:$0x1F040] =	vst v63  }
0x43: {  	_ =	swait.ge [sflag:s24], $0x3C00  }
0x44: {  	[sflag:s24] =	ssyncset.done $0x0  }
0x45: {  	s31 =	sadd.s32 $0x2780, s29;
	[sflag:s24] =	ssyncadd.s32 $0xFFFFC400  }
0x46: {  	[tilespmem:s19], [sflag:$0x2] =	stream.indirect.gather [hbm4b:s5+s13], $0x78, s31, s13, $0xb8;
	[tilespmem:$0x1F040] =	vst v63  }
0x47: {  	_ =	swait.ge [sflag:s20], $0x3C00  }
0x48: {  	p1 =	seq.s32 s28, $0x0;
	[sflag:s20] =	ssyncset.done $0x0  }
.Ltmp2:
0x49: {  	s31 =	sadd.s32 $0x4F80, s29;
	[sflag:s20] =	ssyncadd.s32 $0xFFFFC400;
	(pc) =	sbr.rel @p1 .LBB2_4-.Ltmp2, $4  }
0x4a: {  	[spmem:s3] =	stream.indirect.scatter.add.f32 [tilespmem:s19], [sflag:$0x4], $0x78, s31, s13, $0xb8;
	[tilespmem:$0x1F040] =	vst v63  }
0x4b: {  	_ =	swait.ge [sflag:s22], $0x3C00  }
0x4c: {  	[sflag:s22] =	ssyncset.done $0x0  }
0x4d: {  	[sflag:s22] =	ssyncadd.s32 $0xFFFFC400  }
.Ltmp3:
0x4e: {  	(pc) =	sbr.rel .LBB2_2-.Ltmp3, $3  }
0x4f: {  	_ =	sdelay $0x1  }
0x50: {  	s29 =	sadd.s32 $0x2800, s29;
	s28 =	sadd.s32 $0x400, s28  }
0x51: {  	[tilespmem:s14], [sflag:$0x1] =	stream.indirect.gather [hbm4b:s5+s13], $0x78, s29, s13, $0xb8;
	[tilespmem:$0x1F040] =	vst v63  }
.LBB2_5:
0x52: {  	_ =	sfence.sel $0x180000  }
0x53: {  	[bflag:$0x0] =	sbarrier.arrive $0xFFFF  }
0x54: {  	p0 =	sne.s32 s1, $0x0;
	_ =	strace $0x90000050  }
0x55: {  	s0 =	sadd.s32 @!p0 $0x100000, s0;
	[bflag:$0x2] =	sbarrier.arrive $0xFFFF  }
0x56: {  	[sflag:s0] =	ssyncadd.tile.s32 @!p0 $0x1;
	_ =	shalt  }
.Lfunc_end2:
_tile_overlayer_lowered:
.L_overlay_start_2:
0x57: {  	(tag) =	ssettag $0x2  }
0x58: {  	s0 =	rddreg [dreg:$0x0];
	s2 =	stileid.u32  }
0x59: {  	s1 =	rddreg [dreg:$0x1];
	p0 =	sne.s32 s2, $0x0  }
0x5a: {  	s3 =	rddreg [dreg:$0x2];
	[bflag:$0x3] =	sbarrier.arrive $0xFFFF;
	s2 =	simm.s32 @!p0 $0x1C05  }
0x5b: {  	[timem:s3], [sflag:s2] =	dma.local @!p0 [hbm:s0], s1  }
0x5c: {  	s0 =	simm.s32 @!p0 $0x5  }
0x5d: {  	_ =	swait.ge @!p0 [sflag:s0], s1  }
0x5e: {  	s1 =	ssub.s32 @!p0 $0x0, s1;
	[sflag:s0] =	ssyncset.done @!p0 $0x0  }
0x5f: {  	[sflag:s0] =	ssyncadd.s32 @!p0 s1  }
0x60: {  	[bflag:$0x3] =	sbarrier.arrive $0xFFFF  }
0x61: {  	_ =	shalt  }

// kernel: kernel.24.cloned.1.call-start
scs
__scs_entry_jumppad:
0x0: {  	(pc) =	sbr.rel $0x88, $3  }
0x1: {  	(tag) =	ssettag $0x0;
	lr =	simm.s32 $0x1  }
0x2: {  	[smem:$0x3F99] =	sst lr;
	_ =	strace $0xD0000000  }
0x3: {  	_ = 	snop  }
0x4: {  	_ = 	snop  }
0x5: {  	_ = 	snop  }
0x6: {  	_ = 	snop  }
0x7: {  	_ = 	snop  }
__scs_overlays_trampoline_lowered:
0x8: {  	[smem:$0x3FA8] =	sst s0  }
0x9: {  	[smem:$0x3FA9] =	sst s1  }
0xa: {  	[smem:$0x3FAA] =	sst s2  }
0xb: {  	[smem:$0x3FAB] =	sst s3  }
0xc: {  	[smem:$0x3FAC] =	sst s4  }
0xd: {  	[smem:$0x3FAD] =	sst s5  }
0xe: {  	[smem:$0x3FAE] =	sst s6  }
0xf: {  	[smem:$0x3FAF] =	sst s7  }
0x10: {  	[smem:$0x3FB0] =	sst s8  }
0x11: {  	[smem:$0x3FB1] =	sst s9;
	s0 =	simm.s32 @!p0 $0x0  }
0x12: {  	s1 =	sld [smem:$0x3F97];
	s0 =	simm.s32 @p0 $0x1  }
0x13: {  	[smem:$0x3FB2] =	sst s0;
	s0 =	simm.s32 @!p1 $0x0  }
0x14: {  	s2 =	sld [smem:$0x3F96];
	s0 =	simm.s32 @p1 $0x1  }
0x15: {  	[smem:$0x3FB3] =	sst s0;
	s0 =	simm.s32 @!p2 $0x0  }
0x16: {  	s3 =	sld [smem:$0x3FDB];
	s0 =	simm.s32 @p2 $0x1  }
0x17: {  	s4 =	simm.s32 $0x1BF5;
	[smem:$0x3FB5] =	sst s0  }
0x18: {  	s0 =	sld [smem:$0x3F98];
	_ =	swait.ge [sflag:s4], $0x0  }
0x19: {  	s7 =	sld [smem:$0x3F99]  }
0x1a: {  	s8 =	sadd.s32 $0xFFFFE003, lr  }
0x1b: {  	s9 =	sadd.s32 $0xFFFFFEF7, lr;
	s5 =	simm.s32 $0xFFFFFFFF;
	p2 =	slt.u32 s8, $0xFFFFF086  }
0x1c: {  	p1 =	slt.u32 s9, $0xF7A;
	s5 =	simm.s32 @!p2 $0x0  }
0x1d: {  	s5 =	simm.s32 @p1 $0x1;
	p0 =	seq.s32 s7, s2  }
0x1e: {  	s7 =	smul.u32 @!p0 $0xF7A, s2;
	p2 =	seq.s32 @!p0 s5, $0x0  }
0x1f: {  	s9 =	smul.u32 $0xF7A, s1;
	s8 =	simm.s32 @!p0 $0x1BF5;
	p2 =	por !p2, p0  }
0x20: {  	[sflag:s8] =	ssyncset.s32 @!p0 $0xFFFFF086;
	s6 =	sadd.s32 @!p0 s3, s7;
	s7 =	simm.s32 @!p0 $0x108  }
0x21: {  	s3 =	sadd.s32 s3, s9;
	s6 =	sadd.s32 @!p0 $0x88, s6;
	s7 =	simm.s32 @p2 $0x1082  }
0x22: {  	[simem:s7], [sflag:s8] =	dma.local @!p0 [hbm:s6], $0xF7A  }
0x23: {  	s9 =	sor.u32 $0xD0000000, s2;
	s6 =	simm.s32 $0x108;
	_ =	swait.ge @!p0 [sflag:s8], $0x0  }
0x24: {  	s3 =	sadd.s32 $0x88, s3;
	s6 =	simm.s32 @!p1 $0x1082;
	[sflag:s4] =	ssyncset.s32 $0xFFFFF086  }
0x25: {  	[simem:s6], [sflag:s4] =	dma.local [hbm:s3], $0xF7A  }
0x26: {  	[smem:$0x3F99] =	sst s1;
	(tag) =	ssettag s2;
	_ =	strace s9  }
0x27: {  	s1 =	sld [smem:$0x3FA9]  }
0x28: {  	s2 =	sld [smem:$0x3FAA]  }
0x29: {  	s4 =	sld [smem:$0x3FAC]  }
0x2a: {  	p0 =	seq.s32 s5, $0x0;
	s5 =	sld [smem:$0x3FAD]  }
0x2b: {  	s6 =	sld [smem:$0x3FAE]  }
0x2c: {  	s7 =	sld [smem:$0x3FAF]  }
0x2d: {  	s3 =	simm.s32 $0x108;
	s8 =	sld [smem:$0x3FB0]  }
0x2e: {  	s3 =	simm.s32 @!p0 $0x1082;
	s9 =	sld [smem:$0x3FB1]  }
0x2f: {  	lr =	sadd.s32 s0, s3;
	s0 =	sld [smem:$0x3FA8]  }
0x30: {  	s3 =	sld [smem:$0x3FAB]  }
0x31: {  	[smem:$0x3FB4] =	sst s10  }
0x32: {  	s10 =	sld [smem:$0x3FB2];
	_ =	sdelay $0x3  }
0x33: {  	p0 =	seq.s32 s10, $0x1;
	s10 =	sld [smem:$0x3FB4];
	_ =	sdelay $0x3  }
0x34: {  	[smem:$0x3FB4] =	sst s10  }
0x35: {  	s10 =	sld [smem:$0x3FB3];
	_ =	sdelay $0x3  }
0x36: {  	p1 =	seq.s32 s10, $0x1;
	s10 =	sld [smem:$0x3FB4];
	_ =	sdelay $0x3  }
0x37: {  	[smem:$0x3FB4] =	sst s10  }
0x38: {  	s10 =	sld [smem:$0x3FB5]  }
0x39: {  	_ = 	snop;
	(pc) =	sbr.ind lr, $3  }
0x3a: {  	_ = 	snop  }
0x3b: {  	_ = 	snop  }
0x3c: {  	p2 =	seq.s32 s10, $0x1;
	s10 =	sld [smem:$0x3FB4]  }
0x3d: {  	_ =	shalt  }
0x3e: {  	_ =	shalt  }
0x3f: {  	_ =	shalt  }
0x40: {  	_ =	shalt  }
0x41: {  	_ =	shalt  }
0x42: {  	_ =	shalt  }
0x43: {  	_ =	shalt  }
0x44: {  	_ =	shalt  }
0x45: {  	_ =	shalt  }
0x46: {  	_ =	shalt  }
0x47: {  	_ =	shalt  }
0x48: {  	_ =	shalt  }
0x49: {  	_ =	shalt  }
0x4a: {  	_ =	shalt  }
0x4b: {  	_ =	shalt  }
0x4c: {  	_ =	shalt  }
0x4d: {  	_ =	shalt  }
0x4e: {  	_ =	shalt  }
0x4f: {  	_ =	shalt  }
0x50: {  	_ =	shalt  }
0x51: {  	_ =	shalt  }
0x52: {  	_ =	shalt  }
0x53: {  	_ =	shalt  }
0x54: {  	_ =	shalt  }
0x55: {  	_ =	shalt  }
0x56: {  	_ =	shalt  }
0x57: {  	_ =	shalt  }
0x58: {  	_ =	shalt  }
0x59: {  	_ =	shalt  }
0x5a: {  	_ =	shalt  }
0x5b: {  	_ =	shalt  }
0x5c: {  	_ =	shalt  }
0x5d: {  	_ =	shalt  }
0x5e: {  	_ =	shalt  }
0x5f: {  	_ =	shalt  }
0x60: {  	_ =	shalt  }
0x61: {  	_ =	shalt  }
0x62: {  	_ =	shalt  }
0x63: {  	_ =	shalt  }
0x64: {  	_ =	shalt  }
0x65: {  	_ =	shalt  }
0x66: {  	_ =	shalt  }
0x67: {  	_ =	shalt  }
0x68: {  	_ =	shalt  }
0x69: {  	_ =	shalt  }
0x6a: {  	_ =	shalt  }
0x6b: {  	_ =	shalt  }
0x6c: {  	_ =	shalt  }
0x6d: {  	_ =	shalt  }
0x6e: {  	_ =	shalt  }
0x6f: {  	_ =	shalt  }
0x70: {  	_ =	shalt  }
0x71: {  	_ =	shalt  }
0x72: {  	_ =	shalt  }
0x73: {  	_ =	shalt  }
0x74: {  	_ =	shalt  }
0x75: {  	_ =	shalt  }
0x76: {  	_ =	shalt  }
0x77: {  	_ =	shalt  }
0x78: {  	_ =	shalt  }
0x79: {  	_ =	shalt  }
0x7a: {  	_ =	shalt  }
0x7b: {  	_ =	shalt  }
0x7c: {  	_ =	shalt  }
0x7d: {  	_ =	shalt  }
0x7e: {  	_ =	shalt  }
0x7f: {  	_ =	shalt  }
0x80: {  	_ =	shalt  }
0x81: {  	_ =	shalt  }
0x82: {  	_ =	shalt  }
0x83: {  	_ =	shalt  }
0x84: {  	_ =	shalt  }
0x85: {  	_ =	shalt  }
0x86: {  	_ =	shalt  }
0x87: {  	_ =	shalt  }
.Lfunc_end0:
.L_simem_size_0:
called_computation.4_lowered:
.L_overlay_start_0:
0x88: {  	s2 =	sld [smem:$0x3FD9]  }
0x89: {  	s3 =	sld [smem:$0x3FFE];
	_ =	sdelay $0x1  }
0x8a: {  	s1 =	srdreg.scid  }
0x8b: {  	s0 =	sand.u32 $0x1, s1  }
0x8c: {  	s17 =	sshll.u32 s0, $0xA;
	s2 =	sadd.s32 s3, s2  }
0x8d: {  	s2 =	sadd.s32 s2, s17  }
0x8e: {  	[smem:$0x3FC0] =	sst s2  }
0x8f: {  	_ = 	snop  }
0x90: {  	(tm) =	ssettm $0x1  }
0x91: {  	s18 =	sld [smem:$0x3FFB];
	_ =	sdelay $0x3  }
0x92: {  	_ =	strace s18  }
0x93: {  	s2 =	sld [smem:$0x3FFC];
	_ =	sdelay $0x3  }
0x94: {  	_ =	strace s2  }
0x95: {  	s2 =	sld [smem:$0x3FFD];
	_ =	sdelay $0x3  }
0x96: {  	_ =	strace s2  }
0x97: {  	_ =	strace $0x8FFFFFFF  }
0x98: {  	s19 =	sld [smem:$0x3FDB];
	_ =	sdelay $0x1  }
0x99: {  	s20 =	simm.s32 $_scs_section_size  }
0x9a: {  	s4 =	simm.s32 $_size__tile_overlayer_lowered;
	s5 =	simm.s32 $_tile_overlayer_lowered  }
0x9b: {  	s6 =	simm.s32 $0x1BFF;
	s21 =	sshll.u32 s5, $0x1;
	s3 =	sadd.s32 s20, s19  }
0x9c: {  	s22 =	simm.s32 $0x0;
	s4 =	sshll.u32 s4, $0x1;
	s5 =	sadd.s32 s21, s3  }
0x9d: {  	[timem:s22], [sflag:s6] =	dma.local [hbm:s5], s4  }
0x9e: {  	_ =	swait.ge [sflag:s6], s4  }
0x9f: {  	s4 =	ssub.s32 $0x0, s4;
	[sflag:s6] =	ssyncset.done $0x0  }
0xa0: {  	[sflag:s6] =	ssyncadd.s32 s4;
	_ =	sdelay $0x1  }
0xa1: {  	s23 =	simm.s32 $0x1B8B  }
0xa2: {  	_ =	swait.ge [sflag:s23], $0x1  }
0xa3: {  	[sflag:s23] =	ssyncset.done $0x0  }
0xa4: {  	[sflag:s23] =	ssyncadd.s32 $0xFFFFFFFF  }
0xa5: {  	s4 =	sld [smem:$0x0]  }
0xa6: {  	s5 =	sand.u32 $0xFFFFFFFE, s1  }
0xa7: {  	p0 =	sne.s32 s1, s5  }
0xa8: {  	s5 =	sshll.u32 @p0 s5, $0xE  }
0xa9: {  	s5 =	sadd.s32 @p0 $0x11B8D, s5;
	s6 =	sshll.u32 @p0 s4, $0x11  }
0xaa: {  	s5 =	sor.u32 @p0 s6, s5  }
0xab: {  	[sflag:s5] =	ssyncadd.remote.s32 @p0 $0x1;
	_ =	sdelay $0x1  }
0xac: {  	s5 =	simm.s32 @p0 $0x1B8D  }
0xad: {  	_ =	swait.eq @p0 [sflag:s5], $0x1  }
0xae: {  	[sflag:s5] =	ssyncadd.s32 @p0 $0xFFFFFFFF  }
0xaf: {  	s6 =	sshll.u32 @!p0 s1, $0xE  }
0xb0: {  	s6 =	sor.u32 @!p0 $0x4000, s6;
	s5 =	simm.s32 @!p0 $0x1B8D  }
0xb1: {  	s4 =	sshll.u32 @!p0 s4, $0x11;
	s6 =	sadd.s32 @!p0 $0x11B8D, s6;
	_ =	swait.eq @!p0 [sflag:s5], $0x1  }
0xb2: {  	s4 =	sor.u32 @!p0 s4, s6;
	[sflag:s5] =	ssyncadd.s32 @!p0 $0xFFFFFFFF  }
0xb3: {  	s25 =	simm.s32 $0x1B8E;
	s24 =	sld [smem:$0x3FFE];
	[sflag:s4] =	ssyncadd.remote.s32 @!p0 $0x1  }
0xb4: {  	s26 =	simm.s32 $execute0_lowered;
	[smem:$0x3FD2] =	sst s25  }
0xb5: {  	s5 =	sshll.u32 s26, $0x1;
	_ =	strace $0x80000052;
	[dreg:$0x1] =	wrdreg $0xFFFFFFFF  }
0xb6: {  	s28 =	simm.s32 $_size_execute0_lowered;
	s3 =	sadd.s32 s3, s5;
	[dreg:$0x0] =	wrdreg $0x0  }
0xb7: {  	s5 =	sshll.u32 s28, $0x1;
	[dreg:$0x2] =	wrdreg s3  }
0xb8: {  	[dreg:$0x3] =	wrdreg s5  }
0xb9: {  	[dreg:$0x4] =	wrdreg $0xC0  }
0xba: {  	_ =	task [dreg:s22], $0x5FFFF  }
0xbb: {  	[dreg:$0x1] =	wrdreg $0xFFFFFFFF  }
0xbc: {  	[dreg:$0x0] =	wrdreg $0x60  }
0xbd: {  	[dreg:$0x2] =	wrdreg s24  }
0xbe: {  	[dreg:$0x3] =	wrdreg $0xA0000  }
0xbf: {  	[dreg:$0x4] =	wrdreg $0xA  }
0xc0: {  	_ =	task.clear_ibuf [dreg:s22], $0x5FFFF;
	_ =	strace $0x90000052  }
0xc1: {  	s29 =	simm.s32 $0xA;
	_ =	strace $0x80000054  }
0xc2: {  	_ =	swait.ge [sflag:s29], $0x1  }
0xc3: {  	[sflag:s29] =	ssyncadd.s32 $0xFFFFFFFF  }
0xc4: {  	_ =	strace $0x90000054  }
0xc5: {  	_ =	sfence  }
0xc6: {  	s30 =	sld [smem:$0x0];
	_ =	sdelay $0x2  }
0xc7: {  	s31 =	sshll.u32 s1, $0xD;
	s1 =	sshrl.u32 s1, $0x2  }
0xc8: {  	s4 =	sand.u32 $0x4000, s31;
	s1 =	sadd.s32 s1, s30  }
0xc9: {  	s0 =	sor.u32 s4, s0;
	s1 =	sshll.u32 s1, $0x11  }
0xca: {  	s0 =	sor.u32 s1, s0  }
0xcb: {  	s0 =	sadd.s32 $0x8F2B, s0  }
0xcc: {  	[sflag:s0] =	ssyncadd.remote.s32 $0x1  }
0xcd: {  	_ =	sfence.sel $0xFFFF  }
0xce: {  	[dreg:$0x0] =	wrdreg $0xFFFFFFFF;
	(pc) =	sbr.abs _section_cstart, $3  }
0xcf: {  	[dreg:$0x1] =	wrdreg $0xFFFFFFFF  }
0xd0: {  	_ =	task.clear_ibuf [dreg:s22], $0x2FFFF;
	_ =	strace $0x9FFFFFFF  }
0xd1: {  	(tm) =	ssettm $0x7FFFFFFF  }
tec
execute0_lowered:
.L_overlay_start_1:
0x0: {  	(tag) =	ssettag $0x1  }
0x1: {  	s6 =	rddreg [dreg:$0x0];
	s1 =	srdreg.scid  }
0x2: {  	s0 =	stileid.u32;
	s2 =	rddreg [dreg:$0x1];
	s3 =	simm.s32 $0x0  }
0x3: {  	s14 =	simm.s32 $0x5000;
	s15 =	simm.s32 $0x2800;
	s18 =	simm.s32 $0x1  }
0x4: {  	s19 =	simm.s32 $0x7800;
	s20 =	simm.s32 $0x2;
	s21 =	simm.s32 $0x2880  }
0x5: {  	s22 =	simm.s32 $0x3;
	s23 =	simm.s32 $0x100;
	s24 =	simm.s32 $0x4  }
0x6: {  	s26 =	simm.s32 $0x0;
	s7 =	sand.u32 $0x1, s1;
	s1 =	rddreg [dreg:$0x2]  }
0x7: {  	s4 =	sshll.u32 s0, $0x1;
	[smem:$0x7FF] =	sst s3;
	s10 =	smul.u32 $0xC580, s0  }
0x8: {  	s13 =	sadd.s32 $0x9EA00, s6;
	s25 =	sadd.s32 $0xB9280, s2;
	s16 =	sshll.u32 s0, $0x6  }
0x9: {  	p0 =	seq.s32 s0, $0xF;
	s4 =	sor.u32 s7, s4;
	_ =	strace $0x80000053  }
0xa: {  	s9 =	ssub.s32 $0x2, s7;
	s12 =	smul.u32 $0xC3500, s7;
	s16 =	sor.u32 $0x1C05, s16  }
0xb: {  	s25 =	sshrl.u32 @p0 s25, $0x3;
	s5 =	smul.u32 $0x500, s4;
	s11 =	sshrl.u32 s9, $0x1  }
0xc: {  	s4 =	sadd.s32 $0x84800, s6;
	s11 =	ssub.s32 s9, s11;
	s30 =	sadd.s32 s10, s12  }
.Ltmp0:
0xd: {  	s12 =	sshrl.u32 s12, $0x3;
	s8 =	sadd.s32 s5, s6;
	(pc) =	sbr.rel .LBB2_1-.Ltmp0, $4  }
0xe: {  	s5 =	sadd.s32 $0x9D000, s6;
	s9 =	sshrl.u32 s30, $0x3;
	s31 =	sadd.s32 s13, s12  }
0xf: {  	s11 =	smax.u32 s11, $0x1;
	s12 =	simm.s32 $0x5;
	s6 =	sadd.s32 $0x27400, s8  }
0x10: {  	s7 =	sadd.s32 $0x31400, s8;
	s8 =	sadd.s32 s10, s2;
	s9 =	sadd.s32 s13, s9  }
0x11: {  	s10 =	sadd.s32 $0x17250, s31;
	s13 =	simm.s32 $0x80;
	s17 =	sshrl.u32 s8, $0x3  }
.LBB2_4:
0x12: {  	_ =	swait.ge [sflag:s24], $0x2800  }
0x13: {  	[sflag:s24] =	ssyncset.done $0x0  }
0x14: {  	[sflag:s24] =	ssyncadd.s32 $0xFFFFD800  }
0x15: {  	s28 =	simm.s32 @p0 $0x5;
	[bflag:$0x0] =	sbarrier.arrive $0xFFFF  }
0x16: {  	[hbm:s10], [sflag:s16] =	dma.local @p0 [spmem:s25], $0x1450  }
0x17: {  	_ =	swait.ge @p0 [sflag:s28], $0x1450  }
0x18: {  	s26 =	sadd.s32 $0x1, s26;
	[sflag:s28] =	ssyncset.done @p0 $0x0  }
0x19: {  	p1 =	sne.s32 s26, s11;
	[sflag:s28] =	ssyncadd.s32 @p0 $0xFFFFEBB0;
	s28 =	sshrl.u32 @!p0 s8, $0x3  }
0x1a: {  	[hbm:s9], [sflag:s16] =	dma.local @!p0 [spmem:s28], $0x18B0  }
.Ltmp1:
0x1b: {  	_ = 	snop;
	(pc) =	sbr.rel @!p1 .LBB2_5-.Ltmp1, $4  }
0x1c: {  	s28 =	simm.s32 @!p0 $0x5  }
0x1d: {  	_ =	swait.ge @!p0 [sflag:s28], $0x18B0  }
0x1e: {  	[sflag:s28] =	ssyncset.done @!p0 $0x0  }
0x1f: {  	[sflag:s28] =	ssyncadd.s32 @!p0 $0xFFFFE750  }
.LBB2_1:
0x20: {  	[tilespmem:s3], [sflag:$0x5] =	stream.linear.gather [hbm4b:s6+s3], $0x2800, $0x38;
	[tilespmem:$0x16580] =	vst v63  }
0x21: {  	_ =	swait.ge [sflag:s12], $0x2800  }
0x22: {  	[sflag:s12] =	ssyncset.done $0x0  }
0x23: {  	[sflag:s12] =	ssyncadd.s32 $0xFFFFD800  }
0x24: {  	[tilespmem:s14], [sflag:$0x1] =	stream.indirect.gather [hbm4b:s4+s13], $0x50, s3, s13, $0xb8;
	[tilespmem:$0x16580] =	vst v63  }
0x25: {  	_ = 	snop  }
0x26: {  	[tilespmem:s15], [sflag:$0x5] =	stream.linear.gather [hbm4b:s7+s3], $0x2800, $0x38;
	[tilespmem:$0x16580] =	vst v63  }
0x27: {  	_ =	swait.ge [sflag:s12], $0x2800  }
0x28: {  	[sflag:s12] =	ssyncset.done $0x0  }
0x29: {  	[sflag:s12] =	ssyncadd.s32 $0xFFFFD800  }
0x2a: {  	[spmem:s17], [sflag:s16] =	dma.local [hbm:s5], $0x18B0  }
0x2b: {  	_ =	swait.ge [sflag:s12], $0x18B0  }
0x2c: {  	[sflag:s12] =	ssyncset.done $0x0  }
0x2d: {  	[sflag:s12] =	ssyncadd.s32 $0xFFFFE750  }
0x2e: {  	[bflag:$0x0] =	sbarrier.arrive $0xFFFF  }
0x2f: {  	_ =	swait.ge [sflag:s18], $0x2800  }
0x30: {  	[sflag:s18] =	ssyncset.done $0x0  }
0x31: {  	[sflag:s18] =	ssyncadd.s32 $0xFFFFD800  }
0x32: {  	[spmem:s2] =	stream.indirect.scatter.add.f32 [tilespmem:s14], [sflag:$0x3], $0x50, s15, s13, $0xb8;
	[tilespmem:$0x16580] =	vst v63  }
0x33: {  	_ = 	snop  }
0x34: {  	[tilespmem:s19], [sflag:$0x2] =	stream.indirect.gather [hbm4b:s4+s13], $0x50, s13, s13, $0xb8;
	[tilespmem:$0x16580] =	vst v63  }
0x35: {  	_ =	swait.ge [sflag:s20], $0x2800  }
0x36: {  	[sflag:s20] =	ssyncset.done $0x0  }
0x37: {  	[sflag:s20] =	ssyncadd.s32 $0xFFFFD800  }
0x38: {  	[spmem:s2] =	stream.indirect.scatter.add.f32 [tilespmem:s19], [sflag:$0x4], $0x50, s21, s13, $0xb8;
	[tilespmem:$0x16580] =	vst v63  }
0x39: {  	_ =	swait.ge [sflag:s22], $0x2800  }
0x3a: {  	[sflag:s22] =	ssyncset.done $0x0  }
0x3b: {  	s28 =	simm.s32 $0xFFFF6800;
	[sflag:s22] =	ssyncadd.s32 $0xFFFFD800  }
0x3c: {  	[tilespmem:s14], [sflag:$0x1] =	stream.indirect.gather [hbm4b:s4+s13], $0x50, s23, s13, $0xb8;
	[tilespmem:$0x16580] =	vst v63  }
.LBB2_2:
0x3d: {  	_ =	swait.ge [sflag:s18], $0x2800  }
0x3e: {  	s29 =	sshra.s32 s28, $0x2;
	[sflag:s18] =	ssyncset.done $0x0  }
0x3f: {  	s30 =	sadd.s32 $0x4F00, s29;
	[sflag:s18] =	ssyncadd.s32 $0xFFFFD800  }
0x40: {  	[spmem:s2] =	stream.indirect.scatter.add.f32 [tilespmem:s14], [sflag:$0x3], $0x50, s30, s13, $0xb8;
	[tilespmem:$0x16580] =	vst v63  }
0x41: {  	_ =	swait.ge [sflag:s24], $0x2800  }
0x42: {  	[sflag:s24] =	ssyncset.done $0x0  }
0x43: {  	s31 =	sadd.s32 $0x2780, s29;
	[sflag:s24] =	ssyncadd.s32 $0xFFFFD800  }
0x44: {  	[tilespmem:s19], [sflag:$0x2] =	stream.indirect.gather [hbm4b:s4+s13], $0x50, s31, s13, $0xb8;
	[tilespmem:$0x16580] =	vst v63  }
0x45: {  	_ =	swait.ge [sflag:s20], $0x2800  }
0x46: {  	p1 =	seq.s32 s28, $0x0;
	[sflag:s20] =	ssyncset.done $0x0  }
.Ltmp2:
0x47: {  	s31 =	sadd.s32 $0x4F80, s29;
	[sflag:s20] =	ssyncadd.s32 $0xFFFFD800;
	(pc) =	sbr.rel @p1 .LBB2_4-.Ltmp2, $4  }
0x48: {  	[spmem:s2] =	stream.indirect.scatter.add.f32 [tilespmem:s19], [sflag:$0x4], $0x50, s31, s13, $0xb8;
	[tilespmem:$0x16580] =	vst v63  }
0x49: {  	_ =	swait.ge [sflag:s22], $0x2800  }
0x4a: {  	[sflag:s22] =	ssyncset.done $0x0  }
0x4b: {  	[sflag:s22] =	ssyncadd.s32 $0xFFFFD800  }
.Ltmp3:
0x4c: {  	(pc) =	sbr.rel .LBB2_2-.Ltmp3, $3  }
0x4d: {  	_ =	sdelay $0x1  }
0x4e: {  	s29 =	sadd.s32 $0x2800, s29;
	s28 =	sadd.s32 $0x400, s28  }
0x4f: {  	[tilespmem:s14], [sflag:$0x1] =	stream.indirect.gather [hbm4b:s4+s13], $0x50, s29, s13, $0xb8;
	[tilespmem:$0x16580] =	vst v63  }
.LBB2_5:
0x50: {  	_ =	sfence.sel $0x180000  }
0x51: {  	[bflag:$0x0] =	sbarrier.arrive $0xFFFF  }
0x52: {  	p0 =	sne.s32 s0, $0x0;
	_ =	strace $0x90000053  }
0x53: {  	s0 =	sadd.s32 @!p0 $0x100000, s1;
	[bflag:$0x2] =	sbarrier.arrive $0xFFFF  }
0x54: {  	[sflag:s0] =	ssyncadd.tile.s32 @!p0 $0x1;
	_ =	shalt  }
.Lfunc_end2:
_tile_overlayer_lowered:
.L_overlay_start_2:
0x55: {  	(tag) =	ssettag $0x2  }
0x56: {  	s0 =	rddreg [dreg:$0x0];
	s2 =	stileid.u32  }
0x57: {  	s1 =	rddreg [dreg:$0x1];
	p0 =	sne.s32 s2, $0x0  }
0x58: {  	s3 =	rddreg [dreg:$0x2];
	[bflag:$0x3] =	sbarrier.arrive $0xFFFF;
	s2 =	simm.s32 @!p0 $0x1C05  }
0x59: {  	[timem:s3], [sflag:s2] =	dma.local @!p0 [hbm:s0], s1  }
0x5a: {  	s0 =	simm.s32 @!p0 $0x5  }
0x5b: {  	_ =	swait.ge @!p0 [sflag:s0], s1  }
0x5c: {  	s1 =	ssub.s32 @!p0 $0x0, s1;
	[sflag:s0] =	ssyncset.done @!p0 $0x0  }
0x5d: {  	[sflag:s0] =	ssyncadd.s32 @!p0 s1  }
0x5e: {  	[bflag:$0x3] =	sbarrier.arrive $0xFFFF  }
0x5f: {  	_ =	shalt  }

// kernel: kernel.27.cloned.1.call-start
scs
__scs_entry_jumppad:
0x0: {  	(pc) =	sbr.rel $0x88, $3  }
0x1: {  	(tag) =	ssettag $0x0;
	lr =	simm.s32 $0x1  }
0x2: {  	[smem:$0x3F99] =	sst lr;
	_ =	strace $0xD0000000  }
0x3: {  	_ = 	snop  }
0x4: {  	_ = 	snop  }
0x5: {  	_ = 	snop  }
0x6: {  	_ = 	snop  }
0x7: {  	_ = 	snop  }
__scs_overlays_trampoline_lowered:
0x8: {  	[smem:$0x3FA8] =	sst s0  }
0x9: {  	[smem:$0x3FA9] =	sst s1  }
0xa: {  	[smem:$0x3FAA] =	sst s2  }
0xb: {  	[smem:$0x3FAB] =	sst s3  }
0xc: {  	[smem:$0x3FAC] =	sst s4  }
0xd: {  	[smem:$0x3FAD] =	sst s5  }
0xe: {  	[smem:$0x3FAE] =	sst s6  }
0xf: {  	[smem:$0x3FAF] =	sst s7  }
0x10: {  	[smem:$0x3FB0] =	sst s8  }
0x11: {  	[smem:$0x3FB1] =	sst s9;
	s0 =	simm.s32 @!p0 $0x0  }
0x12: {  	s1 =	sld [smem:$0x3F97];
	s0 =	simm.s32 @p0 $0x1  }
0x13: {  	[smem:$0x3FB2] =	sst s0;
	s0 =	simm.s32 @!p1 $0x0  }
0x14: {  	s2 =	sld [smem:$0x3F96];
	s0 =	simm.s32 @p1 $0x1  }
0x15: {  	[smem:$0x3FB3] =	sst s0;
	s0 =	simm.s32 @!p2 $0x0  }
0x16: {  	s3 =	sld [smem:$0x3FDB];
	s0 =	simm.s32 @p2 $0x1  }
0x17: {  	s4 =	simm.s32 $0x1BF5;
	[smem:$0x3FB5] =	sst s0  }
0x18: {  	s0 =	sld [smem:$0x3F98];
	_ =	swait.ge [sflag:s4], $0x0  }
0x19: {  	s7 =	sld [smem:$0x3F99]  }
0x1a: {  	s8 =	sadd.s32 $0xFFFFE003, lr  }
0x1b: {  	s9 =	sadd.s32 $0xFFFFFEF7, lr;
	s5 =	simm.s32 $0xFFFFFFFF;
	p2 =	slt.u32 s8, $0xFFFFF086  }
0x1c: {  	p1 =	slt.u32 s9, $0xF7A;
	s5 =	simm.s32 @!p2 $0x0  }
0x1d: {  	s5 =	simm.s32 @p1 $0x1;
	p0 =	seq.s32 s7, s2  }
0x1e: {  	s7 =	smul.u32 @!p0 $0xF7A, s2;
	p2 =	seq.s32 @!p0 s5, $0x0  }
0x1f: {  	s9 =	smul.u32 $0xF7A, s1;
	s8 =	simm.s32 @!p0 $0x1BF5;
	p2 =	por !p2, p0  }
0x20: {  	[sflag:s8] =	ssyncset.s32 @!p0 $0xFFFFF086;
	s6 =	sadd.s32 @!p0 s3, s7;
	s7 =	simm.s32 @!p0 $0x108  }
0x21: {  	s3 =	sadd.s32 s3, s9;
	s6 =	sadd.s32 @!p0 $0x88, s6;
	s7 =	simm.s32 @p2 $0x1082  }
0x22: {  	[simem:s7], [sflag:s8] =	dma.local @!p0 [hbm:s6], $0xF7A  }
0x23: {  	s9 =	sor.u32 $0xD0000000, s2;
	s6 =	simm.s32 $0x108;
	_ =	swait.ge @!p0 [sflag:s8], $0x0  }
0x24: {  	s3 =	sadd.s32 $0x88, s3;
	s6 =	simm.s32 @!p1 $0x1082;
	[sflag:s4] =	ssyncset.s32 $0xFFFFF086  }
0x25: {  	[simem:s6], [sflag:s4] =	dma.local [hbm:s3], $0xF7A  }
0x26: {  	[smem:$0x3F99] =	sst s1;
	(tag) =	ssettag s2;
	_ =	strace s9  }
0x27: {  	s1 =	sld [smem:$0x3FA9]  }
0x28: {  	s2 =	sld [smem:$0x3FAA]  }
0x29: {  	s4 =	sld [smem:$0x3FAC]  }
0x2a: {  	p0 =	seq.s32 s5, $0x0;
	s5 =	sld [smem:$0x3FAD]  }
0x2b: {  	s6 =	sld [smem:$0x3FAE]  }
0x2c: {  	s7 =	sld [smem:$0x3FAF]  }
0x2d: {  	s3 =	simm.s32 $0x108;
	s8 =	sld [smem:$0x3FB0]  }
0x2e: {  	s3 =	simm.s32 @!p0 $0x1082;
	s9 =	sld [smem:$0x3FB1]  }
0x2f: {  	lr =	sadd.s32 s0, s3;
	s0 =	sld [smem:$0x3FA8]  }
0x30: {  	s3 =	sld [smem:$0x3FAB]  }
0x31: {  	[smem:$0x3FB4] =	sst s10  }
0x32: {  	s10 =	sld [smem:$0x3FB2];
	_ =	sdelay $0x3  }
0x33: {  	p0 =	seq.s32 s10, $0x1;
	s10 =	sld [smem:$0x3FB4];
	_ =	sdelay $0x3  }
0x34: {  	[smem:$0x3FB4] =	sst s10  }
0x35: {  	s10 =	sld [smem:$0x3FB3];
	_ =	sdelay $0x3  }
0x36: {  	p1 =	seq.s32 s10, $0x1;
	s10 =	sld [smem:$0x3FB4];
	_ =	sdelay $0x3  }
0x37: {  	[smem:$0x3FB4] =	sst s10  }
0x38: {  	s10 =	sld [smem:$0x3FB5]  }
0x39: {  	_ = 	snop;
	(pc) =	sbr.ind lr, $3  }
0x3a: {  	_ = 	snop  }
0x3b: {  	_ = 	snop  }
0x3c: {  	p2 =	seq.s32 s10, $0x1;
	s10 =	sld [smem:$0x3FB4]  }
0x3d: {  	_ =	shalt  }
0x3e: {  	_ =	shalt  }
0x3f: {  	_ =	shalt  }
0x40: {  	_ =	shalt  }
0x41: {  	_ =	shalt  }
0x42: {  	_ =	shalt  }
0x43: {  	_ =	shalt  }
0x44: {  	_ =	shalt  }
0x45: {  	_ =	shalt  }
0x46: {  	_ =	shalt  }
0x47: {  	_ =	shalt  }
0x48: {  	_ =	shalt  }
0x49: {  	_ =	shalt  }
0x4a: {  	_ =	shalt  }
0x4b: {  	_ =	shalt  }
0x4c: {  	_ =	shalt  }
0x4d: {  	_ =	shalt  }
0x4e: {  	_ =	shalt  }
0x4f: {  	_ =	shalt  }
0x50: {  	_ =	shalt  }
0x51: {  	_ =	shalt  }
0x52: {  	_ =	shalt  }
0x53: {  	_ =	shalt  }
0x54: {  	_ =	shalt  }
0x55: {  	_ =	shalt  }
0x56: {  	_ =	shalt  }
0x57: {  	_ =	shalt  }
0x58: {  	_ =	shalt  }
0x59: {  	_ =	shalt  }
0x5a: {  	_ =	shalt  }
0x5b: {  	_ =	shalt  }
0x5c: {  	_ =	shalt  }
0x5d: {  	_ =	shalt  }
0x5e: {  	_ =	shalt  }
0x5f: {  	_ =	shalt  }
0x60: {  	_ =	shalt  }
0x61: {  	_ =	shalt  }
0x62: {  	_ =	shalt  }
0x63: {  	_ =	shalt  }
0x64: {  	_ =	shalt  }
0x65: {  	_ =	shalt  }
0x66: {  	_ =	shalt  }
0x67: {  	_ =	shalt  }
0x68: {  	_ =	shalt  }
0x69: {  	_ =	shalt  }
0x6a: {  	_ =	shalt  }
0x6b: {  	_ =	shalt  }
0x6c: {  	_ =	shalt  }
0x6d: {  	_ =	shalt  }
0x6e: {  	_ =	shalt  }
0x6f: {  	_ =	shalt  }
0x70: {  	_ =	shalt  }
0x71: {  	_ =	shalt  }
0x72: {  	_ =	shalt  }
0x73: {  	_ =	shalt  }
0x74: {  	_ =	shalt  }
0x75: {  	_ =	shalt  }
0x76: {  	_ =	shalt  }
0x77: {  	_ =	shalt  }
0x78: {  	_ =	shalt  }
0x79: {  	_ =	shalt  }
0x7a: {  	_ =	shalt  }
0x7b: {  	_ =	shalt  }
0x7c: {  	_ =	shalt  }
0x7d: {  	_ =	shalt  }
0x7e: {  	_ =	shalt  }
0x7f: {  	_ =	shalt  }
0x80: {  	_ =	shalt  }
0x81: {  	_ =	shalt  }
0x82: {  	_ =	shalt  }
0x83: {  	_ =	shalt  }
0x84: {  	_ =	shalt  }
0x85: {  	_ =	shalt  }
0x86: {  	_ =	shalt  }
0x87: {  	_ =	shalt  }
.Lfunc_end0:
.L_simem_size_0:
called_computation.5_lowered:
.L_overlay_start_0:
0x88: {  	s2 =	sld [smem:$0x3FD9]  }
0x89: {  	s3 =	sld [smem:$0x3FFE];
	_ =	sdelay $0x1  }
0x8a: {  	s1 =	srdreg.scid  }
0x8b: {  	s0 =	sand.u32 $0x1, s1  }
0x8c: {  	s17 =	sshll.u32 s0, $0xA;
	s2 =	sadd.s32 s3, s2  }
0x8d: {  	s2 =	sadd.s32 s2, s17  }
0x8e: {  	[smem:$0x3FC0] =	sst s2  }
0x8f: {  	_ = 	snop  }
0x90: {  	s2 =	sld [smem:$0x3FD0];
	(tm) =	ssettm $0x1  }
0x91: {  	s18 =	sld [smem:$0x3FFB];
	_ =	sdelay $0x3  }
0x92: {  	_ =	strace s18  }
0x93: {  	s3 =	sld [smem:$0x3FFC];
	_ =	sdelay $0x3  }
0x94: {  	_ =	strace s3  }
0x95: {  	s3 =	sld [smem:$0x3FFD];
	_ =	sdelay $0x3  }
0x96: {  	_ =	strace s3  }
0x97: {  	_ =	strace $0x8FFFFFFF  }
0x98: {  	s19 =	sld [smem:$0x3FDB];
	_ =	sdelay $0x1  }
0x99: {  	s4 =	simm.s32 $_scs_section_size  }
0x9a: {  	s5 =	simm.s32 $_size__tile_overlayer_lowered;
	s6 =	simm.s32 $_tile_overlayer_lowered  }
0x9b: {  	s22 =	simm.s32 $0x1BFF;
	s21 =	sshll.u32 s6, $0x1;
	s3 =	sadd.s32 s4, s19  }
0x9c: {  	s7 =	simm.s32 $0x0;
	s20 =	sshll.u32 s5, $0x1;
	s5 =	sadd.s32 s21, s3  }
0x9d: {  	[timem:s7], [sflag:s22] =	dma.local [hbm:s5], s20  }
0x9e: {  	_ =	swait.ge [sflag:s22], s20  }
0x9f: {  	s4 =	ssub.s32 $0x0, s20;
	[sflag:s22] =	ssyncset.done $0x0  }
0xa0: {  	[sflag:s22] =	ssyncadd.s32 s4;
	_ =	sdelay $0x1  }
0xa1: {  	s23 =	simm.s32 $0x1B8B  }
0xa2: {  	_ =	swait.ge [sflag:s23], $0x1  }
0xa3: {  	[sflag:s23] =	ssyncset.done $0x0  }
0xa4: {  	s25 =	simm.s32 $0x1B8E;
	s24 =	sld [smem:$0x3FFE];
	[sflag:s23] =	ssyncadd.s32 $0xFFFFFFFF  }
0xa5: {  	s26 =	simm.s32 $execute0_lowered;
	[smem:$0x3FD2] =	sst s25  }
0xa6: {  	s5 =	sshll.u32 s26, $0x1;
	_ =	strace $0x80000055;
	[dreg:$0x1] =	wrdreg $0xFFFFFFFF  }
0xa7: {  	s28 =	simm.s32 $_size_execute0_lowered;
	s3 =	sadd.s32 s3, s5;
	[dreg:$0x0] =	wrdreg $0x0  }
0xa8: {  	s5 =	sshll.u32 s28, $0x1;
	[dreg:$0x2] =	wrdreg s3  }
0xa9: {  	[dreg:$0x3] =	wrdreg s5  }
0xaa: {  	[dreg:$0x4] =	wrdreg $0xC0  }
0xab: {  	_ =	task [dreg:s7], $0x5FFFF  }
0xac: {  	[dreg:$0x1] =	wrdreg $0xFFFFFFFF  }
0xad: {  	[dreg:$0x0] =	wrdreg $0x60  }
0xae: {  	[dreg:$0x2] =	wrdreg s24  }
0xaf: {  	[dreg:$0x3] =	wrdreg s2  }
0xb0: {  	[dreg:$0x4] =	wrdreg $0x60000  }
0xb1: {  	[dreg:$0x5] =	wrdreg $0x9  }
0xb2: {  	_ =	task.clear_ibuf [dreg:s7], $0x6FFFF;
	_ =	strace $0x90000055  }
0xb3: {  	s29 =	simm.s32 $0x9;
	_ =	strace $0x80000057  }
0xb4: {  	_ =	swait.ge [sflag:s29], $0x1  }
0xb5: {  	[sflag:s29] =	ssyncadd.s32 $0xFFFFFFFF  }
0xb6: {  	_ =	strace $0x90000057  }
0xb7: {  	_ =	sfence  }
0xb8: {  	s30 =	sld [smem:$0x0];
	_ =	sdelay $0x2  }
0xb9: {  	s31 =	sshll.u32 s1, $0xD;
	s1 =	sshrl.u32 s1, $0x2  }
0xba: {  	s3 =	sand.u32 $0x4000, s31;
	s1 =	sadd.s32 s1, s30  }
0xbb: {  	s0 =	sor.u32 s3, s0;
	s1 =	sshll.u32 s1, $0x11  }
0xbc: {  	s0 =	sor.u32 s1, s0  }
0xbd: {  	s0 =	sadd.s32 $0x8F2B, s0  }
0xbe: {  	[sflag:s0] =	ssyncadd.remote.s32 $0x1  }
0xbf: {  	_ =	sfence.sel $0xFFFF  }
0xc0: {  	[dreg:$0x0] =	wrdreg $0xFFFFFFFF;
	(pc) =	sbr.abs _section_cstart, $3  }
0xc1: {  	[dreg:$0x1] =	wrdreg $0xFFFFFFFF  }
0xc2: {  	_ =	task.clear_ibuf [dreg:s7], $0x2FFFF;
	_ =	strace $0x9FFFFFFF  }
0xc3: {  	(tm) =	ssettm $0x7FFFFFFF  }
tec
execute0_lowered:
.L_overlay_start_1:
0x0: {  	(tag) =	ssettag $0x1  }
0x1: {  	s6 =	rddreg [dreg:$0x0]  }
0x2: {  	s2 =	rddreg [dreg:$0x1]  }
0x3: {  	s3 =	rddreg [dreg:$0x2]  }
0x4: {  	s0 =	rddreg [dreg:$0x3];
	s5 =	srdreg.scid  }
0x5: {  	s1 =	stileid.u32;
	s4 =	simm.s32 $0x0;
	s14 =	simm.s32 $0x5000  }
0x6: {  	s15 =	simm.s32 $0x2800;
	s18 =	simm.s32 $0x1;
	s19 =	simm.s32 $0x5800  }
0x7: {  	s20 =	simm.s32 $0x2;
	s21 =	simm.s32 $0x2880;
	s22 =	simm.s32 $0x3  }
0x8: {  	s23 =	simm.s32 $0x100;
	s24 =	simm.s32 $0x4;
	s26 =	simm.s32 $0x0  }
0x9: {  	s7 =	sand.u32 $0x1, s5;
	s29 =	sshll.u32 s1, $0x1;
	[smem:$0x7FF] =	sst s4  }
0xa: {  	s10 =	smul.u32 $0x2780, s1;
	s13 =	sadd.s32 $0x7A00, s6;
	s25 =	sadd.s32 $0x25080, s3  }
0xb: {  	s16 =	sshll.u32 s1, $0x6;
	p0 =	seq.s32 s1, $0xF;
	s5 =	sor.u32 s7, s29  }
0xc: {  	_ =	strace $0x80000056;
	s9 =	ssub.s32 $0x2, s7;
	s12 =	smul.u32 $0x27100, s7  }
0xd: {  	s16 =	sor.u32 $0x1C05, s16;
	s25 =	sshrl.u32 @p0 s25, $0x3;
	s11 =	sshrl.u32 s9, $0x1  }
0xe: {  	s8 =	smul.u32 $0x500, s5;
	s5 =	sadd.s32 $0x2A00, s6;
	s11 =	ssub.s32 s9, s11  }
.Ltmp0:
0xf: {  	s30 =	sadd.s32 s10, s12;
	s12 =	sshrl.u32 s12, $0x3;
	(pc) =	sbr.rel .LBB2_1-.Ltmp0, $4  }
0x10: {  	s8 =	sadd.s32 s8, s6;
	s9 =	sshrl.u32 s30, $0x3;
	s31 =	sadd.s32 s13, s12  }
0x11: {  	s11 =	smax.u32 s11, $0x1;
	s12 =	simm.s32 $0x5;
	s6 =	sadd.s32 $0x27400, s8  }
0x12: {  	s7 =	sadd.s32 $0x31400, s8;
	s8 =	sadd.s32 s10, s3;
	s9 =	sadd.s32 s13, s9  }
0x13: {  	s10 =	sadd.s32 $0x4A10, s31;
	s13 =	simm.s32 $0x80;
	s17 =	sshrl.u32 s8, $0x3  }
.LBB2_4:
0x14: {  	_ =	swait.ge [sflag:s24], $0x800  }
0x15: {  	[sflag:s24] =	ssyncset.done $0x0  }
0x16: {  	[sflag:s24] =	ssyncadd.s32 $0xFFFFF800  }
0x17: {  	s28 =	simm.s32 @p0 $0x5;
	[bflag:$0x0] =	sbarrier.arrive $0xFFFF  }
0x18: {  	[hbm:s10], [sflag:s16] =	dma.local @p0 [spmem:s25], $0x410  }
0x19: {  	_ =	swait.ge @p0 [sflag:s28], $0x410  }
0x1a: {  	s26 =	sadd.s32 $0x1, s26;
	[sflag:s28] =	ssyncset.done @p0 $0x0  }
0x1b: {  	p1 =	sne.s32 s26, s11;
	[sflag:s28] =	ssyncadd.s32 @p0 $0xFFFFFBF0;
	s28 =	sshrl.u32 @!p0 s8, $0x3  }
0x1c: {  	[hbm:s9], [sflag:s16] =	dma.local @!p0 [spmem:s28], $0x4F0  }
.Ltmp1:
0x1d: {  	_ = 	snop;
	(pc) =	sbr.rel @!p1 .LBB2_5-.Ltmp1, $4  }
0x1e: {  	s28 =	simm.s32 @!p0 $0x5  }
0x1f: {  	_ =	swait.ge @!p0 [sflag:s28], $0x4F0  }
0x20: {  	[sflag:s28] =	ssyncset.done @!p0 $0x0  }
0x21: {  	[sflag:s28] =	ssyncadd.s32 @!p0 $0xFFFFFB10  }
.LBB2_1:
0x22: {  	[tilespmem:s4], [sflag:$0x5] =	stream.linear.gather [hbm4b:s6+s4], $0x2800, $0x38;
	[tilespmem:$0x8780] =	vst v63  }
0x23: {  	_ =	swait.ge [sflag:s12], $0x2800  }
0x24: {  	[sflag:s12] =	ssyncset.done $0x0  }
0x25: {  	[sflag:s12] =	ssyncadd.s32 $0xFFFFD800  }
0x26: {  	[tilespmem:s14], [sflag:$0x1] =	stream.indirect.gather [hbm4b:s5+s13], $0x10, s4, s13, $0xb8;
	[tilespmem:$0x8780] =	vst v63  }
0x27: {  	_ = 	snop  }
0x28: {  	[tilespmem:s15], [sflag:$0x5] =	stream.linear.gather [hbm4b:s7+s4], $0x2800, $0x38;
	[tilespmem:$0x8780] =	vst v63  }
0x29: {  	_ =	swait.ge [sflag:s12], $0x2800  }
0x2a: {  	[sflag:s12] =	ssyncset.done $0x0  }
0x2b: {  	[sflag:s12] =	ssyncadd.s32 $0xFFFFD800  }
0x2c: {  	[spmem:s17], [sflag:s16] =	dma.local [hbm:s2], $0x4F0  }
0x2d: {  	_ =	swait.ge [sflag:s12], $0x4F0  }
0x2e: {  	[sflag:s12] =	ssyncset.done $0x0  }
0x2f: {  	[sflag:s12] =	ssyncadd.s32 $0xFFFFFB10  }
0x30: {  	[bflag:$0x0] =	sbarrier.arrive $0xFFFF  }
0x31: {  	_ =	swait.ge [sflag:s18], $0x800  }
0x32: {  	[sflag:s18] =	ssyncset.done $0x0  }
0x33: {  	[sflag:s18] =	ssyncadd.s32 $0xFFFFF800  }
0x34: {  	[spmem:s3] =	stream.indirect.scatter.add.f32 [tilespmem:s14], [sflag:$0x3], $0x10, s15, s13, $0xb8;
	[tilespmem:$0x8780] =	vst v63  }
0x35: {  	_ = 	snop  }
0x36: {  	[tilespmem:s19], [sflag:$0x2] =	stream.indirect.gather [hbm4b:s5+s13], $0x10, s13, s13, $0xb8;
	[tilespmem:$0x8780] =	vst v63  }
0x37: {  	_ =	swait.ge [sflag:s20], $0x800  }
0x38: {  	[sflag:s20] =	ssyncset.done $0x0  }
0x39: {  	[sflag:s20] =	ssyncadd.s32 $0xFFFFF800  }
0x3a: {  	[spmem:s3] =	stream.indirect.scatter.add.f32 [tilespmem:s19], [sflag:$0x4], $0x10, s21, s13, $0xb8;
	[tilespmem:$0x8780] =	vst v63  }
0x3b: {  	_ =	swait.ge [sflag:s22], $0x800  }
0x3c: {  	[sflag:s22] =	ssyncset.done $0x0  }
0x3d: {  	s28 =	simm.s32 $0xFFFF6800;
	[sflag:s22] =	ssyncadd.s32 $0xFFFFF800  }
0x3e: {  	[tilespmem:s14], [sflag:$0x1] =	stream.indirect.gather [hbm4b:s5+s13], $0x10, s23, s13, $0xb8;
	[tilespmem:$0x8780] =	vst v63  }
.LBB2_2:
0x3f: {  	_ =	swait.ge [sflag:s18], $0x800  }
0x40: {  	s29 =	sshra.s32 s28, $0x2;
	[sflag:s18] =	ssyncset.done $0x0  }
0x41: {  	s30 =	sadd.s32 $0x4F00, s29;
	[sflag:s18] =	ssyncadd.s32 $0xFFFFF800  }
0x42: {  	[spmem:s3] =	stream.indirect.scatter.add.f32 [tilespmem:s14], [sflag:$0x3], $0x10, s30, s13, $0xb8;
	[tilespmem:$0x8780] =	vst v63  }
0x43: {  	_ =	swait.ge [sflag:s24], $0x800  }
0x44: {  	[sflag:s24] =	ssyncset.done $0x0  }
0x45: {  	s31 =	sadd.s32 $0x2780, s29;
	[sflag:s24] =	ssyncadd.s32 $0xFFFFF800  }
0x46: {  	[tilespmem:s19], [sflag:$0x2] =	stream.indirect.gather [hbm4b:s5+s13], $0x10, s31, s13, $0xb8;
	[tilespmem:$0x8780] =	vst v63  }
0x47: {  	_ =	swait.ge [sflag:s20], $0x800  }
0x48: {  	p1 =	seq.s32 s28, $0x0;
	[sflag:s20] =	ssyncset.done $0x0  }
.Ltmp2:
0x49: {  	s31 =	sadd.s32 $0x4F80, s29;
	[sflag:s20] =	ssyncadd.s32 $0xFFFFF800;
	(pc) =	sbr.rel @p1 .LBB2_4-.Ltmp2, $4  }
0x4a: {  	[spmem:s3] =	stream.indirect.scatter.add.f32 [tilespmem:s19], [sflag:$0x4], $0x10, s31, s13, $0xb8;
	[tilespmem:$0x8780] =	vst v63  }
0x4b: {  	_ =	swait.ge [sflag:s22], $0x800  }
0x4c: {  	[sflag:s22] =	ssyncset.done $0x0  }
0x4d: {  	[sflag:s22] =	ssyncadd.s32 $0xFFFFF800  }
.Ltmp3:
0x4e: {  	(pc) =	sbr.rel .LBB2_2-.Ltmp3, $3  }
0x4f: {  	_ =	sdelay $0x1  }
0x50: {  	s29 =	sadd.s32 $0x2800, s29;
	s28 =	sadd.s32 $0x400, s28  }
0x51: {  	[tilespmem:s14], [sflag:$0x1] =	stream.indirect.gather [hbm4b:s5+s13], $0x10, s29, s13, $0xb8;
	[tilespmem:$0x8780] =	vst v63  }
.LBB2_5:
0x52: {  	_ =	sfence.sel $0x180000  }
0x53: {  	[bflag:$0x0] =	sbarrier.arrive $0xFFFF  }
0x54: {  	p0 =	sne.s32 s1, $0x0;
	_ =	strace $0x90000056  }
0x55: {  	s0 =	sadd.s32 @!p0 $0x100000, s0;
	[bflag:$0x2] =	sbarrier.arrive $0xFFFF  }
0x56: {  	[sflag:s0] =	ssyncadd.tile.s32 @!p0 $0x1;
	_ =	shalt  }
.Lfunc_end2:
_tile_overlayer_lowered:
.L_overlay_start_2:
0x57: {  	(tag) =	ssettag $0x2  }
0x58: {  	s0 =	rddreg [dreg:$0x0];
	s2 =	stileid.u32  }
0x59: {  	s1 =	rddreg [dreg:$0x1];
	p0 =	sne.s32 s2, $0x0  }
0x5a: {  	s3 =	rddreg [dreg:$0x2];
	[bflag:$0x3] =	sbarrier.arrive $0xFFFF;
	s2 =	simm.s32 @!p0 $0x1C05  }
0x5b: {  	[timem:s3], [sflag:s2] =	dma.local @!p0 [hbm:s0], s1  }
0x5c: {  	s0 =	simm.s32 @!p0 $0x5  }
0x5d: {  	_ =	swait.ge @!p0 [sflag:s0], s1  }
0x5e: {  	s1 =	ssub.s32 @!p0 $0x0, s1;
	[sflag:s0] =	ssyncset.done @!p0 $0x0  }
0x5f: {  	[sflag:s0] =	ssyncadd.s32 @!p0 s1  }
0x60: {  	[bflag:$0x3] =	sbarrier.arrive $0xFFFF  }
0x61: {  	_ =	shalt  }

</sc_bundles>
